<compile_context>
chip_gen: v7x
topology: tpu7x:2x2x1
jax: 0.10.2.dev20260603
libtpu: 0.0.44.dev20260713+nightly
codegen_flags: <defaults>
</compile_context>

<pallas_src>
import functools

import jax
import jax.numpy as jnp
from jax import lax
from jax.experimental import pallas as pl
from jax.experimental.pallas import tpu as pltpu
from jax.experimental.pallas import tpu_sc as plsc

_N = 4096
_P = 512
_NP = 8
_NPATCH = 64
_R = 64
_SLAB_PER_PATCH = _P // _R
_NSLAB = 2 * _SLAB_PER_PATCH
_NBIN = 256
_HPAD = 257
_NPIX = _P * _P

_MESH = plsc.VectorSubcoreMesh(core_axis_name="c", subcore_axis_name="s")


@functools.partial(
    pl.kernel,
    out_type=jax.ShapeDtypeStruct((_NPATCH, 16 * _HPAD), jnp.float32),
    mesh=_MESH,
    compiler_params=pltpu.CompilerParams(needs_layout_passes=False),
    scratch_types=[
        pltpu.VMEM((2, _R, _P), jnp.float32),
        pltpu.VMEM((16 * _HPAD,), jnp.float32),
        pltpu.SemaphoreType.DMA,
        pltpu.SemaphoreType.DMA,
    ],
)
def _sc_hist(hr_hbm, hist_out, hr_v, hist_v, sem0, sem1):
    wid = lax.axis_index("s") * 2 + lax.axis_index("c")
    lane_base = lax.iota(jnp.int32, 16) * _HPAD
    ones = jnp.ones((16,), jnp.float32)
    zeros16 = jnp.zeros((16,), jnp.float32)
    sems = (sem0, sem1)

    def src(t):
        p = wid * 2 + t // _SLAB_PER_PATCH
        r0 = (p // _NP) * _P + (t % _SLAB_PER_PATCH) * _R
        c0 = (p % _NP) * _P
        return hr_hbm.at[pl.ds(r0, _R), pl.ds(c0, _P)]

    def zero_hist():
        def zb(i, carry):
            hist_v[pl.ds(i * 16, 16)] = zeros16
            return carry
        lax.fori_loop(0, _HPAD, zb, 0)

    zero_hist()
    _U = 8
    _FLAT = _R * (_P // 16)
    _VSH = 5
    _PAIRS = _SLAB_PER_PATCH // 2

    def patch_src(p, t):
        r0 = (p // _NP) * _P + t * _R
        c0 = (p % _NP) * _P
        return hr_hbm.at[pl.ds(r0, _R), pl.ds(c0, _P)]

    for pp in range(2):
        p = wid * 2 + pp
        pltpu.async_copy(patch_src(p, 0), hr_v.at[0], sems[0])
        pltpu.async_copy(patch_src(p, 1), hr_v.at[1], sems[1])

        def pair_body(j, carry, p=p):
            for b in range(2):
                t = 2 * j + b
                pltpu.make_async_copy(patch_src(p, 0), hr_v.at[b], sems[b]).wait()

                def slab_body(i, c, b=b):
                    for u in range(_U):
                        v = i + u
                        r = v >> _VSH
                        k = v - (r << _VSH)
                        h = hr_v[b, r, pl.ds(k * 16, 16)]
                        bin_i = (h * 255.0).astype(jnp.int32)
                        plsc.addupdate_scatter(hist_v, [lane_base + bin_i], ones)
                    return c

                plsc.parallel_loop(0, _FLAT, _U, carry=jnp.int32(0))(slab_body)

                @pl.when(t + 2 < _SLAB_PER_PATCH)
                def _(p=p, t=t, b=b):
                    pltpu.async_copy(patch_src(p, t + 2), hr_v.at[b], sems[b])
            return carry

        lax.fori_loop(0, _PAIRS, pair_body, 0)
        pltpu.sync_copy(hist_v, hist_out.at[p])
        if pp == 0:
            zero_hist()


def _abs_body(sr_ref, hr_ref, out_ref):
    d = jnp.abs(sr_ref[...] - hr_ref[...])
    out_ref[...] = jnp.sum(d, axis=0).reshape(1, 1, _P)


def _tc_abs(sr, hr):
    return pl.pallas_call(
        _abs_body,
        grid=(_NPATCH,),
        in_specs=[
            pl.BlockSpec((_P, _P), lambda p: (p // _NP, p % _NP)),
            pl.BlockSpec((_P, _P), lambda p: (p // _NP, p % _NP)),
        ],
        out_specs=pl.BlockSpec((1, 1, _P), lambda p: (p, 0, 0)),
        out_shape=jax.ShapeDtypeStruct((_NPATCH, 1, _P), jnp.float32),
    )(sr, hr)


def _combine_body(hist_ref, psum_ref, out_ref):
    h = hist_ref[...]
    counts = jnp.sum(h, axis=1)[:, 0:_NBIN]
    prob = counts * (1.0 / _NPIX)
    pos = counts > 0.0
    logp = jnp.log(jnp.where(pos, prob, 1.0))
    terms = jnp.where(pos, prob * logp, 0.0) * (-1.0 / jnp.log(2.0))

    ent = jnp.sum(terms[:, 0:16], axis=1, keepdims=True)
    comp = jnp.zeros_like(ent)
    for g in range(1, 16):
        y = jnp.sum(terms[:, g * 16:(g + 1) * 16], axis=1, keepdims=True) - comp
        t = ent + y
        comp = (t - ent) - y
        ent = t

    emin = jnp.min(ent)
    emax = jnp.max(ent)
    w = (ent - emin) / emax
    s = jnp.sum(psum_ref[...], axis=1, keepdims=True)
    out_ref[...] = jnp.reshape(jnp.sum(w * s) * (1.0 / (_N * _N)), (1, 1))


def kernel(sr, hr):
    psum = _tc_abs(sr, hr)
    hist = _sc_hist(hr)
    out = pl.pallas_call(
        _combine_body,
        out_shape=jax.ShapeDtypeStruct((1, 1), jnp.float32),
    )(hist.reshape(_NPATCH, 16, _HPAD), psum.reshape(_NPATCH, _P))
    return out[0, 0]

# --- scband reference (transcript-rebuilt; emitter-appended) ---
"""Pipeline reference for scband-entrop-83880711291387 (READ-ONLY COPY).

The authoritative reference and input builder live on the scoring server;
editing this copy changes nothing except your own understanding.
"""

import jax, jax.numpy as jnp
import numpy as np


def split_patch(img, patch_num=(8, 8)):
    patch_list = []
    h, w = img.shape[-2], img.shape[-1]
    n_patch_h, n_patch_w = patch_num
    patch_size_h = h // n_patch_h
    patch_size_w = w // n_patch_w
    for i in range(n_patch_h):
        for j in range(n_patch_w):
            patch_list.append(img[..., i * patch_size_h:(i + 1) * patch_size_h, j * patch_size_w:(j + 1) * patch_size_w])
    return patch_list


def cal_entrop(patch):
    # torch's .int() cast detaches gradients; mirror with stop_gradient
    patch = jax.lax.stop_gradient(patch)
    patch_255 = (patch * 255.0).astype(jnp.int32)
    hist, _ = jnp.histogram(patch_255, bins=jnp.arange(257), density=True)
    # result = -sum_{hist[i] != 0} hist[i] * log2(hist[i])
    safe = jnp.where(hist > 0, hist, 1.0)
    result = -jnp.sum(jnp.where(hist > 0, hist * (jnp.log(safe) / jnp.log(2.0)), 0.0))
    return result


def change_patch_val(val_list, img):
    out = jnp.ones_like(img)
    n_patch_h = int(np.sqrt(len(val_list)))
    patch_size = img.shape[0] // n_patch_h
    k = 0
    for i in range(n_patch_h):
        for j in range(n_patch_h):
            out = out.at[..., i * patch_size:(i + 1) * patch_size, j * patch_size:(j + 1) * patch_size].set(val_list[k])
            k += 1
    # torch: out = (out - out.min()) / out.max()  (max evaluated on pre-shift out)
    old_min = out.min()
    old_max = out.max()
    out = (out - old_min) / old_max
    return out


def setup_inputs(seed: int = 0) -> dict:
    key = jax.random.key(seed)
    k1, k2 = jax.random.split(key)
    sr = jax.random.uniform(k1, (4096, 4096), dtype=jnp.float32)
    hr = jax.random.uniform(k2, (4096, 4096), dtype=jnp.float32)
    return {"sr": sr, "hr": hr}


def reference(sr, hr):
    if isinstance(sr, list):
        sr = sr[0]
    hr_patch = split_patch(hr)
    entrop_list = [cal_entrop(p) for p in hr_patch]
    entrop_weight = change_patch_val(entrop_list, hr)
    # nn.L1Loss(): mean absolute error
    out = jnp.mean(jnp.abs(entrop_weight * sr - entrop_weight * hr))
    return out

if __name__ == "__main__":
    import jax
    _d = setup_inputs()
    print(jax.jit(kernel)(*tuple(_d.values())))

</pallas_src>

<mosaic_0001>
#map = affine_map<(d0, d1) -> (0, 0)>
module attributes {stable_mosaic.version = 14 : i64} {
  func.func @_sc_hist(%arg0: i32, %arg1: i32, %arg2: memref<4096x4096xf32, #tpu.memory_space<hbm>>, %arg3: memref<64x4112xf32, #tpu.memory_space<hbm>>, %arg4: memref<2x64x512xf32, #tpu.memory_space<vmem>>, %arg5: memref<4112xf32, #tpu.memory_space<vmem>>, %arg6: memref<!tpu.dma_semaphore, #tpu.memory_space<semaphore_mem>>, %arg7: memref<!tpu.dma_semaphore, #tpu.memory_space<semaphore_mem>>) attributes {dimension_semantics = [#tpu.dimension_semantics<core_parallel>, #tpu.dimension_semantics<subcore_parallel>], iteration_bounds = array<i64: 2, 16>, scalar_prefetch = 0 : i64, scratch_operands = 4 : i64, tpu.core_type = #tpu.core_type<sc_vector_subcore>, window_params = [{transform_indices = #map}, {transform_indices = #map}]} {
    %mul3A = arith.constant 2 : i32
    %mul3A_0 = arith.muli %arg1, %mul3A : i32
    %add3A = arith.addi %mul3A_0, %arg0 : i32
    %iota3A = tpu.iota {dimensions = array<i32: 0>} : vector<16xi32>
    %mul3A_1 = arith.constant 257 : i32
    %mul3A_2 = vector.broadcast %mul3A_1 : i32 to vector<16xi32>
    %mul3A_3 = arith.muli %iota3A, %mul3A_2 : vector<16xi32>
    %broadcast_in_dim3A = arith.constant 1.000000e+00 : f32
    %broadcast_in_dim3A_4 = vector.broadcast %broadcast_in_dim3A : f32 to vector<16xf32>
    %broadcast_in_dim3A_5 = arith.constant 0.000000e+00 : f32
    %broadcast_in_dim3A_6 = vector.broadcast %broadcast_in_dim3A_5 : f32 to vector<16xf32>
    %scan3A = arith.constant 0 : i32
    %scan3A_7 = arith.constant 0 : i32
    %scan3A_8 = arith.constant 257 : i32
    %scan3A_9 = arith.addi %scan3A_7, %scan3A_8 : i32
    %scan3A_10 = arith.constant 1 : i32
    scf.for %scan3A_255 = %scan3A_7 to %scan3A_9 step %scan3A_10  : i32 {
      %mul3A_256 = arith.constant 16 : i32
      %mul3A_257 = arith.muli %scan3A_255, %mul3A_256 : i32
      %swap3A = arith.index_cast %mul3A_257 : i32 to index
      %swap3A_258 = tpu.vector_load %arg5[%swap3A] {strides = array<i32>} : memref<4112xf32, #tpu.memory_space<vmem>>, vector<16xf32>,
      tpu.vector_store %arg5[%swap3A], %broadcast_in_dim3A_6 {strides = array<i32>} : memref<4112xf32, #tpu.memory_space<vmem>>, vector<16xf32>,
    }
    %scan3A_11 = arith.constant 257 : i32
    %mul3A_12 = arith.constant 2 : i32
    %mul3A_13 = arith.muli %add3A, %mul3A_12 : i32
    %add3A_14 = arith.constant 0 : i32
    %add3A_15 = arith.addi %mul3A_13, %add3A_14 : i32
    %jit3A = arith.constant 8 : i32
    %div3A = arith.divsi %add3A_15, %jit3A : i32
    %sign3A = arith.constant 0 : i32
    %sign3A_16 = arith.cmpi sgt, %add3A_15, %sign3A : i32
    %sign3A_17 = arith.extui %sign3A_16 : i1 to i32
    %sign3A_18 = arith.constant 0 : i32
    %sign3A_19 = arith.cmpi slt, %add3A_15, %sign3A_18 : i32
    %sign3A_20 = arith.extui %sign3A_19 : i1 to i32
    %sign3A_21 = arith.subi %sign3A_17, %sign3A_20 : i32
    %sign3A_22 = arith.constant 0 : i32
    %sign3A_23 = arith.cmpi sgt, %jit3A, %sign3A_22 : i32
    %sign3A_24 = arith.extui %sign3A_23 : i1 to i32
    %sign3A_25 = arith.constant 0 : i32
    %sign3A_26 = arith.cmpi slt, %jit3A, %sign3A_25 : i32
    %sign3A_27 = arith.extui %sign3A_26 : i1 to i32
    %sign3A_28 = arith.subi %sign3A_24, %sign3A_27 : i32
    %ne3A = arith.cmpi ne, %sign3A_21, %sign3A_28 : i32
    %rem3A = arith.remsi %add3A_15, %jit3A : i32
    %ne3A_29 = arith.constant 0 : i32
    %ne3A_30 = arith.cmpi ne, %rem3A, %ne3A_29 : i32
    %and3A = arith.andi %ne3A, %ne3A_30 : i1
    %sub3A = arith.constant 1 : i32
    %sub3A_31 = arith.subi %div3A, %sub3A : i32
    %select_n3A = arith.select %and3A, %sub3A_31, %div3A : i32
    %mul3A_32 = arith.constant 512 : i32
    %mul3A_33 = arith.muli %select_n3A, %mul3A_32 : i32
    %add3A_34 = arith.constant 0 : i32
    %add3A_35 = arith.addi %mul3A_33, %add3A_34 : i32
    %jit3A_36 = arith.constant 8 : i32
    %eq3A = arith.constant 0 : i32
    %eq3A_37 = arith.cmpi eq, %jit3A_36, %eq3A : i32
    %jit3A_38 = arith.constant 1 : i32
    %select_n3A_39 = arith.select %eq3A_37, %jit3A_38, %jit3A_36 : i32
    %rem3A_40 = arith.remsi %add3A_15, %select_n3A_39 : i32
    %ne3A_41 = arith.constant 0 : i32
    %ne3A_42 = arith.cmpi ne, %rem3A_40, %ne3A_41 : i32
    %lt3A = arith.constant 0 : i32
    %lt3A_43 = arith.cmpi slt, %rem3A_40, %lt3A : i32
    %lt3A_44 = arith.constant 0 : i32
    %lt3A_45 = arith.cmpi slt, %select_n3A_39, %lt3A_44 : i32
    %ne3A_46 = arith.xori %lt3A_43, %lt3A_45 : i1
    %and3A_47 = arith.andi %ne3A_46, %ne3A_42 : i1
    %add3A_48 = arith.addi %rem3A_40, %select_n3A_39 : i32
    %select_n3A_49 = arith.select %and3A_47, %add3A_48, %rem3A_40 : i32
    %mul3A_50 = arith.constant 512 : i32
    %mul3A_51 = arith.muli %select_n3A_49, %mul3A_50 : i32
    %dma_start3A = arith.constant 0 : i32
    %dma_start3A_52 = arith.constant 0 : i32
    %dma_start3A_53 = arith.constant 0 : i32
    %dma_start3A_54 = tpu.memref_slice %arg4[%dma_start3A, %dma_start3A_52, %dma_start3A_53] : memref<2x64x512xf32, #tpu.memory_space<vmem>> -> memref<1x64x512xf32, #tpu.memory_space<vmem>>
    %dma_start3A_55 = tpu.memref_squeeze %dma_start3A_54 : memref<1x64x512xf32, #tpu.memory_space<vmem>> -> memref<64x512xf32, #tpu.memory_space<vmem>>
    %dma_start3A_56 = tpu.memref_slice %arg2[%add3A_35, %mul3A_51] : memref<4096x4096xf32, #tpu.memory_space<hbm>> -> memref<64x512xf32, #tpu.memory_space<hbm>>
    %dma_start3A_57 = arith.constant 0 : i32
    %dma_start3A_58 = arith.constant 0 : i32
    %dma_start3A_59 = tpu.memref_slice %arg4[%dma_start3A, %dma_start3A_57, %dma_start3A_58] : memref<2x64x512xf32, #tpu.memory_space<vmem>> -> memref<1x64x512xf32, #tpu.memory_space<vmem>>
    %dma_start3A_60 = tpu.memref_squeeze %dma_start3A_59 : memref<1x64x512xf32, #tpu.memory_space<vmem>> -> memref<64x512xf32, #tpu.memory_space<vmem>>
    %dma_start3A_61 = tpu.memref_slice %arg2[%add3A_35, %mul3A_51] : memref<4096x4096xf32, #tpu.memory_space<hbm>> -> memref<64x512xf32, #tpu.memory_space<hbm>>
    tpu.enqueue_dma source(%dma_start3A_61 : memref<64x512xf32, #tpu.memory_space<hbm>>) target(%dma_start3A_60 : memref<64x512xf32, #tpu.memory_space<vmem>>) target_semaphore(%arg6 : memref<!tpu.dma_semaphore, #tpu.memory_space<semaphore_mem>>)
    %jit3A_62 = arith.constant 8 : i32
    %div3A_63 = arith.divsi %add3A_15, %jit3A_62 : i32
    %sign3A_64 = arith.constant 0 : i32
    %sign3A_65 = arith.cmpi sgt, %add3A_15, %sign3A_64 : i32
    %sign3A_66 = arith.extui %sign3A_65 : i1 to i32
    %sign3A_67 = arith.constant 0 : i32
    %sign3A_68 = arith.cmpi slt, %add3A_15, %sign3A_67 : i32
    %sign3A_69 = arith.extui %sign3A_68 : i1 to i32
    %sign3A_70 = arith.subi %sign3A_66, %sign3A_69 : i32
    %sign3A_71 = arith.constant 0 : i32
    %sign3A_72 = arith.cmpi sgt, %jit3A_62, %sign3A_71 : i32
    %sign3A_73 = arith.extui %sign3A_72 : i1 to i32
    %sign3A_74 = arith.constant 0 : i32
    %sign3A_75 = arith.cmpi slt, %jit3A_62, %sign3A_74 : i32
    %sign3A_76 = arith.extui %sign3A_75 : i1 to i32
    %sign3A_77 = arith.subi %sign3A_73, %sign3A_76 : i32
    %ne3A_78 = arith.cmpi ne, %sign3A_70, %sign3A_77 : i32
    %rem3A_79 = arith.remsi %add3A_15, %jit3A_62 : i32
    %ne3A_80 = arith.constant 0 : i32
    %ne3A_81 = arith.cmpi ne, %rem3A_79, %ne3A_80 : i32
    %and3A_82 = arith.andi %ne3A_78, %ne3A_81 : i1
    %sub3A_83 = arith.constant 1 : i32
    %sub3A_84 = arith.subi %div3A_63, %sub3A_83 : i32
    %select_n3A_85 = arith.select %and3A_82, %sub3A_84, %div3A_63 : i32
    %mul3A_86 = arith.constant 512 : i32
    %mul3A_87 = arith.muli %select_n3A_85, %mul3A_86 : i32
    %add3A_88 = arith.constant 64 : i32
    %add3A_89 = arith.addi %mul3A_87, %add3A_88 : i32
    %jit3A_90 = arith.constant 8 : i32
    %eq3A_91 = arith.constant 0 : i32
    %eq3A_92 = arith.cmpi eq, %jit3A_90, %eq3A_91 : i32
    %jit3A_93 = arith.constant 1 : i32
    %select_n3A_94 = arith.select %eq3A_92, %jit3A_93, %jit3A_90 : i32
    %rem3A_95 = arith.remsi %add3A_15, %select_n3A_94 : i32
    %ne3A_96 = arith.constant 0 : i32
    %ne3A_97 = arith.cmpi ne, %rem3A_95, %ne3A_96 : i32
    %lt3A_98 = arith.constant 0 : i32
    %lt3A_99 = arith.cmpi slt, %rem3A_95, %lt3A_98 : i32
    %lt3A_100 = arith.constant 0 : i32
    %lt3A_101 = arith.cmpi slt, %select_n3A_94, %lt3A_100 : i32
    %ne3A_102 = arith.xori %lt3A_99, %lt3A_101 : i1
    %and3A_103 = arith.andi %ne3A_102, %ne3A_97 : i1
    %add3A_104 = arith.addi %rem3A_95, %select_n3A_94 : i32
    %select_n3A_105 = arith.select %and3A_103, %add3A_104, %rem3A_95 : i32
    %mul3A_106 = arith.constant 512 : i32
    %mul3A_107 = arith.muli %select_n3A_105, %mul3A_106 : i32
    %dma_start3A_108 = arith.constant 1 : i32
    %dma_start3A_109 = arith.constant 0 : i32
    %dma_start3A_110 = arith.constant 0 : i32
    %dma_start3A_111 = tpu.memref_slice %arg4[%dma_start3A_108, %dma_start3A_109, %dma_start3A_110] : memref<2x64x512xf32, #tpu.memory_space<vmem>> -> memref<1x64x512xf32, #tpu.memory_space<vmem>>
    %dma_start3A_112 = tpu.memref_squeeze %dma_start3A_111 : memref<1x64x512xf32, #tpu.memory_space<vmem>> -> memref<64x512xf32, #tpu.memory_space<vmem>>
    %dma_start3A_113 = tpu.memref_slice %arg2[%add3A_89, %mul3A_107] : memref<4096x4096xf32, #tpu.memory_space<hbm>> -> memref<64x512xf32, #tpu.memory_space<hbm>>
    %dma_start3A_114 = arith.constant 0 : i32
    %dma_start3A_115 = arith.constant 0 : i32
    %dma_start3A_116 = tpu.memref_slice %arg4[%dma_start3A_108, %dma_start3A_114, %dma_start3A_115] : memref<2x64x512xf32, #tpu.memory_space<vmem>> -> memref<1x64x512xf32, #tpu.memory_space<vmem>>
    %dma_start3A_117 = tpu.memref_squeeze %dma_start3A_116 : memref<1x64x512xf32, #tpu.memory_space<vmem>> -> memref<64x512xf32, #tpu.memory_space<vmem>>
    %dma_start3A_118 = tpu.memref_slice %arg2[%add3A_89, %mul3A_107] : memref<4096x4096xf32, #tpu.memory_space<hbm>> -> memref<64x512xf32, #tpu.memory_space<hbm>>
    tpu.enqueue_dma source(%dma_start3A_118 : memref<64x512xf32, #tpu.memory_space<hbm>>) target(%dma_start3A_117 : memref<64x512xf32, #tpu.memory_space<vmem>>) target_semaphore(%arg7 : memref<!tpu.dma_semaphore, #tpu.memory_space<semaphore_mem>>)
    %scan3A_119 = arith.constant 0 : i32
    %scan3A_120 = arith.constant 0 : i32
    %scan3A_121 = arith.constant 4 : i32
    %scan3A_122 = arith.addi %scan3A_120, %scan3A_121 : i32
    %scan3A_123 = arith.constant 1 : i32
    scf.for %scan3A_255 = %scan3A_120 to %scan3A_122 step %scan3A_123  : i32 {
      %mul3A_256 = arith.constant 2 : i32
      %mul3A_257 = arith.muli %mul3A_256, %scan3A_255 : i32
      %add3A_258 = arith.constant 0 : i32
      %add3A_259 = arith.addi %mul3A_257, %add3A_258 : i32
      %jit3A_260 = arith.constant 8 : i32
      %div3A_261 = arith.divsi %add3A_15, %jit3A_260 : i32
      %sign3A_262 = arith.constant 0 : i32
      %sign3A_263 = arith.cmpi sgt, %add3A_15, %sign3A_262 : i32
      %sign3A_264 = arith.extui %sign3A_263 : i1 to i32
      %sign3A_265 = arith.constant 0 : i32
      %sign3A_266 = arith.cmpi slt, %add3A_15, %sign3A_265 : i32
      %sign3A_267 = arith.extui %sign3A_266 : i1 to i32
      %sign3A_268 = arith.subi %sign3A_264, %sign3A_267 : i32
      %sign3A_269 = arith.constant 0 : i32
      %sign3A_270 = arith.cmpi sgt, %jit3A_260, %sign3A_269 : i32
      %sign3A_271 = arith.extui %sign3A_270 : i1 to i32
      %sign3A_272 = arith.constant 0 : i32
      %sign3A_273 = arith.cmpi slt, %jit3A_260, %sign3A_272 : i32
      %sign3A_274 = arith.extui %sign3A_273 : i1 to i32
      %sign3A_275 = arith.subi %sign3A_271, %sign3A_274 : i32
      %ne3A_276 = arith.cmpi ne, %sign3A_268, %sign3A_275 : i32
      %rem3A_277 = arith.remsi %add3A_15, %jit3A_260 : i32
      %ne3A_278 = arith.constant 0 : i32
      %ne3A_279 = arith.cmpi ne, %rem3A_277, %ne3A_278 : i32
      %and3A_280 = arith.andi %ne3A_276, %ne3A_279 : i1
      %sub3A_281 = arith.constant 1 : i32
      %sub3A_282 = arith.subi %div3A_261, %sub3A_281 : i32
      %select_n3A_283 = arith.select %and3A_280, %sub3A_282, %div3A_261 : i32
      %mul3A_284 = arith.constant 512 : i32
      %mul3A_285 = arith.muli %select_n3A_283, %mul3A_284 : i32
      %add3A_286 = arith.constant 0 : i32
      %add3A_287 = arith.addi %mul3A_285, %add3A_286 : i32
      %jit3A_288 = arith.constant 8 : i32
      %eq3A_289 = arith.constant 0 : i32
      %eq3A_290 = arith.cmpi eq, %jit3A_288, %eq3A_289 : i32
      %jit3A_291 = arith.constant 1 : i32
      %select_n3A_292 = arith.select %eq3A_290, %jit3A_291, %jit3A_288 : i32
      %rem3A_293 = arith.remsi %add3A_15, %select_n3A_292 : i32
      %ne3A_294 = arith.constant 0 : i32
      %ne3A_295 = arith.cmpi ne, %rem3A_293, %ne3A_294 : i32
      %lt3A_296 = arith.constant 0 : i32
      %lt3A_297 = arith.cmpi slt, %rem3A_293, %lt3A_296 : i32
      %lt3A_298 = arith.constant 0 : i32
      %lt3A_299 = arith.cmpi slt, %select_n3A_292, %lt3A_298 : i32
      %ne3A_300 = arith.xori %lt3A_297, %lt3A_299 : i1
      %and3A_301 = arith.andi %ne3A_300, %ne3A_295 : i1
      %add3A_302 = arith.addi %rem3A_293, %select_n3A_292 : i32
      %select_n3A_303 = arith.select %and3A_301, %add3A_302, %rem3A_293 : i32
      %mul3A_304 = arith.constant 512 : i32
      %mul3A_305 = arith.muli %select_n3A_303, %mul3A_304 : i32
      %dma_wait3A = arith.constant 0 : i32
      %dma_wait3A_306 = arith.constant 0 : i32
      %dma_wait3A_307 = arith.constant 0 : i32
      %dma_wait3A_308 = tpu.memref_slice %arg4[%dma_wait3A, %dma_wait3A_306, %dma_wait3A_307] : memref<2x64x512xf32, #tpu.memory_space<vmem>> -> memref<1x64x512xf32, #tpu.memory_space<vmem>>
      %dma_wait3A_309 = tpu.memref_squeeze %dma_wait3A_308 : memref<1x64x512xf32, #tpu.memory_space<vmem>> -> memref<64x512xf32, #tpu.memory_space<vmem>>
      %dma_wait3A_310 = tpu.memref_slice %arg2[%add3A_287, %mul3A_305] : memref<4096x4096xf32, #tpu.memory_space<hbm>> -> memref<64x512xf32, #tpu.memory_space<hbm>>
      %dma_wait3A_311 = arith.constant 0 : i32
      %dma_wait3A_312 = arith.constant 0 : i32
      %dma_wait3A_313 = tpu.memref_slice %arg4[%dma_wait3A, %dma_wait3A_311, %dma_wait3A_312] : memref<2x64x512xf32, #tpu.memory_space<vmem>> -> memref<1x64x512xf32, #tpu.memory_space<vmem>>
      %dma_wait3A_314 = tpu.memref_squeeze %dma_wait3A_313 : memref<1x64x512xf32, #tpu.memory_space<vmem>> -> memref<64x512xf32, #tpu.memory_space<vmem>>
      %dma_wait3A_315 = tpu.memref_slice %arg2[%add3A_287, %mul3A_305] : memref<4096x4096xf32, #tpu.memory_space<hbm>> -> memref<64x512xf32, #tpu.memory_space<hbm>>
      tpu.wait_dma2 semaphore(%arg6 : memref<!tpu.dma_semaphore, #tpu.memory_space<semaphore_mem>>) src(%dma_wait3A_315 : memref<64x512xf32, #tpu.memory_space<hbm>>) dst(%dma_wait3A_314 : memref<64x512xf32, #tpu.memory_space<vmem>>)
      %parallel_loop3A = arith.constant 0 : i32
      %parallel_loop3A_316 = arith.constant 2048 : i32
      %parallel_loop3A_317 = arith.constant 8 : i32
      %parallel_loop3A_318 = arith.constant 0 : i32
      %parallel_loop3A_319 = scf.for %parallel_loop3A_398 = %parallel_loop3A to %parallel_loop3A_316 step %parallel_loop3A_317 iter_args(%parallel_loop3A_399 = %parallel_loop3A_318) -> (i32)  : i32 {
        %parallel_loop3A_400 = arith.constant 0 : i32
        %parallel_loop3A_401 = arith.addi %parallel_loop3A_398, %parallel_loop3A_400 : i32
        %parallel_loop3A_402 = arith.constant 5 : i32
        %parallel_loop3A_403 = arith.shrsi %parallel_loop3A_401, %parallel_loop3A_402 : i32
        %parallel_loop3A_404 = arith.constant 5 : i32
        %parallel_loop3A_405 = arith.shli %parallel_loop3A_403, %parallel_loop3A_404 : i32
        %parallel_loop3A_406 = arith.subi %parallel_loop3A_401, %parallel_loop3A_405 : i32
        %parallel_loop3A_407 = arith.constant 16 : i32
        %parallel_loop3A_408 = arith.muli %parallel_loop3A_406, %parallel_loop3A_407 : i32
        %parallel_loop3A_409 = arith.constant 0 : i32
        %parallel_loop3A_410 = arith.index_cast %parallel_loop3A_409 : i32 to index
        %parallel_loop3A_411 = arith.index_cast %parallel_loop3A_403 : i32 to index
        %parallel_loop3A_412 = arith.index_cast %parallel_loop3A_408 : i32 to index
        %parallel_loop3A_413 = tpu.vector_load %arg4[%parallel_loop3A_410, %parallel_loop3A_411, %parallel_loop3A_412] {strides = array<i32>} : memref<2x64x512xf32, #tpu.memory_space<vmem>>, vector<16xf32>,
        %parallel_loop3A_414 = arith.constant 2.550000e+02 : f32
        %parallel_loop3A_415 = vector.broadcast %parallel_loop3A_414 : f32 to vector<16xf32>
        %parallel_loop3A_416 = arith.mulf %parallel_loop3A_413, %parallel_loop3A_415 : vector<16xf32>
        %parallel_loop3A_417 = arith.fptosi %parallel_loop3A_416 : vector<16xf32> to vector<16xi32>
        %parallel_loop3A_418 = arith.addi %mul3A_3, %parallel_loop3A_417 : vector<16xi32>
        tpu.vector_store_idx %arg5[%parallel_loop3A_418], %broadcast_in_dim3A_4 {add = true} : memref<4112xf32, #tpu.memory_space<vmem>>[vector<16xi32>], vector<16xf32>,
        %parallel_loop3A_419 = arith.constant 1 : i32
        %parallel_loop3A_420 = arith.addi %parallel_loop3A_398, %parallel_loop3A_419 : i32
        %parallel_loop3A_421 = arith.constant 5 : i32
        %parallel_loop3A_422 = arith.shrsi %parallel_loop3A_420, %parallel_loop3A_421 : i32
        %parallel_loop3A_423 = arith.constant 5 : i32
        %parallel_loop3A_424 = arith.shli %parallel_loop3A_422, %parallel_loop3A_423 : i32
        %parallel_loop3A_425 = arith.subi %parallel_loop3A_420, %parallel_loop3A_424 : i32
        %parallel_loop3A_426 = arith.constant 16 : i32
        %parallel_loop3A_427 = arith.muli %parallel_loop3A_425, %parallel_loop3A_426 : i32
        %parallel_loop3A_428 = arith.constant 0 : i32
        %parallel_loop3A_429 = arith.index_cast %parallel_loop3A_428 : i32 to index
        %parallel_loop3A_430 = arith.index_cast %parallel_loop3A_422 : i32 to index
        %parallel_loop3A_431 = arith.index_cast %parallel_loop3A_427 : i32 to index
        %parallel_loop3A_432 = tpu.vector_load %arg4[%parallel_loop3A_429, %parallel_loop3A_430, %parallel_loop3A_431] {strides = array<i32>} : memref<2x64x512xf32, #tpu.memory_space<vmem>>, vector<16xf32>,
        %parallel_loop3A_433 = arith.constant 2.550000e+02 : f32
        %parallel_loop3A_434 = vector.broadcast %parallel_loop3A_433 : f32 to vector<16xf32>
        %parallel_loop3A_435 = arith.mulf %parallel_loop3A_432, %parallel_loop3A_434 : vector<16xf32>
        %parallel_loop3A_436 = arith.fptosi %parallel_loop3A_435 : vector<16xf32> to vector<16xi32>
        %parallel_loop3A_437 = arith.addi %mul3A_3, %parallel_loop3A_436 : vector<16xi32>
        tpu.vector_store_idx %arg5[%parallel_loop3A_437], %broadcast_in_dim3A_4 {add = true} : memref<4112xf32, #tpu.memory_space<vmem>>[vector<16xi32>], vector<16xf32>,
        %parallel_loop3A_438 = arith.constant 2 : i32
        %parallel_loop3A_439 = arith.addi %parallel_loop3A_398, %parallel_loop3A_438 : i32
        %parallel_loop3A_440 = arith.constant 5 : i32
        %parallel_loop3A_441 = arith.shrsi %parallel_loop3A_439, %parallel_loop3A_440 : i32
        %parallel_loop3A_442 = arith.constant 5 : i32
        %parallel_loop3A_443 = arith.shli %parallel_loop3A_441, %parallel_loop3A_442 : i32
        %parallel_loop3A_444 = arith.subi %parallel_loop3A_439, %parallel_loop3A_443 : i32
        %parallel_loop3A_445 = arith.constant 16 : i32
        %parallel_loop3A_446 = arith.muli %parallel_loop3A_444, %parallel_loop3A_445 : i32
        %parallel_loop3A_447 = arith.constant 0 : i32
        %parallel_loop3A_448 = arith.index_cast %parallel_loop3A_447 : i32 to index
        %parallel_loop3A_449 = arith.index_cast %parallel_loop3A_441 : i32 to index
        %parallel_loop3A_450 = arith.index_cast %parallel_loop3A_446 : i32 to index
        %parallel_loop3A_451 = tpu.vector_load %arg4[%parallel_loop3A_448, %parallel_loop3A_449, %parallel_loop3A_450] {strides = array<i32>} : memref<2x64x512xf32, #tpu.memory_space<vmem>>, vector<16xf32>,
        %parallel_loop3A_452 = arith.constant 2.550000e+02 : f32
        %parallel_loop3A_453 = vector.broadcast %parallel_loop3A_452 : f32 to vector<16xf32>
        %parallel_loop3A_454 = arith.mulf %parallel_loop3A_451, %parallel_loop3A_453 : vector<16xf32>
        %parallel_loop3A_455 = arith.fptosi %parallel_loop3A_454 : vector<16xf32> to vector<16xi32>
        %parallel_loop3A_456 = arith.addi %mul3A_3, %parallel_loop3A_455 : vector<16xi32>
        tpu.vector_store_idx %arg5[%parallel_loop3A_456], %broadcast_in_dim3A_4 {add = true} : memref<4112xf32, #tpu.memory_space<vmem>>[vector<16xi32>], vector<16xf32>,
        %parallel_loop3A_457 = arith.constant 3 : i32
        %parallel_loop3A_458 = arith.addi %parallel_loop3A_398, %parallel_loop3A_457 : i32
        %parallel_loop3A_459 = arith.constant 5 : i32
        %parallel_loop3A_460 = arith.shrsi %parallel_loop3A_458, %parallel_loop3A_459 : i32
        %parallel_loop3A_461 = arith.constant 5 : i32
        %parallel_loop3A_462 = arith.shli %parallel_loop3A_460, %parallel_loop3A_461 : i32
        %parallel_loop3A_463 = arith.subi %parallel_loop3A_458, %parallel_loop3A_462 : i32
        %parallel_loop3A_464 = arith.constant 16 : i32
        %parallel_loop3A_465 = arith.muli %parallel_loop3A_463, %parallel_loop3A_464 : i32
        %parallel_loop3A_466 = arith.constant 0 : i32
        %parallel_loop3A_467 = arith.index_cast %parallel_loop3A_466 : i32 to index
        %parallel_loop3A_468 = arith.index_cast %parallel_loop3A_460 : i32 to index
        %parallel_loop3A_469 = arith.index_cast %parallel_loop3A_465 : i32 to index
        %parallel_loop3A_470 = tpu.vector_load %arg4[%parallel_loop3A_467, %parallel_loop3A_468, %parallel_loop3A_469] {strides = array<i32>} : memref<2x64x512xf32, #tpu.memory_space<vmem>>, vector<16xf32>,
        %parallel_loop3A_471 = arith.constant 2.550000e+02 : f32
        %parallel_loop3A_472 = vector.broadcast %parallel_loop3A_471 : f32 to vector<16xf32>
        %parallel_loop3A_473 = arith.mulf %parallel_loop3A_470, %parallel_loop3A_472 : vector<16xf32>
        %parallel_loop3A_474 = arith.fptosi %parallel_loop3A_473 : vector<16xf32> to vector<16xi32>
        %parallel_loop3A_475 = arith.addi %mul3A_3, %parallel_loop3A_474 : vector<16xi32>
        tpu.vector_store_idx %arg5[%parallel_loop3A_475], %broadcast_in_dim3A_4 {add = true} : memref<4112xf32, #tpu.memory_space<vmem>>[vector<16xi32>], vector<16xf32>,
        %parallel_loop3A_476 = arith.constant 4 : i32
        %parallel_loop3A_477 = arith.addi %parallel_loop3A_398, %parallel_loop3A_476 : i32
        %parallel_loop3A_478 = arith.constant 5 : i32
        %parallel_loop3A_479 = arith.shrsi %parallel_loop3A_477, %parallel_loop3A_478 : i32
        %parallel_loop3A_480 = arith.constant 5 : i32
        %parallel_loop3A_481 = arith.shli %parallel_loop3A_479, %parallel_loop3A_480 : i32
        %parallel_loop3A_482 = arith.subi %parallel_loop3A_477, %parallel_loop3A_481 : i32
        %parallel_loop3A_483 = arith.constant 16 : i32
        %parallel_loop3A_484 = arith.muli %parallel_loop3A_482, %parallel_loop3A_483 : i32
        %parallel_loop3A_485 = arith.constant 0 : i32
        %parallel_loop3A_486 = arith.index_cast %parallel_loop3A_485 : i32 to index
        %parallel_loop3A_487 = arith.index_cast %parallel_loop3A_479 : i32 to index
        %parallel_loop3A_488 = arith.index_cast %parallel_loop3A_484 : i32 to index
        %parallel_loop3A_489 = tpu.vector_load %arg4[%parallel_loop3A_486, %parallel_loop3A_487, %parallel_loop3A_488] {strides = array<i32>} : memref<2x64x512xf32, #tpu.memory_space<vmem>>, vector<16xf32>,
        %parallel_loop3A_490 = arith.constant 2.550000e+02 : f32
        %parallel_loop3A_491 = vector.broadcast %parallel_loop3A_490 : f32 to vector<16xf32>
        %parallel_loop3A_492 = arith.mulf %parallel_loop3A_489, %parallel_loop3A_491 : vector<16xf32>
        %parallel_loop3A_493 = arith.fptosi %parallel_loop3A_492 : vector<16xf32> to vector<16xi32>
        %parallel_loop3A_494 = arith.addi %mul3A_3, %parallel_loop3A_493 : vector<16xi32>
        tpu.vector_store_idx %arg5[%parallel_loop3A_494], %broadcast_in_dim3A_4 {add = true} : memref<4112xf32, #tpu.memory_space<vmem>>[vector<16xi32>], vector<16xf32>,
        %parallel_loop3A_495 = arith.constant 5 : i32
        %parallel_loop3A_496 = arith.addi %parallel_loop3A_398, %parallel_loop3A_495 : i32
        %parallel_loop3A_497 = arith.constant 5 : i32
        %parallel_loop3A_498 = arith.shrsi %parallel_loop3A_496, %parallel_loop3A_497 : i32
        %parallel_loop3A_499 = arith.constant 5 : i32
        %parallel_loop3A_500 = arith.shli %parallel_loop3A_498, %parallel_loop3A_499 : i32
        %parallel_loop3A_501 = arith.subi %parallel_loop3A_496, %parallel_loop3A_500 : i32
        %parallel_loop3A_502 = arith.constant 16 : i32
        %parallel_loop3A_503 = arith.muli %parallel_loop3A_501, %parallel_loop3A_502 : i32
        %parallel_loop3A_504 = arith.constant 0 : i32
        %parallel_loop3A_505 = arith.index_cast %parallel_loop3A_504 : i32 to index
        %parallel_loop3A_506 = arith.index_cast %parallel_loop3A_498 : i32 to index
        %parallel_loop3A_507 = arith.index_cast %parallel_loop3A_503 : i32 to index
        %parallel_loop3A_508 = tpu.vector_load %arg4[%parallel_loop3A_505, %parallel_loop3A_506, %parallel_loop3A_507] {strides = array<i32>} : memref<2x64x512xf32, #tpu.memory_space<vmem>>, vector<16xf32>,
        %parallel_loop3A_509 = arith.constant 2.550000e+02 : f32
        %parallel_loop3A_510 = vector.broadcast %parallel_loop3A_509 : f32 to vector<16xf32>
        %parallel_loop3A_511 = arith.mulf %parallel_loop3A_508, %parallel_loop3A_510 : vector<16xf32>
        %parallel_loop3A_512 = arith.fptosi %parallel_loop3A_511 : vector<16xf32> to vector<16xi32>
        %parallel_loop3A_513 = arith.addi %mul3A_3, %parallel_loop3A_512 : vector<16xi32>
        tpu.vector_store_idx %arg5[%parallel_loop3A_513], %broadcast_in_dim3A_4 {add = true} : memref<4112xf32, #tpu.memory_space<vmem>>[vector<16xi32>], vector<16xf32>,
        %parallel_loop3A_514 = arith.constant 6 : i32
        %parallel_loop3A_515 = arith.addi %parallel_loop3A_398, %parallel_loop3A_514 : i32
        %parallel_loop3A_516 = arith.constant 5 : i32
        %parallel_loop3A_517 = arith.shrsi %parallel_loop3A_515, %parallel_loop3A_516 : i32
        %parallel_loop3A_518 = arith.constant 5 : i32
        %parallel_loop3A_519 = arith.shli %parallel_loop3A_517, %parallel_loop3A_518 : i32
        %parallel_loop3A_520 = arith.subi %parallel_loop3A_515, %parallel_loop3A_519 : i32
        %parallel_loop3A_521 = arith.constant 16 : i32
        %parallel_loop3A_522 = arith.muli %parallel_loop3A_520, %parallel_loop3A_521 : i32
        %parallel_loop3A_523 = arith.constant 0 : i32
        %parallel_loop3A_524 = arith.index_cast %parallel_loop3A_523 : i32 to index
        %parallel_loop3A_525 = arith.index_cast %parallel_loop3A_517 : i32 to index
        %parallel_loop3A_526 = arith.index_cast %parallel_loop3A_522 : i32 to index
        %parallel_loop3A_527 = tpu.vector_load %arg4[%parallel_loop3A_524, %parallel_loop3A_525, %parallel_loop3A_526] {strides = array<i32>} : memref<2x64x512xf32, #tpu.memory_space<vmem>>, vector<16xf32>,
        %parallel_loop3A_528 = arith.constant 2.550000e+02 : f32
        %parallel_loop3A_529 = vector.broadcast %parallel_loop3A_528 : f32 to vector<16xf32>
        %parallel_loop3A_530 = arith.mulf %parallel_loop3A_527, %parallel_loop3A_529 : vector<16xf32>
        %parallel_loop3A_531 = arith.fptosi %parallel_loop3A_530 : vector<16xf32> to vector<16xi32>
        %parallel_loop3A_532 = arith.addi %mul3A_3, %parallel_loop3A_531 : vector<16xi32>
        tpu.vector_store_idx %arg5[%parallel_loop3A_532], %broadcast_in_dim3A_4 {add = true} : memref<4112xf32, #tpu.memory_space<vmem>>[vector<16xi32>], vector<16xf32>,
        %parallel_loop3A_533 = arith.constant 7 : i32
        %parallel_loop3A_534 = arith.addi %parallel_loop3A_398, %parallel_loop3A_533 : i32
        %parallel_loop3A_535 = arith.constant 5 : i32
        %parallel_loop3A_536 = arith.shrsi %parallel_loop3A_534, %parallel_loop3A_535 : i32
        %parallel_loop3A_537 = arith.constant 5 : i32
        %parallel_loop3A_538 = arith.shli %parallel_loop3A_536, %parallel_loop3A_537 : i32
        %parallel_loop3A_539 = arith.subi %parallel_loop3A_534, %parallel_loop3A_538 : i32
        %parallel_loop3A_540 = arith.constant 16 : i32
        %parallel_loop3A_541 = arith.muli %parallel_loop3A_539, %parallel_loop3A_540 : i32
        %parallel_loop3A_542 = arith.constant 0 : i32
        %parallel_loop3A_543 = arith.index_cast %parallel_loop3A_542 : i32 to index
        %parallel_loop3A_544 = arith.index_cast %parallel_loop3A_536 : i32 to index
        %parallel_loop3A_545 = arith.index_cast %parallel_loop3A_541 : i32 to index
        %parallel_loop3A_546 = tpu.vector_load %arg4[%parallel_loop3A_543, %parallel_loop3A_544, %parallel_loop3A_545] {strides = array<i32>} : memref<2x64x512xf32, #tpu.memory_space<vmem>>, vector<16xf32>,
        %parallel_loop3A_547 = arith.constant 2.550000e+02 : f32
        %parallel_loop3A_548 = vector.broadcast %parallel_loop3A_547 : f32 to vector<16xf32>
        %parallel_loop3A_549 = arith.mulf %parallel_loop3A_546, %parallel_loop3A_548 : vector<16xf32>
        %parallel_loop3A_550 = arith.fptosi %parallel_loop3A_549 : vector<16xf32> to vector<16xi32>
        %parallel_loop3A_551 = arith.addi %mul3A_3, %parallel_loop3A_550 : vector<16xi32>
        tpu.vector_store_idx %arg5[%parallel_loop3A_551], %broadcast_in_dim3A_4 {add = true} : memref<4112xf32, #tpu.memory_space<vmem>>[vector<16xi32>], vector<16xf32>,
        scf.yield %parallel_loop3A_399 : i32
      } {sc.loop_unroll_factor = 1 : i64, sc.parallel_access}
      %add3A_320 = arith.constant 2 : i32
      %add3A_321 = arith.addi %add3A_259, %add3A_320 : i32
      %lt3A_322 = arith.constant 8 : i32
      %lt3A_323 = arith.cmpi slt, %add3A_321, %lt3A_322 : i32
      %convert_element_type3A = arith.extui %lt3A_323 : i1 to i32
      %cond3A = arith.constant 0 : i32
      %cond3A_324 = arith.cmpi ne, %convert_element_type3A, %cond3A : i32
      scf.if %cond3A_324 {
        %add3A_398 = arith.constant 2 : i32
        %add3A_399 = arith.addi %add3A_259, %add3A_398 : i32
        %jit3A_400 = arith.constant 8 : i32
        %div3A_401 = arith.divsi %add3A_15, %jit3A_400 : i32
        %sign3A_402 = arith.constant 0 : i32
        %sign3A_403 = arith.cmpi sgt, %add3A_15, %sign3A_402 : i32
        %sign3A_404 = arith.extui %sign3A_403 : i1 to i32
        %sign3A_405 = arith.constant 0 : i32
        %sign3A_406 = arith.cmpi slt, %add3A_15, %sign3A_405 : i32
        %sign3A_407 = arith.extui %sign3A_406 : i1 to i32
        %sign3A_408 = arith.subi %sign3A_404, %sign3A_407 : i32
        %sign3A_409 = arith.constant 0 : i32
        %sign3A_410 = arith.cmpi sgt, %jit3A_400, %sign3A_409 : i32
        %sign3A_411 = arith.extui %sign3A_410 : i1 to i32
        %sign3A_412 = arith.constant 0 : i32
        %sign3A_413 = arith.cmpi slt, %jit3A_400, %sign3A_412 : i32
        %sign3A_414 = arith.extui %sign3A_413 : i1 to i32
        %sign3A_415 = arith.subi %sign3A_411, %sign3A_414 : i32
        %ne3A_416 = arith.cmpi ne, %sign3A_408, %sign3A_415 : i32
        %rem3A_417 = arith.remsi %add3A_15, %jit3A_400 : i32
        %ne3A_418 = arith.constant 0 : i32
        %ne3A_419 = arith.cmpi ne, %rem3A_417, %ne3A_418 : i32
        %and3A_420 = arith.andi %ne3A_416, %ne3A_419 : i1
        %sub3A_421 = arith.constant 1 : i32
        %sub3A_422 = arith.subi %div3A_401, %sub3A_421 : i32
        %select_n3A_423 = arith.select %and3A_420, %sub3A_422, %div3A_401 : i32
        %mul3A_424 = arith.constant 512 : i32
        %mul3A_425 = arith.muli %select_n3A_423, %mul3A_424 : i32
        %mul3A_426 = arith.constant 64 : i32
        %mul3A_427 = arith.muli %add3A_399, %mul3A_426 : i32
        %add3A_428 = arith.addi %mul3A_425, %mul3A_427 : i32
        %jit3A_429 = arith.constant 8 : i32
        %eq3A_430 = arith.constant 0 : i32
        %eq3A_431 = arith.cmpi eq, %jit3A_429, %eq3A_430 : i32
        %jit3A_432 = arith.constant 1 : i32
        %select_n3A_433 = arith.select %eq3A_431, %jit3A_432, %jit3A_429 : i32
        %rem3A_434 = arith.remsi %add3A_15, %select_n3A_433 : i32
        %ne3A_435 = arith.constant 0 : i32
        %ne3A_436 = arith.cmpi ne, %rem3A_434, %ne3A_435 : i32
        %lt3A_437 = arith.constant 0 : i32
        %lt3A_438 = arith.cmpi slt, %rem3A_434, %lt3A_437 : i32
        %lt3A_439 = arith.constant 0 : i32
        %lt3A_440 = arith.cmpi slt, %select_n3A_433, %lt3A_439 : i32
        %ne3A_441 = arith.xori %lt3A_438, %lt3A_440 : i1
        %and3A_442 = arith.andi %ne3A_441, %ne3A_436 : i1
        %add3A_443 = arith.addi %rem3A_434, %select_n3A_433 : i32
        %select_n3A_444 = arith.select %and3A_442, %add3A_443, %rem3A_434 : i32
        %mul3A_445 = arith.constant 512 : i32
        %mul3A_446 = arith.muli %select_n3A_444, %mul3A_445 : i32
        %dma_start3A_447 = arith.constant 0 : i32
        %dma_start3A_448 = arith.constant 0 : i32
        %dma_start3A_449 = arith.constant 0 : i32
        %dma_start3A_450 = tpu.memref_slice %arg4[%dma_start3A_447, %dma_start3A_448, %dma_start3A_449] : memref<2x64x512xf32, #tpu.memory_space<vmem>> -> memref<1x64x512xf32, #tpu.memory_space<vmem>>
        %dma_start3A_451 = tpu.memref_squeeze %dma_start3A_450 : memref<1x64x512xf32, #tpu.memory_space<vmem>> -> memref<64x512xf32, #tpu.memory_space<vmem>>
        %dma_start3A_452 = tpu.memref_slice %arg2[%add3A_428, %mul3A_446] : memref<4096x4096xf32, #tpu.memory_space<hbm>> -> memref<64x512xf32, #tpu.memory_space<hbm>>
        %dma_start3A_453 = arith.constant 0 : i32
        %dma_start3A_454 = arith.constant 0 : i32
        %dma_start3A_455 = tpu.memref_slice %arg4[%dma_start3A_447, %dma_start3A_453, %dma_start3A_454] : memref<2x64x512xf32, #tpu.memory_space<vmem>> -> memref<1x64x512xf32, #tpu.memory_space<vmem>>
        %dma_start3A_456 = tpu.memref_squeeze %dma_start3A_455 : memref<1x64x512xf32, #tpu.memory_space<vmem>> -> memref<64x512xf32, #tpu.memory_space<vmem>>
        %dma_start3A_457 = tpu.memref_slice %arg2[%add3A_428, %mul3A_446] : memref<4096x4096xf32, #tpu.memory_space<hbm>> -> memref<64x512xf32, #tpu.memory_space<hbm>>
        tpu.enqueue_dma source(%dma_start3A_457 : memref<64x512xf32, #tpu.memory_space<hbm>>) target(%dma_start3A_456 : memref<64x512xf32, #tpu.memory_space<vmem>>) target_semaphore(%arg6 : memref<!tpu.dma_semaphore, #tpu.memory_space<semaphore_mem>>)
      } else {
      }
      %mul3A_325 = arith.constant 2 : i32
      %mul3A_326 = arith.muli %mul3A_325, %scan3A_255 : i32
      %add3A_327 = arith.constant 1 : i32
      %add3A_328 = arith.addi %mul3A_326, %add3A_327 : i32
      %jit3A_329 = arith.constant 8 : i32
      %div3A_330 = arith.divsi %add3A_15, %jit3A_329 : i32
      %sign3A_331 = arith.constant 0 : i32
      %sign3A_332 = arith.cmpi sgt, %add3A_15, %sign3A_331 : i32
      %sign3A_333 = arith.extui %sign3A_332 : i1 to i32
      %sign3A_334 = arith.constant 0 : i32
      %sign3A_335 = arith.cmpi slt, %add3A_15, %sign3A_334 : i32
      %sign3A_336 = arith.extui %sign3A_335 : i1 to i32
      %sign3A_337 = arith.subi %sign3A_333, %sign3A_336 : i32
      %sign3A_338 = arith.constant 0 : i32
      %sign3A_339 = arith.cmpi sgt, %jit3A_329, %sign3A_338 : i32
      %sign3A_340 = arith.extui %sign3A_339 : i1 to i32
      %sign3A_341 = arith.constant 0 : i32
      %sign3A_342 = arith.cmpi slt, %jit3A_329, %sign3A_341 : i32
      %sign3A_343 = arith.extui %sign3A_342 : i1 to i32
      %sign3A_344 = arith.subi %sign3A_340, %sign3A_343 : i32
      %ne3A_345 = arith.cmpi ne, %sign3A_337, %sign3A_344 : i32
      %rem3A_346 = arith.remsi %add3A_15, %jit3A_329 : i32
      %ne3A_347 = arith.constant 0 : i32
      %ne3A_348 = arith.cmpi ne, %rem3A_346, %ne3A_347 : i32
      %and3A_349 = arith.andi %ne3A_345, %ne3A_348 : i1
      %sub3A_350 = arith.constant 1 : i32
      %sub3A_351 = arith.subi %div3A_330, %sub3A_350 : i32
      %select_n3A_352 = arith.select %and3A_349, %sub3A_351, %div3A_330 : i32
      %mul3A_353 = arith.constant 512 : i32
      %mul3A_354 = arith.muli %select_n3A_352, %mul3A_353 : i32
      %add3A_355 = arith.constant 0 : i32
      %add3A_356 = arith.addi %mul3A_354, %add3A_355 : i32
      %jit3A_357 = arith.constant 8 : i32
      %eq3A_358 = arith.constant 0 : i32
      %eq3A_359 = arith.cmpi eq, %jit3A_357, %eq3A_358 : i32
      %jit3A_360 = arith.constant 1 : i32
      %select_n3A_361 = arith.select %eq3A_359, %jit3A_360, %jit3A_357 : i32
      %rem3A_362 = arith.remsi %add3A_15, %select_n3A_361 : i32
      %ne3A_363 = arith.constant 0 : i32
      %ne3A_364 = arith.cmpi ne, %rem3A_362, %ne3A_363 : i32
      %lt3A_365 = arith.constant 0 : i32
      %lt3A_366 = arith.cmpi slt, %rem3A_362, %lt3A_365 : i32
      %lt3A_367 = arith.constant 0 : i32
      %lt3A_368 = arith.cmpi slt, %select_n3A_361, %lt3A_367 : i32
      %ne3A_369 = arith.xori %lt3A_366, %lt3A_368 : i1
      %and3A_370 = arith.andi %ne3A_369, %ne3A_364 : i1
      %add3A_371 = arith.addi %rem3A_362, %select_n3A_361 : i32
      %select_n3A_372 = arith.select %and3A_370, %add3A_371, %rem3A_362 : i32
      %mul3A_373 = arith.constant 512 : i32
      %mul3A_374 = arith.muli %select_n3A_372, %mul3A_373 : i32
      %dma_wait3A_375 = arith.constant 1 : i32
      %dma_wait3A_376 = arith.constant 0 : i32
      %dma_wait3A_377 = arith.constant 0 : i32
      %dma_wait3A_378 = tpu.memref_slice %arg4[%dma_wait3A_375, %dma_wait3A_376, %dma_wait3A_377] : memref<2x64x512xf32, #tpu.memory_space<vmem>> -> memref<1x64x512xf32, #tpu.memory_space<vmem>>
      %dma_wait3A_379 = tpu.memref_squeeze %dma_wait3A_378 : memref<1x64x512xf32, #tpu.memory_space<vmem>> -> memref<64x512xf32, #tpu.memory_space<vmem>>
      %dma_wait3A_380 = tpu.memref_slice %arg2[%add3A_356, %mul3A_374] : memref<4096x4096xf32, #tpu.memory_space<hbm>> -> memref<64x512xf32, #tpu.memory_space<hbm>>
      %dma_wait3A_381 = arith.constant 0 : i32
      %dma_wait3A_382 = arith.constant 0 : i32
      %dma_wait3A_383 = tpu.memref_slice %arg4[%dma_wait3A_375, %dma_wait3A_381, %dma_wait3A_382] : memref<2x64x512xf32, #tpu.memory_space<vmem>> -> memref<1x64x512xf32, #tpu.memory_space<vmem>>
      %dma_wait3A_384 = tpu.memref_squeeze %dma_wait3A_383 : memref<1x64x512xf32, #tpu.memory_space<vmem>> -> memref<64x512xf32, #tpu.memory_space<vmem>>
      %dma_wait3A_385 = tpu.memref_slice %arg2[%add3A_356, %mul3A_374] : memref<4096x4096xf32, #tpu.memory_space<hbm>> -> memref<64x512xf32, #tpu.memory_space<hbm>>
      tpu.wait_dma2 semaphore(%arg7 : memref<!tpu.dma_semaphore, #tpu.memory_space<semaphore_mem>>) src(%dma_wait3A_385 : memref<64x512xf32, #tpu.memory_space<hbm>>) dst(%dma_wait3A_384 : memref<64x512xf32, #tpu.memory_space<vmem>>)
      %parallel_loop3A_386 = arith.constant 0 : i32
      %parallel_loop3A_387 = arith.constant 2048 : i32
      %parallel_loop3A_388 = arith.constant 8 : i32
      %parallel_loop3A_389 = arith.constant 0 : i32
      %parallel_loop3A_390 = scf.for %parallel_loop3A_398 = %parallel_loop3A_386 to %parallel_loop3A_387 step %parallel_loop3A_388 iter_args(%parallel_loop3A_399 = %parallel_loop3A_389) -> (i32)  : i32 {
        %parallel_loop3A_400 = arith.constant 0 : i32
        %parallel_loop3A_401 = arith.addi %parallel_loop3A_398, %parallel_loop3A_400 : i32
        %parallel_loop3A_402 = arith.constant 5 : i32
        %parallel_loop3A_403 = arith.shrsi %parallel_loop3A_401, %parallel_loop3A_402 : i32
        %parallel_loop3A_404 = arith.constant 5 : i32
        %parallel_loop3A_405 = arith.shli %parallel_loop3A_403, %parallel_loop3A_404 : i32
        %parallel_loop3A_406 = arith.subi %parallel_loop3A_401, %parallel_loop3A_405 : i32
        %parallel_loop3A_407 = arith.constant 16 : i32
        %parallel_loop3A_408 = arith.muli %parallel_loop3A_406, %parallel_loop3A_407 : i32
        %parallel_loop3A_409 = arith.constant 1 : i32
        %parallel_loop3A_410 = arith.index_cast %parallel_loop3A_409 : i32 to index
        %parallel_loop3A_411 = arith.index_cast %parallel_loop3A_403 : i32 to index
        %parallel_loop3A_412 = arith.index_cast %parallel_loop3A_408 : i32 to index
        %parallel_loop3A_413 = tpu.vector_load %arg4[%parallel_loop3A_410, %parallel_loop3A_411, %parallel_loop3A_412] {strides = array<i32>} : memref<2x64x512xf32, #tpu.memory_space<vmem>>, vector<16xf32>,
        %parallel_loop3A_414 = arith.constant 2.550000e+02 : f32
        %parallel_loop3A_415 = vector.broadcast %parallel_loop3A_414 : f32 to vector<16xf32>
        %parallel_loop3A_416 = arith.mulf %parallel_loop3A_413, %parallel_loop3A_415 : vector<16xf32>
        %parallel_loop3A_417 = arith.fptosi %parallel_loop3A_416 : vector<16xf32> to vector<16xi32>
        %parallel_loop3A_418 = arith.addi %mul3A_3, %parallel_loop3A_417 : vector<16xi32>
        tpu.vector_store_idx %arg5[%parallel_loop3A_418], %broadcast_in_dim3A_4 {add = true} : memref<4112xf32, #tpu.memory_space<vmem>>[vector<16xi32>], vector<16xf32>,
        %parallel_loop3A_419 = arith.constant 1 : i32
        %parallel_loop3A_420 = arith.addi %parallel_loop3A_398, %parallel_loop3A_419 : i32
        %parallel_loop3A_421 = arith.constant 5 : i32
        %parallel_loop3A_422 = arith.shrsi %parallel_loop3A_420, %parallel_loop3A_421 : i32
        %parallel_loop3A_423 = arith.constant 5 : i32
        %parallel_loop3A_424 = arith.shli %parallel_loop3A_422, %parallel_loop3A_423 : i32
        %parallel_loop3A_425 = arith.subi %parallel_loop3A_420, %parallel_loop3A_424 : i32
        %parallel_loop3A_426 = arith.constant 16 : i32
        %parallel_loop3A_427 = arith.muli %parallel_loop3A_425, %parallel_loop3A_426 : i32
        %parallel_loop3A_428 = arith.constant 1 : i32
        %parallel_loop3A_429 = arith.index_cast %parallel_loop3A_428 : i32 to index
        %parallel_loop3A_430 = arith.index_cast %parallel_loop3A_422 : i32 to index
        %parallel_loop3A_431 = arith.index_cast %parallel_loop3A_427 : i32 to index
        %parallel_loop3A_432 = tpu.vector_load %arg4[%parallel_loop3A_429, %parallel_loop3A_430, %parallel_loop3A_431] {strides = array<i32>} : memref<2x64x512xf32, #tpu.memory_space<vmem>>, vector<16xf32>,
        %parallel_loop3A_433 = arith.constant 2.550000e+02 : f32
        %parallel_loop3A_434 = vector.broadcast %parallel_loop3A_433 : f32 to vector<16xf32>
        %parallel_loop3A_435 = arith.mulf %parallel_loop3A_432, %parallel_loop3A_434 : vector<16xf32>
        %parallel_loop3A_436 = arith.fptosi %parallel_loop3A_435 : vector<16xf32> to vector<16xi32>
        %parallel_loop3A_437 = arith.addi %mul3A_3, %parallel_loop3A_436 : vector<16xi32>
        tpu.vector_store_idx %arg5[%parallel_loop3A_437], %broadcast_in_dim3A_4 {add = true} : memref<4112xf32, #tpu.memory_space<vmem>>[vector<16xi32>], vector<16xf32>,
        %parallel_loop3A_438 = arith.constant 2 : i32
        %parallel_loop3A_439 = arith.addi %parallel_loop3A_398, %parallel_loop3A_438 : i32
        %parallel_loop3A_440 = arith.constant 5 : i32
        %parallel_loop3A_441 = arith.shrsi %parallel_loop3A_439, %parallel_loop3A_440 : i32
        %parallel_loop3A_442 = arith.constant 5 : i32
        %parallel_loop3A_443 = arith.shli %parallel_loop3A_441, %parallel_loop3A_442 : i32
        %parallel_loop3A_444 = arith.subi %parallel_loop3A_439, %parallel_loop3A_443 : i32
        %parallel_loop3A_445 = arith.constant 16 : i32
        %parallel_loop3A_446 = arith.muli %parallel_loop3A_444, %parallel_loop3A_445 : i32
        %parallel_loop3A_447 = arith.constant 1 : i32
        %parallel_loop3A_448 = arith.index_cast %parallel_loop3A_447 : i32 to index
        %parallel_loop3A_449 = arith.index_cast %parallel_loop3A_441 : i32 to index
        %parallel_loop3A_450 = arith.index_cast %parallel_loop3A_446 : i32 to index
        %parallel_loop3A_451 = tpu.vector_load %arg4[%parallel_loop3A_448, %parallel_loop3A_449, %parallel_loop3A_450] {strides = array<i32>} : memref<2x64x512xf32, #tpu.memory_space<vmem>>, vector<16xf32>,
        %parallel_loop3A_452 = arith.constant 2.550000e+02 : f32
        %parallel_loop3A_453 = vector.broadcast %parallel_loop3A_452 : f32 to vector<16xf32>
        %parallel_loop3A_454 = arith.mulf %parallel_loop3A_451, %parallel_loop3A_453 : vector<16xf32>
        %parallel_loop3A_455 = arith.fptosi %parallel_loop3A_454 : vector<16xf32> to vector<16xi32>
        %parallel_loop3A_456 = arith.addi %mul3A_3, %parallel_loop3A_455 : vector<16xi32>
        tpu.vector_store_idx %arg5[%parallel_loop3A_456], %broadcast_in_dim3A_4 {add = true} : memref<4112xf32, #tpu.memory_space<vmem>>[vector<16xi32>], vector<16xf32>,
        %parallel_loop3A_457 = arith.constant 3 : i32
        %parallel_loop3A_458 = arith.addi %parallel_loop3A_398, %parallel_loop3A_457 : i32
        %parallel_loop3A_459 = arith.constant 5 : i32
        %parallel_loop3A_460 = arith.shrsi %parallel_loop3A_458, %parallel_loop3A_459 : i32
        %parallel_loop3A_461 = arith.constant 5 : i32
        %parallel_loop3A_462 = arith.shli %parallel_loop3A_460, %parallel_loop3A_461 : i32
        %parallel_loop3A_463 = arith.subi %parallel_loop3A_458, %parallel_loop3A_462 : i32
        %parallel_loop3A_464 = arith.constant 16 : i32
        %parallel_loop3A_465 = arith.muli %parallel_loop3A_463, %parallel_loop3A_464 : i32
        %parallel_loop3A_466 = arith.constant 1 : i32
        %parallel_loop3A_467 = arith.index_cast %parallel_loop3A_466 : i32 to index
        %parallel_loop3A_468 = arith.index_cast %parallel_loop3A_460 : i32 to index
        %parallel_loop3A_469 = arith.index_cast %parallel_loop3A_465 : i32 to index
        %parallel_loop3A_470 = tpu.vector_load %arg4[%parallel_loop3A_467, %parallel_loop3A_468, %parallel_loop3A_469] {strides = array<i32>} : memref<2x64x512xf32, #tpu.memory_space<vmem>>, vector<16xf32>,
        %parallel_loop3A_471 = arith.constant 2.550000e+02 : f32
        %parallel_loop3A_472 = vector.broadcast %parallel_loop3A_471 : f32 to vector<16xf32>
        %parallel_loop3A_473 = arith.mulf %parallel_loop3A_470, %parallel_loop3A_472 : vector<16xf32>
        %parallel_loop3A_474 = arith.fptosi %parallel_loop3A_473 : vector<16xf32> to vector<16xi32>
        %parallel_loop3A_475 = arith.addi %mul3A_3, %parallel_loop3A_474 : vector<16xi32>
        tpu.vector_store_idx %arg5[%parallel_loop3A_475], %broadcast_in_dim3A_4 {add = true} : memref<4112xf32, #tpu.memory_space<vmem>>[vector<16xi32>], vector<16xf32>,
        %parallel_loop3A_476 = arith.constant 4 : i32
        %parallel_loop3A_477 = arith.addi %parallel_loop3A_398, %parallel_loop3A_476 : i32
        %parallel_loop3A_478 = arith.constant 5 : i32
        %parallel_loop3A_479 = arith.shrsi %parallel_loop3A_477, %parallel_loop3A_478 : i32
        %parallel_loop3A_480 = arith.constant 5 : i32
        %parallel_loop3A_481 = arith.shli %parallel_loop3A_479, %parallel_loop3A_480 : i32
        %parallel_loop3A_482 = arith.subi %parallel_loop3A_477, %parallel_loop3A_481 : i32
        %parallel_loop3A_483 = arith.constant 16 : i32
        %parallel_loop3A_484 = arith.muli %parallel_loop3A_482, %parallel_loop3A_483 : i32
        %parallel_loop3A_485 = arith.constant 1 : i32
        %parallel_loop3A_486 = arith.index_cast %parallel_loop3A_485 : i32 to index
        %parallel_loop3A_487 = arith.index_cast %parallel_loop3A_479 : i32 to index
        %parallel_loop3A_488 = arith.index_cast %parallel_loop3A_484 : i32 to index
        %parallel_loop3A_489 = tpu.vector_load %arg4[%parallel_loop3A_486, %parallel_loop3A_487, %parallel_loop3A_488] {strides = array<i32>} : memref<2x64x512xf32, #tpu.memory_space<vmem>>, vector<16xf32>,
        %parallel_loop3A_490 = arith.constant 2.550000e+02 : f32
        %parallel_loop3A_491 = vector.broadcast %parallel_loop3A_490 : f32 to vector<16xf32>
        %parallel_loop3A_492 = arith.mulf %parallel_loop3A_489, %parallel_loop3A_491 : vector<16xf32>
        %parallel_loop3A_493 = arith.fptosi %parallel_loop3A_492 : vector<16xf32> to vector<16xi32>
        %parallel_loop3A_494 = arith.addi %mul3A_3, %parallel_loop3A_493 : vector<16xi32>
        tpu.vector_store_idx %arg5[%parallel_loop3A_494], %broadcast_in_dim3A_4 {add = true} : memref<4112xf32, #tpu.memory_space<vmem>>[vector<16xi32>], vector<16xf32>,
        %parallel_loop3A_495 = arith.constant 5 : i32
        %parallel_loop3A_496 = arith.addi %parallel_loop3A_398, %parallel_loop3A_495 : i32
        %parallel_loop3A_497 = arith.constant 5 : i32
        %parallel_loop3A_498 = arith.shrsi %parallel_loop3A_496, %parallel_loop3A_497 : i32
        %parallel_loop3A_499 = arith.constant 5 : i32
        %parallel_loop3A_500 = arith.shli %parallel_loop3A_498, %parallel_loop3A_499 : i32
        %parallel_loop3A_501 = arith.subi %parallel_loop3A_496, %parallel_loop3A_500 : i32
        %parallel_loop3A_502 = arith.constant 16 : i32
        %parallel_loop3A_503 = arith.muli %parallel_loop3A_501, %parallel_loop3A_502 : i32
        %parallel_loop3A_504 = arith.constant 1 : i32
        %parallel_loop3A_505 = arith.index_cast %parallel_loop3A_504 : i32 to index
        %parallel_loop3A_506 = arith.index_cast %parallel_loop3A_498 : i32 to index
        %parallel_loop3A_507 = arith.index_cast %parallel_loop3A_503 : i32 to index
        %parallel_loop3A_508 = tpu.vector_load %arg4[%parallel_loop3A_505, %parallel_loop3A_506, %parallel_loop3A_507] {strides = array<i32>} : memref<2x64x512xf32, #tpu.memory_space<vmem>>, vector<16xf32>,
        %parallel_loop3A_509 = arith.constant 2.550000e+02 : f32
        %parallel_loop3A_510 = vector.broadcast %parallel_loop3A_509 : f32 to vector<16xf32>
        %parallel_loop3A_511 = arith.mulf %parallel_loop3A_508, %parallel_loop3A_510 : vector<16xf32>
        %parallel_loop3A_512 = arith.fptosi %parallel_loop3A_511 : vector<16xf32> to vector<16xi32>
        %parallel_loop3A_513 = arith.addi %mul3A_3, %parallel_loop3A_512 : vector<16xi32>
        tpu.vector_store_idx %arg5[%parallel_loop3A_513], %broadcast_in_dim3A_4 {add = true} : memref<4112xf32, #tpu.memory_space<vmem>>[vector<16xi32>], vector<16xf32>,
        %parallel_loop3A_514 = arith.constant 6 : i32
        %parallel_loop3A_515 = arith.addi %parallel_loop3A_398, %parallel_loop3A_514 : i32
        %parallel_loop3A_516 = arith.constant 5 : i32
        %parallel_loop3A_517 = arith.shrsi %parallel_loop3A_515, %parallel_loop3A_516 : i32
        %parallel_loop3A_518 = arith.constant 5 : i32
        %parallel_loop3A_519 = arith.shli %parallel_loop3A_517, %parallel_loop3A_518 : i32
        %parallel_loop3A_520 = arith.subi %parallel_loop3A_515, %parallel_loop3A_519 : i32
        %parallel_loop3A_521 = arith.constant 16 : i32
        %parallel_loop3A_522 = arith.muli %parallel_loop3A_520, %parallel_loop3A_521 : i32
        %parallel_loop3A_523 = arith.constant 1 : i32
        %parallel_loop3A_524 = arith.index_cast %parallel_loop3A_523 : i32 to index
        %parallel_loop3A_525 = arith.index_cast %parallel_loop3A_517 : i32 to index
        %parallel_loop3A_526 = arith.index_cast %parallel_loop3A_522 : i32 to index
        %parallel_loop3A_527 = tpu.vector_load %arg4[%parallel_loop3A_524, %parallel_loop3A_525, %parallel_loop3A_526] {strides = array<i32>} : memref<2x64x512xf32, #tpu.memory_space<vmem>>, vector<16xf32>,
        %parallel_loop3A_528 = arith.constant 2.550000e+02 : f32
        %parallel_loop3A_529 = vector.broadcast %parallel_loop3A_528 : f32 to vector<16xf32>
        %parallel_loop3A_530 = arith.mulf %parallel_loop3A_527, %parallel_loop3A_529 : vector<16xf32>
        %parallel_loop3A_531 = arith.fptosi %parallel_loop3A_530 : vector<16xf32> to vector<16xi32>
        %parallel_loop3A_532 = arith.addi %mul3A_3, %parallel_loop3A_531 : vector<16xi32>
        tpu.vector_store_idx %arg5[%parallel_loop3A_532], %broadcast_in_dim3A_4 {add = true} : memref<4112xf32, #tpu.memory_space<vmem>>[vector<16xi32>], vector<16xf32>,
        %parallel_loop3A_533 = arith.constant 7 : i32
        %parallel_loop3A_534 = arith.addi %parallel_loop3A_398, %parallel_loop3A_533 : i32
        %parallel_loop3A_535 = arith.constant 5 : i32
        %parallel_loop3A_536 = arith.shrsi %parallel_loop3A_534, %parallel_loop3A_535 : i32
        %parallel_loop3A_537 = arith.constant 5 : i32
        %parallel_loop3A_538 = arith.shli %parallel_loop3A_536, %parallel_loop3A_537 : i32
        %parallel_loop3A_539 = arith.subi %parallel_loop3A_534, %parallel_loop3A_538 : i32
        %parallel_loop3A_540 = arith.constant 16 : i32
        %parallel_loop3A_541 = arith.muli %parallel_loop3A_539, %parallel_loop3A_540 : i32
        %parallel_loop3A_542 = arith.constant 1 : i32
        %parallel_loop3A_543 = arith.index_cast %parallel_loop3A_542 : i32 to index
        %parallel_loop3A_544 = arith.index_cast %parallel_loop3A_536 : i32 to index
        %parallel_loop3A_545 = arith.index_cast %parallel_loop3A_541 : i32 to index
        %parallel_loop3A_546 = tpu.vector_load %arg4[%parallel_loop3A_543, %parallel_loop3A_544, %parallel_loop3A_545] {strides = array<i32>} : memref<2x64x512xf32, #tpu.memory_space<vmem>>, vector<16xf32>,
        %parallel_loop3A_547 = arith.constant 2.550000e+02 : f32
        %parallel_loop3A_548 = vector.broadcast %parallel_loop3A_547 : f32 to vector<16xf32>
        %parallel_loop3A_549 = arith.mulf %parallel_loop3A_546, %parallel_loop3A_548 : vector<16xf32>
        %parallel_loop3A_550 = arith.fptosi %parallel_loop3A_549 : vector<16xf32> to vector<16xi32>
        %parallel_loop3A_551 = arith.addi %mul3A_3, %parallel_loop3A_550 : vector<16xi32>
        tpu.vector_store_idx %arg5[%parallel_loop3A_551], %broadcast_in_dim3A_4 {add = true} : memref<4112xf32, #tpu.memory_space<vmem>>[vector<16xi32>], vector<16xf32>,
        scf.yield %parallel_loop3A_399 : i32
      } {sc.loop_unroll_factor = 1 : i64, sc.parallel_access}
      %add3A_391 = arith.constant 2 : i32
      %add3A_392 = arith.addi %add3A_328, %add3A_391 : i32
      %lt3A_393 = arith.constant 8 : i32
      %lt3A_394 = arith.cmpi slt, %add3A_392, %lt3A_393 : i32
      %convert_element_type3A_395 = arith.extui %lt3A_394 : i1 to i32
      %cond3A_396 = arith.constant 0 : i32
      %cond3A_397 = arith.cmpi ne, %convert_element_type3A_395, %cond3A_396 : i32
      scf.if %cond3A_397 {
        %add3A_398 = arith.constant 2 : i32
        %add3A_399 = arith.addi %add3A_328, %add3A_398 : i32
        %jit3A_400 = arith.constant 8 : i32
        %div3A_401 = arith.divsi %add3A_15, %jit3A_400 : i32
        %sign3A_402 = arith.constant 0 : i32
        %sign3A_403 = arith.cmpi sgt, %add3A_15, %sign3A_402 : i32
        %sign3A_404 = arith.extui %sign3A_403 : i1 to i32
        %sign3A_405 = arith.constant 0 : i32
        %sign3A_406 = arith.cmpi slt, %add3A_15, %sign3A_405 : i32
        %sign3A_407 = arith.extui %sign3A_406 : i1 to i32
        %sign3A_408 = arith.subi %sign3A_404, %sign3A_407 : i32
        %sign3A_409 = arith.constant 0 : i32
        %sign3A_410 = arith.cmpi sgt, %jit3A_400, %sign3A_409 : i32
        %sign3A_411 = arith.extui %sign3A_410 : i1 to i32
        %sign3A_412 = arith.constant 0 : i32
        %sign3A_413 = arith.cmpi slt, %jit3A_400, %sign3A_412 : i32
        %sign3A_414 = arith.extui %sign3A_413 : i1 to i32
        %sign3A_415 = arith.subi %sign3A_411, %sign3A_414 : i32
        %ne3A_416 = arith.cmpi ne, %sign3A_408, %sign3A_415 : i32
        %rem3A_417 = arith.remsi %add3A_15, %jit3A_400 : i32
        %ne3A_418 = arith.constant 0 : i32
        %ne3A_419 = arith.cmpi ne, %rem3A_417, %ne3A_418 : i32
        %and3A_420 = arith.andi %ne3A_416, %ne3A_419 : i1
        %sub3A_421 = arith.constant 1 : i32
        %sub3A_422 = arith.subi %div3A_401, %sub3A_421 : i32
        %select_n3A_423 = arith.select %and3A_420, %sub3A_422, %div3A_401 : i32
        %mul3A_424 = arith.constant 512 : i32
        %mul3A_425 = arith.muli %select_n3A_423, %mul3A_424 : i32
        %mul3A_426 = arith.constant 64 : i32
        %mul3A_427 = arith.muli %add3A_399, %mul3A_426 : i32
        %add3A_428 = arith.addi %mul3A_425, %mul3A_427 : i32
        %jit3A_429 = arith.constant 8 : i32
        %eq3A_430 = arith.constant 0 : i32
        %eq3A_431 = arith.cmpi eq, %jit3A_429, %eq3A_430 : i32
        %jit3A_432 = arith.constant 1 : i32
        %select_n3A_433 = arith.select %eq3A_431, %jit3A_432, %jit3A_429 : i32
        %rem3A_434 = arith.remsi %add3A_15, %select_n3A_433 : i32
        %ne3A_435 = arith.constant 0 : i32
        %ne3A_436 = arith.cmpi ne, %rem3A_434, %ne3A_435 : i32
        %lt3A_437 = arith.constant 0 : i32
        %lt3A_438 = arith.cmpi slt, %rem3A_434, %lt3A_437 : i32
        %lt3A_439 = arith.constant 0 : i32
        %lt3A_440 = arith.cmpi slt, %select_n3A_433, %lt3A_439 : i32
        %ne3A_441 = arith.xori %lt3A_438, %lt3A_440 : i1
        %and3A_442 = arith.andi %ne3A_441, %ne3A_436 : i1
        %add3A_443 = arith.addi %rem3A_434, %select_n3A_433 : i32
        %select_n3A_444 = arith.select %and3A_442, %add3A_443, %rem3A_434 : i32
        %mul3A_445 = arith.constant 512 : i32
        %mul3A_446 = arith.muli %select_n3A_444, %mul3A_445 : i32
        %dma_start3A_447 = arith.constant 1 : i32
        %dma_start3A_448 = arith.constant 0 : i32
        %dma_start3A_449 = arith.constant 0 : i32
        %dma_start3A_450 = tpu.memref_slice %arg4[%dma_start3A_447, %dma_start3A_448, %dma_start3A_449] : memref<2x64x512xf32, #tpu.memory_space<vmem>> -> memref<1x64x512xf32, #tpu.memory_space<vmem>>
        %dma_start3A_451 = tpu.memref_squeeze %dma_start3A_450 : memref<1x64x512xf32, #tpu.memory_space<vmem>> -> memref<64x512xf32, #tpu.memory_space<vmem>>
        %dma_start3A_452 = tpu.memref_slice %arg2[%add3A_428, %mul3A_446] : memref<4096x4096xf32, #tpu.memory_space<hbm>> -> memref<64x512xf32, #tpu.memory_space<hbm>>
        %dma_start3A_453 = arith.constant 0 : i32
        %dma_start3A_454 = arith.constant 0 : i32
        %dma_start3A_455 = tpu.memref_slice %arg4[%dma_start3A_447, %dma_start3A_453, %dma_start3A_454] : memref<2x64x512xf32, #tpu.memory_space<vmem>> -> memref<1x64x512xf32, #tpu.memory_space<vmem>>
        %dma_start3A_456 = tpu.memref_squeeze %dma_start3A_455 : memref<1x64x512xf32, #tpu.memory_space<vmem>> -> memref<64x512xf32, #tpu.memory_space<vmem>>
        %dma_start3A_457 = tpu.memref_slice %arg2[%add3A_428, %mul3A_446] : memref<4096x4096xf32, #tpu.memory_space<hbm>> -> memref<64x512xf32, #tpu.memory_space<hbm>>
        tpu.enqueue_dma source(%dma_start3A_457 : memref<64x512xf32, #tpu.memory_space<hbm>>) target(%dma_start3A_456 : memref<64x512xf32, #tpu.memory_space<vmem>>) target_semaphore(%arg7 : memref<!tpu.dma_semaphore, #tpu.memory_space<semaphore_mem>>)
      } else {
      }
    }
    %scan3A_124 = arith.constant 4 : i32
    "tpu.region"() ({
      %run_scoped3A = tpu.sem_alloc : memref<!tpu.dma_semaphore, #tpu.memory_space<semaphore_mem>>
      %dma_start3A_255 = arith.constant 0 : i32
      %dma_start3A_256 = tpu.memref_slice %arg3[%add3A_15, %dma_start3A_255] : memref<64x4112xf32, #tpu.memory_space<hbm>> -> memref<1x4112xf32, #tpu.memory_space<hbm>>
      %dma_start3A_257 = tpu.memref_squeeze %dma_start3A_256 : memref<1x4112xf32, #tpu.memory_space<hbm>> -> memref<4112xf32, #tpu.memory_space<hbm>>
      %dma_start3A_258 = arith.constant 0 : i32
      %dma_start3A_259 = tpu.memref_slice %arg3[%add3A_15, %dma_start3A_258] : memref<64x4112xf32, #tpu.memory_space<hbm>> -> memref<1x4112xf32, #tpu.memory_space<hbm>>
      %dma_start3A_260 = tpu.memref_squeeze %dma_start3A_259 : memref<1x4112xf32, #tpu.memory_space<hbm>> -> memref<4112xf32, #tpu.memory_space<hbm>>
      tpu.enqueue_dma source(%arg5 : memref<4112xf32, #tpu.memory_space<vmem>>) target(%dma_start3A_260 : memref<4112xf32, #tpu.memory_space<hbm>>) target_semaphore(%run_scoped3A : memref<!tpu.dma_semaphore, #tpu.memory_space<semaphore_mem>>)
      %dma_wait3A = arith.constant 0 : i32
      %dma_wait3A_261 = tpu.memref_slice %arg3[%add3A_15, %dma_wait3A] : memref<64x4112xf32, #tpu.memory_space<hbm>> -> memref<1x4112xf32, #tpu.memory_space<hbm>>
      %dma_wait3A_262 = tpu.memref_squeeze %dma_wait3A_261 : memref<1x4112xf32, #tpu.memory_space<hbm>> -> memref<4112xf32, #tpu.memory_space<hbm>>
      %dma_wait3A_263 = arith.constant 0 : i32
      %dma_wait3A_264 = tpu.memref_slice %arg3[%add3A_15, %dma_wait3A_263] : memref<64x4112xf32, #tpu.memory_space<hbm>> -> memref<1x4112xf32, #tpu.memory_space<hbm>>
      %dma_wait3A_265 = tpu.memref_squeeze %dma_wait3A_264 : memref<1x4112xf32, #tpu.memory_space<hbm>> -> memref<4112xf32, #tpu.memory_space<hbm>>
      tpu.wait_dma2 semaphore(%run_scoped3A : memref<!tpu.dma_semaphore, #tpu.memory_space<semaphore_mem>>) src(%arg5 : memref<4112xf32, #tpu.memory_space<vmem>>) dst(%dma_wait3A_265 : memref<4112xf32, #tpu.memory_space<hbm>>)
      tpu.yield
    }) : () -> ()
    %scan3A_125 = arith.constant 0 : i32
    %scan3A_126 = arith.constant 0 : i32
    %scan3A_127 = arith.constant 257 : i32
    %scan3A_128 = arith.addi %scan3A_126, %scan3A_127 : i32
    %scan3A_129 = arith.constant 1 : i32
    scf.for %scan3A_255 = %scan3A_126 to %scan3A_128 step %scan3A_129  : i32 {
      %mul3A_256 = arith.constant 16 : i32
      %mul3A_257 = arith.muli %scan3A_255, %mul3A_256 : i32
      %swap3A = arith.index_cast %mul3A_257 : i32 to index
      %swap3A_258 = tpu.vector_load %arg5[%swap3A] {strides = array<i32>} : memref<4112xf32, #tpu.memory_space<vmem>>, vector<16xf32>,
      tpu.vector_store %arg5[%swap3A], %broadcast_in_dim3A_6 {strides = array<i32>} : memref<4112xf32, #tpu.memory_space<vmem>>, vector<16xf32>,
    }
    %scan3A_130 = arith.constant 257 : i32
    %mul3A_131 = arith.constant 2 : i32
    %mul3A_132 = arith.muli %add3A, %mul3A_131 : i32
    %add3A_133 = arith.constant 1 : i32
    %add3A_134 = arith.addi %mul3A_132, %add3A_133 : i32
    %jit3A_135 = arith.constant 8 : i32
    %div3A_136 = arith.divsi %add3A_134, %jit3A_135 : i32
    %sign3A_137 = arith.constant 0 : i32
    %sign3A_138 = arith.cmpi sgt, %add3A_134, %sign3A_137 : i32
    %sign3A_139 = arith.extui %sign3A_138 : i1 to i32
    %sign3A_140 = arith.constant 0 : i32
    %sign3A_141 = arith.cmpi slt, %add3A_134, %sign3A_140 : i32
    %sign3A_142 = arith.extui %sign3A_141 : i1 to i32
    %sign3A_143 = arith.subi %sign3A_139, %sign3A_142 : i32
    %sign3A_144 = arith.constant 0 : i32
    %sign3A_145 = arith.cmpi sgt, %jit3A_135, %sign3A_144 : i32
    %sign3A_146 = arith.extui %sign3A_145 : i1 to i32
    %sign3A_147 = arith.constant 0 : i32
    %sign3A_148 = arith.cmpi slt, %jit3A_135, %sign3A_147 : i32
    %sign3A_149 = arith.extui %sign3A_148 : i1 to i32
    %sign3A_150 = arith.subi %sign3A_146, %sign3A_149 : i32
    %ne3A_151 = arith.cmpi ne, %sign3A_143, %sign3A_150 : i32
    %rem3A_152 = arith.remsi %add3A_134, %jit3A_135 : i32
    %ne3A_153 = arith.constant 0 : i32
    %ne3A_154 = arith.cmpi ne, %rem3A_152, %ne3A_153 : i32
    %and3A_155 = arith.andi %ne3A_151, %ne3A_154 : i1
    %sub3A_156 = arith.constant 1 : i32
    %sub3A_157 = arith.subi %div3A_136, %sub3A_156 : i32
    %select_n3A_158 = arith.select %and3A_155, %sub3A_157, %div3A_136 : i32
    %mul3A_159 = arith.constant 512 : i32
    %mul3A_160 = arith.muli %select_n3A_158, %mul3A_159 : i32
    %add3A_161 = arith.constant 0 : i32
    %add3A_162 = arith.addi %mul3A_160, %add3A_161 : i32
    %jit3A_163 = arith.constant 8 : i32
    %eq3A_164 = arith.constant 0 : i32
    %eq3A_165 = arith.cmpi eq, %jit3A_163, %eq3A_164 : i32
    %jit3A_166 = arith.constant 1 : i32
    %select_n3A_167 = arith.select %eq3A_165, %jit3A_166, %jit3A_163 : i32
    %rem3A_168 = arith.remsi %add3A_134, %select_n3A_167 : i32
    %ne3A_169 = arith.constant 0 : i32
    %ne3A_170 = arith.cmpi ne, %rem3A_168, %ne3A_169 : i32
    %lt3A_171 = arith.constant 0 : i32
    %lt3A_172 = arith.cmpi slt, %rem3A_168, %lt3A_171 : i32
    %lt3A_173 = arith.constant 0 : i32
    %lt3A_174 = arith.cmpi slt, %select_n3A_167, %lt3A_173 : i32
    %ne3A_175 = arith.xori %lt3A_172, %lt3A_174 : i1
    %and3A_176 = arith.andi %ne3A_175, %ne3A_170 : i1
    %add3A_177 = arith.addi %rem3A_168, %select_n3A_167 : i32
    %select_n3A_178 = arith.select %and3A_176, %add3A_177, %rem3A_168 : i32
    %mul3A_179 = arith.constant 512 : i32
    %mul3A_180 = arith.muli %select_n3A_178, %mul3A_179 : i32
    %dma_start3A_181 = arith.constant 0 : i32
    %dma_start3A_182 = arith.constant 0 : i32
    %dma_start3A_183 = arith.constant 0 : i32
    %dma_start3A_184 = tpu.memref_slice %arg4[%dma_start3A_181, %dma_start3A_182, %dma_start3A_183] : memref<2x64x512xf32, #tpu.memory_space<vmem>> -> memref<1x64x512xf32, #tpu.memory_space<vmem>>
    %dma_start3A_185 = tpu.memref_squeeze %dma_start3A_184 : memref<1x64x512xf32, #tpu.memory_space<vmem>> -> memref<64x512xf32, #tpu.memory_space<vmem>>
    %dma_start3A_186 = tpu.memref_slice %arg2[%add3A_162, %mul3A_180] : memref<4096x4096xf32, #tpu.memory_space<hbm>> -> memref<64x512xf32, #tpu.memory_space<hbm>>
    %dma_start3A_187 = arith.constant 0 : i32
    %dma_start3A_188 = arith.constant 0 : i32
    %dma_start3A_189 = tpu.memref_slice %arg4[%dma_start3A_181, %dma_start3A_187, %dma_start3A_188] : memref<2x64x512xf32, #tpu.memory_space<vmem>> -> memref<1x64x512xf32, #tpu.memory_space<vmem>>
    %dma_start3A_190 = tpu.memref_squeeze %dma_start3A_189 : memref<1x64x512xf32, #tpu.memory_space<vmem>> -> memref<64x512xf32, #tpu.memory_space<vmem>>
    %dma_start3A_191 = tpu.memref_slice %arg2[%add3A_162, %mul3A_180] : memref<4096x4096xf32, #tpu.memory_space<hbm>> -> memref<64x512xf32, #tpu.memory_space<hbm>>
    tpu.enqueue_dma source(%dma_start3A_191 : memref<64x512xf32, #tpu.memory_space<hbm>>) target(%dma_start3A_190 : memref<64x512xf32, #tpu.memory_space<vmem>>) target_semaphore(%arg6 : memref<!tpu.dma_semaphore, #tpu.memory_space<semaphore_mem>>)
    %jit3A_192 = arith.constant 8 : i32
    %div3A_193 = arith.divsi %add3A_134, %jit3A_192 : i32
    %sign3A_194 = arith.constant 0 : i32
    %sign3A_195 = arith.cmpi sgt, %add3A_134, %sign3A_194 : i32
    %sign3A_196 = arith.extui %sign3A_195 : i1 to i32
    %sign3A_197 = arith.constant 0 : i32
    %sign3A_198 = arith.cmpi slt, %add3A_134, %sign3A_197 : i32
    %sign3A_199 = arith.extui %sign3A_198 : i1 to i32
    %sign3A_200 = arith.subi %sign3A_196, %sign3A_199 : i32
    %sign3A_201 = arith.constant 0 : i32
    %sign3A_202 = arith.cmpi sgt, %jit3A_192, %sign3A_201 : i32
    %sign3A_203 = arith.extui %sign3A_202 : i1 to i32
    %sign3A_204 = arith.constant 0 : i32
    %sign3A_205 = arith.cmpi slt, %jit3A_192, %sign3A_204 : i32
    %sign3A_206 = arith.extui %sign3A_205 : i1 to i32
    %sign3A_207 = arith.subi %sign3A_203, %sign3A_206 : i32
    %ne3A_208 = arith.cmpi ne, %sign3A_200, %sign3A_207 : i32
    %rem3A_209 = arith.remsi %add3A_134, %jit3A_192 : i32
    %ne3A_210 = arith.constant 0 : i32
    %ne3A_211 = arith.cmpi ne, %rem3A_209, %ne3A_210 : i32
    %and3A_212 = arith.andi %ne3A_208, %ne3A_211 : i1
    %sub3A_213 = arith.constant 1 : i32
    %sub3A_214 = arith.subi %div3A_193, %sub3A_213 : i32
    %select_n3A_215 = arith.select %and3A_212, %sub3A_214, %div3A_193 : i32
    %mul3A_216 = arith.constant 512 : i32
    %mul3A_217 = arith.muli %select_n3A_215, %mul3A_216 : i32
    %add3A_218 = arith.constant 64 : i32
    %add3A_219 = arith.addi %mul3A_217, %add3A_218 : i32
    %jit3A_220 = arith.constant 8 : i32
    %eq3A_221 = arith.constant 0 : i32
    %eq3A_222 = arith.cmpi eq, %jit3A_220, %eq3A_221 : i32
    %jit3A_223 = arith.constant 1 : i32
    %select_n3A_224 = arith.select %eq3A_222, %jit3A_223, %jit3A_220 : i32
    %rem3A_225 = arith.remsi %add3A_134, %select_n3A_224 : i32
    %ne3A_226 = arith.constant 0 : i32
    %ne3A_227 = arith.cmpi ne, %rem3A_225, %ne3A_226 : i32
    %lt3A_228 = arith.constant 0 : i32
    %lt3A_229 = arith.cmpi slt, %rem3A_225, %lt3A_228 : i32
    %lt3A_230 = arith.constant 0 : i32
    %lt3A_231 = arith.cmpi slt, %select_n3A_224, %lt3A_230 : i32
    %ne3A_232 = arith.xori %lt3A_229, %lt3A_231 : i1
    %and3A_233 = arith.andi %ne3A_232, %ne3A_227 : i1
    %add3A_234 = arith.addi %rem3A_225, %select_n3A_224 : i32
    %select_n3A_235 = arith.select %and3A_233, %add3A_234, %rem3A_225 : i32
    %mul3A_236 = arith.constant 512 : i32
    %mul3A_237 = arith.muli %select_n3A_235, %mul3A_236 : i32
    %dma_start3A_238 = arith.constant 1 : i32
    %dma_start3A_239 = arith.constant 0 : i32
    %dma_start3A_240 = arith.constant 0 : i32
    %dma_start3A_241 = tpu.memref_slice %arg4[%dma_start3A_238, %dma_start3A_239, %dma_start3A_240] : memref<2x64x512xf32, #tpu.memory_space<vmem>> -> memref<1x64x512xf32, #tpu.memory_space<vmem>>
    %dma_start3A_242 = tpu.memref_squeeze %dma_start3A_241 : memref<1x64x512xf32, #tpu.memory_space<vmem>> -> memref<64x512xf32, #tpu.memory_space<vmem>>
    %dma_start3A_243 = tpu.memref_slice %arg2[%add3A_219, %mul3A_237] : memref<4096x4096xf32, #tpu.memory_space<hbm>> -> memref<64x512xf32, #tpu.memory_space<hbm>>
    %dma_start3A_244 = arith.constant 0 : i32
    %dma_start3A_245 = arith.constant 0 : i32
    %dma_start3A_246 = tpu.memref_slice %arg4[%dma_start3A_238, %dma_start3A_244, %dma_start3A_245] : memref<2x64x512xf32, #tpu.memory_space<vmem>> -> memref<1x64x512xf32, #tpu.memory_space<vmem>>
    %dma_start3A_247 = tpu.memref_squeeze %dma_start3A_246 : memref<1x64x512xf32, #tpu.memory_space<vmem>> -> memref<64x512xf32, #tpu.memory_space<vmem>>
    %dma_start3A_248 = tpu.memref_slice %arg2[%add3A_219, %mul3A_237] : memref<4096x4096xf32, #tpu.memory_space<hbm>> -> memref<64x512xf32, #tpu.memory_space<hbm>>
    tpu.enqueue_dma source(%dma_start3A_248 : memref<64x512xf32, #tpu.memory_space<hbm>>) target(%dma_start3A_247 : memref<64x512xf32, #tpu.memory_space<vmem>>) target_semaphore(%arg7 : memref<!tpu.dma_semaphore, #tpu.memory_space<semaphore_mem>>)
    %scan3A_249 = arith.constant 0 : i32
    %scan3A_250 = arith.constant 0 : i32
    %scan3A_251 = arith.constant 4 : i32
    %scan3A_252 = arith.addi %scan3A_250, %scan3A_251 : i32
    %scan3A_253 = arith.constant 1 : i32
    scf.for %scan3A_255 = %scan3A_250 to %scan3A_252 step %scan3A_253  : i32 {
      %mul3A_256 = arith.constant 2 : i32
      %mul3A_257 = arith.muli %mul3A_256, %scan3A_255 : i32
      %add3A_258 = arith.constant 0 : i32
      %add3A_259 = arith.addi %mul3A_257, %add3A_258 : i32
      %jit3A_260 = arith.constant 8 : i32
      %div3A_261 = arith.divsi %add3A_134, %jit3A_260 : i32
      %sign3A_262 = arith.constant 0 : i32
      %sign3A_263 = arith.cmpi sgt, %add3A_134, %sign3A_262 : i32
      %sign3A_264 = arith.extui %sign3A_263 : i1 to i32
      %sign3A_265 = arith.constant 0 : i32
      %sign3A_266 = arith.cmpi slt, %add3A_134, %sign3A_265 : i32
      %sign3A_267 = arith.extui %sign3A_266 : i1 to i32
      %sign3A_268 = arith.subi %sign3A_264, %sign3A_267 : i32
      %sign3A_269 = arith.constant 0 : i32
      %sign3A_270 = arith.cmpi sgt, %jit3A_260, %sign3A_269 : i32
      %sign3A_271 = arith.extui %sign3A_270 : i1 to i32
      %sign3A_272 = arith.constant 0 : i32
      %sign3A_273 = arith.cmpi slt, %jit3A_260, %sign3A_272 : i32
      %sign3A_274 = arith.extui %sign3A_273 : i1 to i32
      %sign3A_275 = arith.subi %sign3A_271, %sign3A_274 : i32
      %ne3A_276 = arith.cmpi ne, %sign3A_268, %sign3A_275 : i32
      %rem3A_277 = arith.remsi %add3A_134, %jit3A_260 : i32
      %ne3A_278 = arith.constant 0 : i32
      %ne3A_279 = arith.cmpi ne, %rem3A_277, %ne3A_278 : i32
      %and3A_280 = arith.andi %ne3A_276, %ne3A_279 : i1
      %sub3A_281 = arith.constant 1 : i32
      %sub3A_282 = arith.subi %div3A_261, %sub3A_281 : i32
      %select_n3A_283 = arith.select %and3A_280, %sub3A_282, %div3A_261 : i32
      %mul3A_284 = arith.constant 512 : i32
      %mul3A_285 = arith.muli %select_n3A_283, %mul3A_284 : i32
      %add3A_286 = arith.constant 0 : i32
      %add3A_287 = arith.addi %mul3A_285, %add3A_286 : i32
      %jit3A_288 = arith.constant 8 : i32
      %eq3A_289 = arith.constant 0 : i32
      %eq3A_290 = arith.cmpi eq, %jit3A_288, %eq3A_289 : i32
      %jit3A_291 = arith.constant 1 : i32
      %select_n3A_292 = arith.select %eq3A_290, %jit3A_291, %jit3A_288 : i32
      %rem3A_293 = arith.remsi %add3A_134, %select_n3A_292 : i32
      %ne3A_294 = arith.constant 0 : i32
      %ne3A_295 = arith.cmpi ne, %rem3A_293, %ne3A_294 : i32
      %lt3A_296 = arith.constant 0 : i32
      %lt3A_297 = arith.cmpi slt, %rem3A_293, %lt3A_296 : i32
      %lt3A_298 = arith.constant 0 : i32
      %lt3A_299 = arith.cmpi slt, %select_n3A_292, %lt3A_298 : i32
      %ne3A_300 = arith.xori %lt3A_297, %lt3A_299 : i1
      %and3A_301 = arith.andi %ne3A_300, %ne3A_295 : i1
      %add3A_302 = arith.addi %rem3A_293, %select_n3A_292 : i32
      %select_n3A_303 = arith.select %and3A_301, %add3A_302, %rem3A_293 : i32
      %mul3A_304 = arith.constant 512 : i32
      %mul3A_305 = arith.muli %select_n3A_303, %mul3A_304 : i32
      %dma_wait3A = arith.constant 0 : i32
      %dma_wait3A_306 = arith.constant 0 : i32
      %dma_wait3A_307 = arith.constant 0 : i32
      %dma_wait3A_308 = tpu.memref_slice %arg4[%dma_wait3A, %dma_wait3A_306, %dma_wait3A_307] : memref<2x64x512xf32, #tpu.memory_space<vmem>> -> memref<1x64x512xf32, #tpu.memory_space<vmem>>
      %dma_wait3A_309 = tpu.memref_squeeze %dma_wait3A_308 : memref<1x64x512xf32, #tpu.memory_space<vmem>> -> memref<64x512xf32, #tpu.memory_space<vmem>>
      %dma_wait3A_310 = tpu.memref_slice %arg2[%add3A_287, %mul3A_305] : memref<4096x4096xf32, #tpu.memory_space<hbm>> -> memref<64x512xf32, #tpu.memory_space<hbm>>
      %dma_wait3A_311 = arith.constant 0 : i32
      %dma_wait3A_312 = arith.constant 0 : i32
      %dma_wait3A_313 = tpu.memref_slice %arg4[%dma_wait3A, %dma_wait3A_311, %dma_wait3A_312] : memref<2x64x512xf32, #tpu.memory_space<vmem>> -> memref<1x64x512xf32, #tpu.memory_space<vmem>>
      %dma_wait3A_314 = tpu.memref_squeeze %dma_wait3A_313 : memref<1x64x512xf32, #tpu.memory_space<vmem>> -> memref<64x512xf32, #tpu.memory_space<vmem>>
      %dma_wait3A_315 = tpu.memref_slice %arg2[%add3A_287, %mul3A_305] : memref<4096x4096xf32, #tpu.memory_space<hbm>> -> memref<64x512xf32, #tpu.memory_space<hbm>>
      tpu.wait_dma2 semaphore(%arg6 : memref<!tpu.dma_semaphore, #tpu.memory_space<semaphore_mem>>) src(%dma_wait3A_315 : memref<64x512xf32, #tpu.memory_space<hbm>>) dst(%dma_wait3A_314 : memref<64x512xf32, #tpu.memory_space<vmem>>)
      %parallel_loop3A = arith.constant 0 : i32
      %parallel_loop3A_316 = arith.constant 2048 : i32
      %parallel_loop3A_317 = arith.constant 8 : i32
      %parallel_loop3A_318 = arith.constant 0 : i32
      %parallel_loop3A_319 = scf.for %parallel_loop3A_398 = %parallel_loop3A to %parallel_loop3A_316 step %parallel_loop3A_317 iter_args(%parallel_loop3A_399 = %parallel_loop3A_318) -> (i32)  : i32 {
        %parallel_loop3A_400 = arith.constant 0 : i32
        %parallel_loop3A_401 = arith.addi %parallel_loop3A_398, %parallel_loop3A_400 : i32
        %parallel_loop3A_402 = arith.constant 5 : i32
        %parallel_loop3A_403 = arith.shrsi %parallel_loop3A_401, %parallel_loop3A_402 : i32
        %parallel_loop3A_404 = arith.constant 5 : i32
        %parallel_loop3A_405 = arith.shli %parallel_loop3A_403, %parallel_loop3A_404 : i32
        %parallel_loop3A_406 = arith.subi %parallel_loop3A_401, %parallel_loop3A_405 : i32
        %parallel_loop3A_407 = arith.constant 16 : i32
        %parallel_loop3A_408 = arith.muli %parallel_loop3A_406, %parallel_loop3A_407 : i32
        %parallel_loop3A_409 = arith.constant 0 : i32
        %parallel_loop3A_410 = arith.index_cast %parallel_loop3A_409 : i32 to index
        %parallel_loop3A_411 = arith.index_cast %parallel_loop3A_403 : i32 to index
        %parallel_loop3A_412 = arith.index_cast %parallel_loop3A_408 : i32 to index
        %parallel_loop3A_413 = tpu.vector_load %arg4[%parallel_loop3A_410, %parallel_loop3A_411, %parallel_loop3A_412] {strides = array<i32>} : memref<2x64x512xf32, #tpu.memory_space<vmem>>, vector<16xf32>,
        %parallel_loop3A_414 = arith.constant 2.550000e+02 : f32
        %parallel_loop3A_415 = vector.broadcast %parallel_loop3A_414 : f32 to vector<16xf32>
        %parallel_loop3A_416 = arith.mulf %parallel_loop3A_413, %parallel_loop3A_415 : vector<16xf32>
        %parallel_loop3A_417 = arith.fptosi %parallel_loop3A_416 : vector<16xf32> to vector<16xi32>
        %parallel_loop3A_418 = arith.addi %mul3A_3, %parallel_loop3A_417 : vector<16xi32>
        tpu.vector_store_idx %arg5[%parallel_loop3A_418], %broadcast_in_dim3A_4 {add = true} : memref<4112xf32, #tpu.memory_space<vmem>>[vector<16xi32>], vector<16xf32>,
        %parallel_loop3A_419 = arith.constant 1 : i32
        %parallel_loop3A_420 = arith.addi %parallel_loop3A_398, %parallel_loop3A_419 : i32
        %parallel_loop3A_421 = arith.constant 5 : i32
        %parallel_loop3A_422 = arith.shrsi %parallel_loop3A_420, %parallel_loop3A_421 : i32
        %parallel_loop3A_423 = arith.constant 5 : i32
        %parallel_loop3A_424 = arith.shli %parallel_loop3A_422, %parallel_loop3A_423 : i32
        %parallel_loop3A_425 = arith.subi %parallel_loop3A_420, %parallel_loop3A_424 : i32
        %parallel_loop3A_426 = arith.constant 16 : i32
        %parallel_loop3A_427 = arith.muli %parallel_loop3A_425, %parallel_loop3A_426 : i32
        %parallel_loop3A_428 = arith.constant 0 : i32
        %parallel_loop3A_429 = arith.index_cast %parallel_loop3A_428 : i32 to index
        %parallel_loop3A_430 = arith.index_cast %parallel_loop3A_422 : i32 to index
        %parallel_loop3A_431 = arith.index_cast %parallel_loop3A_427 : i32 to index
        %parallel_loop3A_432 = tpu.vector_load %arg4[%parallel_loop3A_429, %parallel_loop3A_430, %parallel_loop3A_431] {strides = array<i32>} : memref<2x64x512xf32, #tpu.memory_space<vmem>>, vector<16xf32>,
        %parallel_loop3A_433 = arith.constant 2.550000e+02 : f32
        %parallel_loop3A_434 = vector.broadcast %parallel_loop3A_433 : f32 to vector<16xf32>
        %parallel_loop3A_435 = arith.mulf %parallel_loop3A_432, %parallel_loop3A_434 : vector<16xf32>
        %parallel_loop3A_436 = arith.fptosi %parallel_loop3A_435 : vector<16xf32> to vector<16xi32>
        %parallel_loop3A_437 = arith.addi %mul3A_3, %parallel_loop3A_436 : vector<16xi32>
        tpu.vector_store_idx %arg5[%parallel_loop3A_437], %broadcast_in_dim3A_4 {add = true} : memref<4112xf32, #tpu.memory_space<vmem>>[vector<16xi32>], vector<16xf32>,
        %parallel_loop3A_438 = arith.constant 2 : i32
        %parallel_loop3A_439 = arith.addi %parallel_loop3A_398, %parallel_loop3A_438 : i32
        %parallel_loop3A_440 = arith.constant 5 : i32
        %parallel_loop3A_441 = arith.shrsi %parallel_loop3A_439, %parallel_loop3A_440 : i32
        %parallel_loop3A_442 = arith.constant 5 : i32
        %parallel_loop3A_443 = arith.shli %parallel_loop3A_441, %parallel_loop3A_442 : i32
        %parallel_loop3A_444 = arith.subi %parallel_loop3A_439, %parallel_loop3A_443 : i32
        %parallel_loop3A_445 = arith.constant 16 : i32
        %parallel_loop3A_446 = arith.muli %parallel_loop3A_444, %parallel_loop3A_445 : i32
        %parallel_loop3A_447 = arith.constant 0 : i32
        %parallel_loop3A_448 = arith.index_cast %parallel_loop3A_447 : i32 to index
        %parallel_loop3A_449 = arith.index_cast %parallel_loop3A_441 : i32 to index
        %parallel_loop3A_450 = arith.index_cast %parallel_loop3A_446 : i32 to index
        %parallel_loop3A_451 = tpu.vector_load %arg4[%parallel_loop3A_448, %parallel_loop3A_449, %parallel_loop3A_450] {strides = array<i32>} : memref<2x64x512xf32, #tpu.memory_space<vmem>>, vector<16xf32>,
        %parallel_loop3A_452 = arith.constant 2.550000e+02 : f32
        %parallel_loop3A_453 = vector.broadcast %parallel_loop3A_452 : f32 to vector<16xf32>
        %parallel_loop3A_454 = arith.mulf %parallel_loop3A_451, %parallel_loop3A_453 : vector<16xf32>
        %parallel_loop3A_455 = arith.fptosi %parallel_loop3A_454 : vector<16xf32> to vector<16xi32>
        %parallel_loop3A_456 = arith.addi %mul3A_3, %parallel_loop3A_455 : vector<16xi32>
        tpu.vector_store_idx %arg5[%parallel_loop3A_456], %broadcast_in_dim3A_4 {add = true} : memref<4112xf32, #tpu.memory_space<vmem>>[vector<16xi32>], vector<16xf32>,
        %parallel_loop3A_457 = arith.constant 3 : i32
        %parallel_loop3A_458 = arith.addi %parallel_loop3A_398, %parallel_loop3A_457 : i32
        %parallel_loop3A_459 = arith.constant 5 : i32
        %parallel_loop3A_460 = arith.shrsi %parallel_loop3A_458, %parallel_loop3A_459 : i32
        %parallel_loop3A_461 = arith.constant 5 : i32
        %parallel_loop3A_462 = arith.shli %parallel_loop3A_460, %parallel_loop3A_461 : i32
        %parallel_loop3A_463 = arith.subi %parallel_loop3A_458, %parallel_loop3A_462 : i32
        %parallel_loop3A_464 = arith.constant 16 : i32
        %parallel_loop3A_465 = arith.muli %parallel_loop3A_463, %parallel_loop3A_464 : i32
        %parallel_loop3A_466 = arith.constant 0 : i32
        %parallel_loop3A_467 = arith.index_cast %parallel_loop3A_466 : i32 to index
        %parallel_loop3A_468 = arith.index_cast %parallel_loop3A_460 : i32 to index
        %parallel_loop3A_469 = arith.index_cast %parallel_loop3A_465 : i32 to index
        %parallel_loop3A_470 = tpu.vector_load %arg4[%parallel_loop3A_467, %parallel_loop3A_468, %parallel_loop3A_469] {strides = array<i32>} : memref<2x64x512xf32, #tpu.memory_space<vmem>>, vector<16xf32>,
        %parallel_loop3A_471 = arith.constant 2.550000e+02 : f32
        %parallel_loop3A_472 = vector.broadcast %parallel_loop3A_471 : f32 to vector<16xf32>
        %parallel_loop3A_473 = arith.mulf %parallel_loop3A_470, %parallel_loop3A_472 : vector<16xf32>
        %parallel_loop3A_474 = arith.fptosi %parallel_loop3A_473 : vector<16xf32> to vector<16xi32>
        %parallel_loop3A_475 = arith.addi %mul3A_3, %parallel_loop3A_474 : vector<16xi32>
        tpu.vector_store_idx %arg5[%parallel_loop3A_475], %broadcast_in_dim3A_4 {add = true} : memref<4112xf32, #tpu.memory_space<vmem>>[vector<16xi32>], vector<16xf32>,
        %parallel_loop3A_476 = arith.constant 4 : i32
        %parallel_loop3A_477 = arith.addi %parallel_loop3A_398, %parallel_loop3A_476 : i32
        %parallel_loop3A_478 = arith.constant 5 : i32
        %parallel_loop3A_479 = arith.shrsi %parallel_loop3A_477, %parallel_loop3A_478 : i32
        %parallel_loop3A_480 = arith.constant 5 : i32
        %parallel_loop3A_481 = arith.shli %parallel_loop3A_479, %parallel_loop3A_480 : i32
        %parallel_loop3A_482 = arith.subi %parallel_loop3A_477, %parallel_loop3A_481 : i32
        %parallel_loop3A_483 = arith.constant 16 : i32
        %parallel_loop3A_484 = arith.muli %parallel_loop3A_482, %parallel_loop3A_483 : i32
        %parallel_loop3A_485 = arith.constant 0 : i32
        %parallel_loop3A_486 = arith.index_cast %parallel_loop3A_485 : i32 to index
        %parallel_loop3A_487 = arith.index_cast %parallel_loop3A_479 : i32 to index
        %parallel_loop3A_488 = arith.index_cast %parallel_loop3A_484 : i32 to index
        %parallel_loop3A_489 = tpu.vector_load %arg4[%parallel_loop3A_486, %parallel_loop3A_487, %parallel_loop3A_488] {strides = array<i32>} : memref<2x64x512xf32, #tpu.memory_space<vmem>>, vector<16xf32>,
        %parallel_loop3A_490 = arith.constant 2.550000e+02 : f32
        %parallel_loop3A_491 = vector.broadcast %parallel_loop3A_490 : f32 to vector<16xf32>
        %parallel_loop3A_492 = arith.mulf %parallel_loop3A_489, %parallel_loop3A_491 : vector<16xf32>
        %parallel_loop3A_493 = arith.fptosi %parallel_loop3A_492 : vector<16xf32> to vector<16xi32>
        %parallel_loop3A_494 = arith.addi %mul3A_3, %parallel_loop3A_493 : vector<16xi32>
        tpu.vector_store_idx %arg5[%parallel_loop3A_494], %broadcast_in_dim3A_4 {add = true} : memref<4112xf32, #tpu.memory_space<vmem>>[vector<16xi32>], vector<16xf32>,
        %parallel_loop3A_495 = arith.constant 5 : i32
        %parallel_loop3A_496 = arith.addi %parallel_loop3A_398, %parallel_loop3A_495 : i32
        %parallel_loop3A_497 = arith.constant 5 : i32
        %parallel_loop3A_498 = arith.shrsi %parallel_loop3A_496, %parallel_loop3A_497 : i32
        %parallel_loop3A_499 = arith.constant 5 : i32
        %parallel_loop3A_500 = arith.shli %parallel_loop3A_498, %parallel_loop3A_499 : i32
        %parallel_loop3A_501 = arith.subi %parallel_loop3A_496, %parallel_loop3A_500 : i32
        %parallel_loop3A_502 = arith.constant 16 : i32
        %parallel_loop3A_503 = arith.muli %parallel_loop3A_501, %parallel_loop3A_502 : i32
        %parallel_loop3A_504 = arith.constant 0 : i32
        %parallel_loop3A_505 = arith.index_cast %parallel_loop3A_504 : i32 to index
        %parallel_loop3A_506 = arith.index_cast %parallel_loop3A_498 : i32 to index
        %parallel_loop3A_507 = arith.index_cast %parallel_loop3A_503 : i32 to index
        %parallel_loop3A_508 = tpu.vector_load %arg4[%parallel_loop3A_505, %parallel_loop3A_506, %parallel_loop3A_507] {strides = array<i32>} : memref<2x64x512xf32, #tpu.memory_space<vmem>>, vector<16xf32>,
        %parallel_loop3A_509 = arith.constant 2.550000e+02 : f32
        %parallel_loop3A_510 = vector.broadcast %parallel_loop3A_509 : f32 to vector<16xf32>
        %parallel_loop3A_511 = arith.mulf %parallel_loop3A_508, %parallel_loop3A_510 : vector<16xf32>
        %parallel_loop3A_512 = arith.fptosi %parallel_loop3A_511 : vector<16xf32> to vector<16xi32>
        %parallel_loop3A_513 = arith.addi %mul3A_3, %parallel_loop3A_512 : vector<16xi32>
        tpu.vector_store_idx %arg5[%parallel_loop3A_513], %broadcast_in_dim3A_4 {add = true} : memref<4112xf32, #tpu.memory_space<vmem>>[vector<16xi32>], vector<16xf32>,
        %parallel_loop3A_514 = arith.constant 6 : i32
        %parallel_loop3A_515 = arith.addi %parallel_loop3A_398, %parallel_loop3A_514 : i32
        %parallel_loop3A_516 = arith.constant 5 : i32
        %parallel_loop3A_517 = arith.shrsi %parallel_loop3A_515, %parallel_loop3A_516 : i32
        %parallel_loop3A_518 = arith.constant 5 : i32
        %parallel_loop3A_519 = arith.shli %parallel_loop3A_517, %parallel_loop3A_518 : i32
        %parallel_loop3A_520 = arith.subi %parallel_loop3A_515, %parallel_loop3A_519 : i32
        %parallel_loop3A_521 = arith.constant 16 : i32
        %parallel_loop3A_522 = arith.muli %parallel_loop3A_520, %parallel_loop3A_521 : i32
        %parallel_loop3A_523 = arith.constant 0 : i32
        %parallel_loop3A_524 = arith.index_cast %parallel_loop3A_523 : i32 to index
        %parallel_loop3A_525 = arith.index_cast %parallel_loop3A_517 : i32 to index
        %parallel_loop3A_526 = arith.index_cast %parallel_loop3A_522 : i32 to index
        %parallel_loop3A_527 = tpu.vector_load %arg4[%parallel_loop3A_524, %parallel_loop3A_525, %parallel_loop3A_526] {strides = array<i32>} : memref<2x64x512xf32, #tpu.memory_space<vmem>>, vector<16xf32>,
        %parallel_loop3A_528 = arith.constant 2.550000e+02 : f32
        %parallel_loop3A_529 = vector.broadcast %parallel_loop3A_528 : f32 to vector<16xf32>
        %parallel_loop3A_530 = arith.mulf %parallel_loop3A_527, %parallel_loop3A_529 : vector<16xf32>
        %parallel_loop3A_531 = arith.fptosi %parallel_loop3A_530 : vector<16xf32> to vector<16xi32>
        %parallel_loop3A_532 = arith.addi %mul3A_3, %parallel_loop3A_531 : vector<16xi32>
        tpu.vector_store_idx %arg5[%parallel_loop3A_532], %broadcast_in_dim3A_4 {add = true} : memref<4112xf32, #tpu.memory_space<vmem>>[vector<16xi32>], vector<16xf32>,
        %parallel_loop3A_533 = arith.constant 7 : i32
        %parallel_loop3A_534 = arith.addi %parallel_loop3A_398, %parallel_loop3A_533 : i32
        %parallel_loop3A_535 = arith.constant 5 : i32
        %parallel_loop3A_536 = arith.shrsi %parallel_loop3A_534, %parallel_loop3A_535 : i32
        %parallel_loop3A_537 = arith.constant 5 : i32
        %parallel_loop3A_538 = arith.shli %parallel_loop3A_536, %parallel_loop3A_537 : i32
        %parallel_loop3A_539 = arith.subi %parallel_loop3A_534, %parallel_loop3A_538 : i32
        %parallel_loop3A_540 = arith.constant 16 : i32
        %parallel_loop3A_541 = arith.muli %parallel_loop3A_539, %parallel_loop3A_540 : i32
        %parallel_loop3A_542 = arith.constant 0 : i32
        %parallel_loop3A_543 = arith.index_cast %parallel_loop3A_542 : i32 to index
        %parallel_loop3A_544 = arith.index_cast %parallel_loop3A_536 : i32 to index
        %parallel_loop3A_545 = arith.index_cast %parallel_loop3A_541 : i32 to index
        %parallel_loop3A_546 = tpu.vector_load %arg4[%parallel_loop3A_543, %parallel_loop3A_544, %parallel_loop3A_545] {strides = array<i32>} : memref<2x64x512xf32, #tpu.memory_space<vmem>>, vector<16xf32>,
        %parallel_loop3A_547 = arith.constant 2.550000e+02 : f32
        %parallel_loop3A_548 = vector.broadcast %parallel_loop3A_547 : f32 to vector<16xf32>
        %parallel_loop3A_549 = arith.mulf %parallel_loop3A_546, %parallel_loop3A_548 : vector<16xf32>
        %parallel_loop3A_550 = arith.fptosi %parallel_loop3A_549 : vector<16xf32> to vector<16xi32>
        %parallel_loop3A_551 = arith.addi %mul3A_3, %parallel_loop3A_550 : vector<16xi32>
        tpu.vector_store_idx %arg5[%parallel_loop3A_551], %broadcast_in_dim3A_4 {add = true} : memref<4112xf32, #tpu.memory_space<vmem>>[vector<16xi32>], vector<16xf32>,
        scf.yield %parallel_loop3A_399 : i32
      } {sc.loop_unroll_factor = 1 : i64, sc.parallel_access}
      %add3A_320 = arith.constant 2 : i32
      %add3A_321 = arith.addi %add3A_259, %add3A_320 : i32
      %lt3A_322 = arith.constant 8 : i32
      %lt3A_323 = arith.cmpi slt, %add3A_321, %lt3A_322 : i32
      %convert_element_type3A = arith.extui %lt3A_323 : i1 to i32
      %cond3A = arith.constant 0 : i32
      %cond3A_324 = arith.cmpi ne, %convert_element_type3A, %cond3A : i32
      scf.if %cond3A_324 {
        %add3A_398 = arith.constant 2 : i32
        %add3A_399 = arith.addi %add3A_259, %add3A_398 : i32
        %jit3A_400 = arith.constant 8 : i32
        %div3A_401 = arith.divsi %add3A_134, %jit3A_400 : i32
        %sign3A_402 = arith.constant 0 : i32
        %sign3A_403 = arith.cmpi sgt, %add3A_134, %sign3A_402 : i32
        %sign3A_404 = arith.extui %sign3A_403 : i1 to i32
        %sign3A_405 = arith.constant 0 : i32
        %sign3A_406 = arith.cmpi slt, %add3A_134, %sign3A_405 : i32
        %sign3A_407 = arith.extui %sign3A_406 : i1 to i32
        %sign3A_408 = arith.subi %sign3A_404, %sign3A_407 : i32
        %sign3A_409 = arith.constant 0 : i32
        %sign3A_410 = arith.cmpi sgt, %jit3A_400, %sign3A_409 : i32
        %sign3A_411 = arith.extui %sign3A_410 : i1 to i32
        %sign3A_412 = arith.constant 0 : i32
        %sign3A_413 = arith.cmpi slt, %jit3A_400, %sign3A_412 : i32
        %sign3A_414 = arith.extui %sign3A_413 : i1 to i32
        %sign3A_415 = arith.subi %sign3A_411, %sign3A_414 : i32
        %ne3A_416 = arith.cmpi ne, %sign3A_408, %sign3A_415 : i32
        %rem3A_417 = arith.remsi %add3A_134, %jit3A_400 : i32
        %ne3A_418 = arith.constant 0 : i32
        %ne3A_419 = arith.cmpi ne, %rem3A_417, %ne3A_418 : i32
        %and3A_420 = arith.andi %ne3A_416, %ne3A_419 : i1
        %sub3A_421 = arith.constant 1 : i32
        %sub3A_422 = arith.subi %div3A_401, %sub3A_421 : i32
        %select_n3A_423 = arith.select %and3A_420, %sub3A_422, %div3A_401 : i32
        %mul3A_424 = arith.constant 512 : i32
        %mul3A_425 = arith.muli %select_n3A_423, %mul3A_424 : i32
        %mul3A_426 = arith.constant 64 : i32
        %mul3A_427 = arith.muli %add3A_399, %mul3A_426 : i32
        %add3A_428 = arith.addi %mul3A_425, %mul3A_427 : i32
        %jit3A_429 = arith.constant 8 : i32
        %eq3A_430 = arith.constant 0 : i32
        %eq3A_431 = arith.cmpi eq, %jit3A_429, %eq3A_430 : i32
        %jit3A_432 = arith.constant 1 : i32
        %select_n3A_433 = arith.select %eq3A_431, %jit3A_432, %jit3A_429 : i32
        %rem3A_434 = arith.remsi %add3A_134, %select_n3A_433 : i32
        %ne3A_435 = arith.constant 0 : i32
        %ne3A_436 = arith.cmpi ne, %rem3A_434, %ne3A_435 : i32
        %lt3A_437 = arith.constant 0 : i32
        %lt3A_438 = arith.cmpi slt, %rem3A_434, %lt3A_437 : i32
        %lt3A_439 = arith.constant 0 : i32
        %lt3A_440 = arith.cmpi slt, %select_n3A_433, %lt3A_439 : i32
        %ne3A_441 = arith.xori %lt3A_438, %lt3A_440 : i1
        %and3A_442 = arith.andi %ne3A_441, %ne3A_436 : i1
        %add3A_443 = arith.addi %rem3A_434, %select_n3A_433 : i32
        %select_n3A_444 = arith.select %and3A_442, %add3A_443, %rem3A_434 : i32
        %mul3A_445 = arith.constant 512 : i32
        %mul3A_446 = arith.muli %select_n3A_444, %mul3A_445 : i32
        %dma_start3A_447 = arith.constant 0 : i32
        %dma_start3A_448 = arith.constant 0 : i32
        %dma_start3A_449 = arith.constant 0 : i32
        %dma_start3A_450 = tpu.memref_slice %arg4[%dma_start3A_447, %dma_start3A_448, %dma_start3A_449] : memref<2x64x512xf32, #tpu.memory_space<vmem>> -> memref<1x64x512xf32, #tpu.memory_space<vmem>>
        %dma_start3A_451 = tpu.memref_squeeze %dma_start3A_450 : memref<1x64x512xf32, #tpu.memory_space<vmem>> -> memref<64x512xf32, #tpu.memory_space<vmem>>
        %dma_start3A_452 = tpu.memref_slice %arg2[%add3A_428, %mul3A_446] : memref<4096x4096xf32, #tpu.memory_space<hbm>> -> memref<64x512xf32, #tpu.memory_space<hbm>>
        %dma_start3A_453 = arith.constant 0 : i32
        %dma_start3A_454 = arith.constant 0 : i32
        %dma_start3A_455 = tpu.memref_slice %arg4[%dma_start3A_447, %dma_start3A_453, %dma_start3A_454] : memref<2x64x512xf32, #tpu.memory_space<vmem>> -> memref<1x64x512xf32, #tpu.memory_space<vmem>>
        %dma_start3A_456 = tpu.memref_squeeze %dma_start3A_455 : memref<1x64x512xf32, #tpu.memory_space<vmem>> -> memref<64x512xf32, #tpu.memory_space<vmem>>
        %dma_start3A_457 = tpu.memref_slice %arg2[%add3A_428, %mul3A_446] : memref<4096x4096xf32, #tpu.memory_space<hbm>> -> memref<64x512xf32, #tpu.memory_space<hbm>>
        tpu.enqueue_dma source(%dma_start3A_457 : memref<64x512xf32, #tpu.memory_space<hbm>>) target(%dma_start3A_456 : memref<64x512xf32, #tpu.memory_space<vmem>>) target_semaphore(%arg6 : memref<!tpu.dma_semaphore, #tpu.memory_space<semaphore_mem>>)
      } else {
      }
      %mul3A_325 = arith.constant 2 : i32
      %mul3A_326 = arith.muli %mul3A_325, %scan3A_255 : i32
      %add3A_327 = arith.constant 1 : i32
      %add3A_328 = arith.addi %mul3A_326, %add3A_327 : i32
      %jit3A_329 = arith.constant 8 : i32
      %div3A_330 = arith.divsi %add3A_134, %jit3A_329 : i32
      %sign3A_331 = arith.constant 0 : i32
      %sign3A_332 = arith.cmpi sgt, %add3A_134, %sign3A_331 : i32
      %sign3A_333 = arith.extui %sign3A_332 : i1 to i32
      %sign3A_334 = arith.constant 0 : i32
      %sign3A_335 = arith.cmpi slt, %add3A_134, %sign3A_334 : i32
      %sign3A_336 = arith.extui %sign3A_335 : i1 to i32
      %sign3A_337 = arith.subi %sign3A_333, %sign3A_336 : i32
      %sign3A_338 = arith.constant 0 : i32
      %sign3A_339 = arith.cmpi sgt, %jit3A_329, %sign3A_338 : i32
      %sign3A_340 = arith.extui %sign3A_339 : i1 to i32
      %sign3A_341 = arith.constant 0 : i32
      %sign3A_342 = arith.cmpi slt, %jit3A_329, %sign3A_341 : i32
      %sign3A_343 = arith.extui %sign3A_342 : i1 to i32
      %sign3A_344 = arith.subi %sign3A_340, %sign3A_343 : i32
      %ne3A_345 = arith.cmpi ne, %sign3A_337, %sign3A_344 : i32
      %rem3A_346 = arith.remsi %add3A_134, %jit3A_329 : i32
      %ne3A_347 = arith.constant 0 : i32
      %ne3A_348 = arith.cmpi ne, %rem3A_346, %ne3A_347 : i32
      %and3A_349 = arith.andi %ne3A_345, %ne3A_348 : i1
      %sub3A_350 = arith.constant 1 : i32
      %sub3A_351 = arith.subi %div3A_330, %sub3A_350 : i32
      %select_n3A_352 = arith.select %and3A_349, %sub3A_351, %div3A_330 : i32
      %mul3A_353 = arith.constant 512 : i32
      %mul3A_354 = arith.muli %select_n3A_352, %mul3A_353 : i32
      %add3A_355 = arith.constant 0 : i32
      %add3A_356 = arith.addi %mul3A_354, %add3A_355 : i32
      %jit3A_357 = arith.constant 8 : i32
      %eq3A_358 = arith.constant 0 : i32
      %eq3A_359 = arith.cmpi eq, %jit3A_357, %eq3A_358 : i32
      %jit3A_360 = arith.constant 1 : i32
      %select_n3A_361 = arith.select %eq3A_359, %jit3A_360, %jit3A_357 : i32
      %rem3A_362 = arith.remsi %add3A_134, %select_n3A_361 : i32
      %ne3A_363 = arith.constant 0 : i32
      %ne3A_364 = arith.cmpi ne, %rem3A_362, %ne3A_363 : i32
      %lt3A_365 = arith.constant 0 : i32
      %lt3A_366 = arith.cmpi slt, %rem3A_362, %lt3A_365 : i32
      %lt3A_367 = arith.constant 0 : i32
      %lt3A_368 = arith.cmpi slt, %select_n3A_361, %lt3A_367 : i32
      %ne3A_369 = arith.xori %lt3A_366, %lt3A_368 : i1
      %and3A_370 = arith.andi %ne3A_369, %ne3A_364 : i1
      %add3A_371 = arith.addi %rem3A_362, %select_n3A_361 : i32
      %select_n3A_372 = arith.select %and3A_370, %add3A_371, %rem3A_362 : i32
      %mul3A_373 = arith.constant 512 : i32
      %mul3A_374 = arith.muli %select_n3A_372, %mul3A_373 : i32
      %dma_wait3A_375 = arith.constant 1 : i32
      %dma_wait3A_376 = arith.constant 0 : i32
      %dma_wait3A_377 = arith.constant 0 : i32
      %dma_wait3A_378 = tpu.memref_slice %arg4[%dma_wait3A_375, %dma_wait3A_376, %dma_wait3A_377] : memref<2x64x512xf32, #tpu.memory_space<vmem>> -> memref<1x64x512xf32, #tpu.memory_space<vmem>>
      %dma_wait3A_379 = tpu.memref_squeeze %dma_wait3A_378 : memref<1x64x512xf32, #tpu.memory_space<vmem>> -> memref<64x512xf32, #tpu.memory_space<vmem>>
      %dma_wait3A_380 = tpu.memref_slice %arg2[%add3A_356, %mul3A_374] : memref<4096x4096xf32, #tpu.memory_space<hbm>> -> memref<64x512xf32, #tpu.memory_space<hbm>>
      %dma_wait3A_381 = arith.constant 0 : i32
      %dma_wait3A_382 = arith.constant 0 : i32
      %dma_wait3A_383 = tpu.memref_slice %arg4[%dma_wait3A_375, %dma_wait3A_381, %dma_wait3A_382] : memref<2x64x512xf32, #tpu.memory_space<vmem>> -> memref<1x64x512xf32, #tpu.memory_space<vmem>>
      %dma_wait3A_384 = tpu.memref_squeeze %dma_wait3A_383 : memref<1x64x512xf32, #tpu.memory_space<vmem>> -> memref<64x512xf32, #tpu.memory_space<vmem>>
      %dma_wait3A_385 = tpu.memref_slice %arg2[%add3A_356, %mul3A_374] : memref<4096x4096xf32, #tpu.memory_space<hbm>> -> memref<64x512xf32, #tpu.memory_space<hbm>>
      tpu.wait_dma2 semaphore(%arg7 : memref<!tpu.dma_semaphore, #tpu.memory_space<semaphore_mem>>) src(%dma_wait3A_385 : memref<64x512xf32, #tpu.memory_space<hbm>>) dst(%dma_wait3A_384 : memref<64x512xf32, #tpu.memory_space<vmem>>)
      %parallel_loop3A_386 = arith.constant 0 : i32
      %parallel_loop3A_387 = arith.constant 2048 : i32
      %parallel_loop3A_388 = arith.constant 8 : i32
      %parallel_loop3A_389 = arith.constant 0 : i32
      %parallel_loop3A_390 = scf.for %parallel_loop3A_398 = %parallel_loop3A_386 to %parallel_loop3A_387 step %parallel_loop3A_388 iter_args(%parallel_loop3A_399 = %parallel_loop3A_389) -> (i32)  : i32 {
        %parallel_loop3A_400 = arith.constant 0 : i32
        %parallel_loop3A_401 = arith.addi %parallel_loop3A_398, %parallel_loop3A_400 : i32
        %parallel_loop3A_402 = arith.constant 5 : i32
        %parallel_loop3A_403 = arith.shrsi %parallel_loop3A_401, %parallel_loop3A_402 : i32
        %parallel_loop3A_404 = arith.constant 5 : i32
        %parallel_loop3A_405 = arith.shli %parallel_loop3A_403, %parallel_loop3A_404 : i32
        %parallel_loop3A_406 = arith.subi %parallel_loop3A_401, %parallel_loop3A_405 : i32
        %parallel_loop3A_407 = arith.constant 16 : i32
        %parallel_loop3A_408 = arith.muli %parallel_loop3A_406, %parallel_loop3A_407 : i32
        %parallel_loop3A_409 = arith.constant 1 : i32
        %parallel_loop3A_410 = arith.index_cast %parallel_loop3A_409 : i32 to index
        %parallel_loop3A_411 = arith.index_cast %parallel_loop3A_403 : i32 to index
        %parallel_loop3A_412 = arith.index_cast %parallel_loop3A_408 : i32 to index
        %parallel_loop3A_413 = tpu.vector_load %arg4[%parallel_loop3A_410, %parallel_loop3A_411, %parallel_loop3A_412] {strides = array<i32>} : memref<2x64x512xf32, #tpu.memory_space<vmem>>, vector<16xf32>,
        %parallel_loop3A_414 = arith.constant 2.550000e+02 : f32
        %parallel_loop3A_415 = vector.broadcast %parallel_loop3A_414 : f32 to vector<16xf32>
        %parallel_loop3A_416 = arith.mulf %parallel_loop3A_413, %parallel_loop3A_415 : vector<16xf32>
        %parallel_loop3A_417 = arith.fptosi %parallel_loop3A_416 : vector<16xf32> to vector<16xi32>
        %parallel_loop3A_418 = arith.addi %mul3A_3, %parallel_loop3A_417 : vector<16xi32>
        tpu.vector_store_idx %arg5[%parallel_loop3A_418], %broadcast_in_dim3A_4 {add = true} : memref<4112xf32, #tpu.memory_space<vmem>>[vector<16xi32>], vector<16xf32>,
        %parallel_loop3A_419 = arith.constant 1 : i32
        %parallel_loop3A_420 = arith.addi %parallel_loop3A_398, %parallel_loop3A_419 : i32
        %parallel_loop3A_421 = arith.constant 5 : i32
        %parallel_loop3A_422 = arith.shrsi %parallel_loop3A_420, %parallel_loop3A_421 : i32
        %parallel_loop3A_423 = arith.constant 5 : i32
        %parallel_loop3A_424 = arith.shli %parallel_loop3A_422, %parallel_loop3A_423 : i32
        %parallel_loop3A_425 = arith.subi %parallel_loop3A_420, %parallel_loop3A_424 : i32
        %parallel_loop3A_426 = arith.constant 16 : i32
        %parallel_loop3A_427 = arith.muli %parallel_loop3A_425, %parallel_loop3A_426 : i32
        %parallel_loop3A_428 = arith.constant 1 : i32
        %parallel_loop3A_429 = arith.index_cast %parallel_loop3A_428 : i32 to index
        %parallel_loop3A_430 = arith.index_cast %parallel_loop3A_422 : i32 to index
        %parallel_loop3A_431 = arith.index_cast %parallel_loop3A_427 : i32 to index
        %parallel_loop3A_432 = tpu.vector_load %arg4[%parallel_loop3A_429, %parallel_loop3A_430, %parallel_loop3A_431] {strides = array<i32>} : memref<2x64x512xf32, #tpu.memory_space<vmem>>, vector<16xf32>,
        %parallel_loop3A_433 = arith.constant 2.550000e+02 : f32
        %parallel_loop3A_434 = vector.broadcast %parallel_loop3A_433 : f32 to vector<16xf32>
        %parallel_loop3A_435 = arith.mulf %parallel_loop3A_432, %parallel_loop3A_434 : vector<16xf32>
        %parallel_loop3A_436 = arith.fptosi %parallel_loop3A_435 : vector<16xf32> to vector<16xi32>
        %parallel_loop3A_437 = arith.addi %mul3A_3, %parallel_loop3A_436 : vector<16xi32>
        tpu.vector_store_idx %arg5[%parallel_loop3A_437], %broadcast_in_dim3A_4 {add = true} : memref<4112xf32, #tpu.memory_space<vmem>>[vector<16xi32>], vector<16xf32>,
        %parallel_loop3A_438 = arith.constant 2 : i32
        %parallel_loop3A_439 = arith.addi %parallel_loop3A_398, %parallel_loop3A_438 : i32
        %parallel_loop3A_440 = arith.constant 5 : i32
        %parallel_loop3A_441 = arith.shrsi %parallel_loop3A_439, %parallel_loop3A_440 : i32
        %parallel_loop3A_442 = arith.constant 5 : i32
        %parallel_loop3A_443 = arith.shli %parallel_loop3A_441, %parallel_loop3A_442 : i32
        %parallel_loop3A_444 = arith.subi %parallel_loop3A_439, %parallel_loop3A_443 : i32
        %parallel_loop3A_445 = arith.constant 16 : i32
        %parallel_loop3A_446 = arith.muli %parallel_loop3A_444, %parallel_loop3A_445 : i32
        %parallel_loop3A_447 = arith.constant 1 : i32
        %parallel_loop3A_448 = arith.index_cast %parallel_loop3A_447 : i32 to index
        %parallel_loop3A_449 = arith.index_cast %parallel_loop3A_441 : i32 to index
        %parallel_loop3A_450 = arith.index_cast %parallel_loop3A_446 : i32 to index
        %parallel_loop3A_451 = tpu.vector_load %arg4[%parallel_loop3A_448, %parallel_loop3A_449, %parallel_loop3A_450] {strides = array<i32>} : memref<2x64x512xf32, #tpu.memory_space<vmem>>, vector<16xf32>,
        %parallel_loop3A_452 = arith.constant 2.550000e+02 : f32
        %parallel_loop3A_453 = vector.broadcast %parallel_loop3A_452 : f32 to vector<16xf32>
        %parallel_loop3A_454 = arith.mulf %parallel_loop3A_451, %parallel_loop3A_453 : vector<16xf32>
        %parallel_loop3A_455 = arith.fptosi %parallel_loop3A_454 : vector<16xf32> to vector<16xi32>
        %parallel_loop3A_456 = arith.addi %mul3A_3, %parallel_loop3A_455 : vector<16xi32>
        tpu.vector_store_idx %arg5[%parallel_loop3A_456], %broadcast_in_dim3A_4 {add = true} : memref<4112xf32, #tpu.memory_space<vmem>>[vector<16xi32>], vector<16xf32>,
        %parallel_loop3A_457 = arith.constant 3 : i32
        %parallel_loop3A_458 = arith.addi %parallel_loop3A_398, %parallel_loop3A_457 : i32
        %parallel_loop3A_459 = arith.constant 5 : i32
        %parallel_loop3A_460 = arith.shrsi %parallel_loop3A_458, %parallel_loop3A_459 : i32
        %parallel_loop3A_461 = arith.constant 5 : i32
        %parallel_loop3A_462 = arith.shli %parallel_loop3A_460, %parallel_loop3A_461 : i32
        %parallel_loop3A_463 = arith.subi %parallel_loop3A_458, %parallel_loop3A_462 : i32
        %parallel_loop3A_464 = arith.constant 16 : i32
        %parallel_loop3A_465 = arith.muli %parallel_loop3A_463, %parallel_loop3A_464 : i32
        %parallel_loop3A_466 = arith.constant 1 : i32
        %parallel_loop3A_467 = arith.index_cast %parallel_loop3A_466 : i32 to index
        %parallel_loop3A_468 = arith.index_cast %parallel_loop3A_460 : i32 to index
        %parallel_loop3A_469 = arith.index_cast %parallel_loop3A_465 : i32 to index
        %parallel_loop3A_470 = tpu.vector_load %arg4[%parallel_loop3A_467, %parallel_loop3A_468, %parallel_loop3A_469] {strides = array<i32>} : memref<2x64x512xf32, #tpu.memory_space<vmem>>, vector<16xf32>,
        %parallel_loop3A_471 = arith.constant 2.550000e+02 : f32
        %parallel_loop3A_472 = vector.broadcast %parallel_loop3A_471 : f32 to vector<16xf32>
        %parallel_loop3A_473 = arith.mulf %parallel_loop3A_470, %parallel_loop3A_472 : vector<16xf32>
        %parallel_loop3A_474 = arith.fptosi %parallel_loop3A_473 : vector<16xf32> to vector<16xi32>
        %parallel_loop3A_475 = arith.addi %mul3A_3, %parallel_loop3A_474 : vector<16xi32>
        tpu.vector_store_idx %arg5[%parallel_loop3A_475], %broadcast_in_dim3A_4 {add = true} : memref<4112xf32, #tpu.memory_space<vmem>>[vector<16xi32>], vector<16xf32>,
        %parallel_loop3A_476 = arith.constant 4 : i32
        %parallel_loop3A_477 = arith.addi %parallel_loop3A_398, %parallel_loop3A_476 : i32
        %parallel_loop3A_478 = arith.constant 5 : i32
        %parallel_loop3A_479 = arith.shrsi %parallel_loop3A_477, %parallel_loop3A_478 : i32
        %parallel_loop3A_480 = arith.constant 5 : i32
        %parallel_loop3A_481 = arith.shli %parallel_loop3A_479, %parallel_loop3A_480 : i32
        %parallel_loop3A_482 = arith.subi %parallel_loop3A_477, %parallel_loop3A_481 : i32
        %parallel_loop3A_483 = arith.constant 16 : i32
        %parallel_loop3A_484 = arith.muli %parallel_loop3A_482, %parallel_loop3A_483 : i32
        %parallel_loop3A_485 = arith.constant 1 : i32
        %parallel_loop3A_486 = arith.index_cast %parallel_loop3A_485 : i32 to index
        %parallel_loop3A_487 = arith.index_cast %parallel_loop3A_479 : i32 to index
        %parallel_loop3A_488 = arith.index_cast %parallel_loop3A_484 : i32 to index
        %parallel_loop3A_489 = tpu.vector_load %arg4[%parallel_loop3A_486, %parallel_loop3A_487, %parallel_loop3A_488] {strides = array<i32>} : memref<2x64x512xf32, #tpu.memory_space<vmem>>, vector<16xf32>,
        %parallel_loop3A_490 = arith.constant 2.550000e+02 : f32
        %parallel_loop3A_491 = vector.broadcast %parallel_loop3A_490 : f32 to vector<16xf32>
        %parallel_loop3A_492 = arith.mulf %parallel_loop3A_489, %parallel_loop3A_491 : vector<16xf32>
        %parallel_loop3A_493 = arith.fptosi %parallel_loop3A_492 : vector<16xf32> to vector<16xi32>
        %parallel_loop3A_494 = arith.addi %mul3A_3, %parallel_loop3A_493 : vector<16xi32>
        tpu.vector_store_idx %arg5[%parallel_loop3A_494], %broadcast_in_dim3A_4 {add = true} : memref<4112xf32, #tpu.memory_space<vmem>>[vector<16xi32>], vector<16xf32>,
        %parallel_loop3A_495 = arith.constant 5 : i32
        %parallel_loop3A_496 = arith.addi %parallel_loop3A_398, %parallel_loop3A_495 : i32
        %parallel_loop3A_497 = arith.constant 5 : i32
        %parallel_loop3A_498 = arith.shrsi %parallel_loop3A_496, %parallel_loop3A_497 : i32
        %parallel_loop3A_499 = arith.constant 5 : i32
        %parallel_loop3A_500 = arith.shli %parallel_loop3A_498, %parallel_loop3A_499 : i32
        %parallel_loop3A_501 = arith.subi %parallel_loop3A_496, %parallel_loop3A_500 : i32
        %parallel_loop3A_502 = arith.constant 16 : i32
        %parallel_loop3A_503 = arith.muli %parallel_loop3A_501, %parallel_loop3A_502 : i32
        %parallel_loop3A_504 = arith.constant 1 : i32
        %parallel_loop3A_505 = arith.index_cast %parallel_loop3A_504 : i32 to index
        %parallel_loop3A_506 = arith.index_cast %parallel_loop3A_498 : i32 to index
        %parallel_loop3A_507 = arith.index_cast %parallel_loop3A_503 : i32 to index
        %parallel_loop3A_508 = tpu.vector_load %arg4[%parallel_loop3A_505, %parallel_loop3A_506, %parallel_loop3A_507] {strides = array<i32>} : memref<2x64x512xf32, #tpu.memory_space<vmem>>, vector<16xf32>,
        %parallel_loop3A_509 = arith.constant 2.550000e+02 : f32
        %parallel_loop3A_510 = vector.broadcast %parallel_loop3A_509 : f32 to vector<16xf32>
        %parallel_loop3A_511 = arith.mulf %parallel_loop3A_508, %parallel_loop3A_510 : vector<16xf32>
        %parallel_loop3A_512 = arith.fptosi %parallel_loop3A_511 : vector<16xf32> to vector<16xi32>
        %parallel_loop3A_513 = arith.addi %mul3A_3, %parallel_loop3A_512 : vector<16xi32>
        tpu.vector_store_idx %arg5[%parallel_loop3A_513], %broadcast_in_dim3A_4 {add = true} : memref<4112xf32, #tpu.memory_space<vmem>>[vector<16xi32>], vector<16xf32>,
        %parallel_loop3A_514 = arith.constant 6 : i32
        %parallel_loop3A_515 = arith.addi %parallel_loop3A_398, %parallel_loop3A_514 : i32
        %parallel_loop3A_516 = arith.constant 5 : i32
        %parallel_loop3A_517 = arith.shrsi %parallel_loop3A_515, %parallel_loop3A_516 : i32
        %parallel_loop3A_518 = arith.constant 5 : i32
        %parallel_loop3A_519 = arith.shli %parallel_loop3A_517, %parallel_loop3A_518 : i32
        %parallel_loop3A_520 = arith.subi %parallel_loop3A_515, %parallel_loop3A_519 : i32
        %parallel_loop3A_521 = arith.constant 16 : i32
        %parallel_loop3A_522 = arith.muli %parallel_loop3A_520, %parallel_loop3A_521 : i32
        %parallel_loop3A_523 = arith.constant 1 : i32
        %parallel_loop3A_524 = arith.index_cast %parallel_loop3A_523 : i32 to index
        %parallel_loop3A_525 = arith.index_cast %parallel_loop3A_517 : i32 to index
        %parallel_loop3A_526 = arith.index_cast %parallel_loop3A_522 : i32 to index
        %parallel_loop3A_527 = tpu.vector_load %arg4[%parallel_loop3A_524, %parallel_loop3A_525, %parallel_loop3A_526] {strides = array<i32>} : memref<2x64x512xf32, #tpu.memory_space<vmem>>, vector<16xf32>,
        %parallel_loop3A_528 = arith.constant 2.550000e+02 : f32
        %parallel_loop3A_529 = vector.broadcast %parallel_loop3A_528 : f32 to vector<16xf32>
        %parallel_loop3A_530 = arith.mulf %parallel_loop3A_527, %parallel_loop3A_529 : vector<16xf32>
        %parallel_loop3A_531 = arith.fptosi %parallel_loop3A_530 : vector<16xf32> to vector<16xi32>
        %parallel_loop3A_532 = arith.addi %mul3A_3, %parallel_loop3A_531 : vector<16xi32>
        tpu.vector_store_idx %arg5[%parallel_loop3A_532], %broadcast_in_dim3A_4 {add = true} : memref<4112xf32, #tpu.memory_space<vmem>>[vector<16xi32>], vector<16xf32>,
        %parallel_loop3A_533 = arith.constant 7 : i32
        %parallel_loop3A_534 = arith.addi %parallel_loop3A_398, %parallel_loop3A_533 : i32
        %parallel_loop3A_535 = arith.constant 5 : i32
        %parallel_loop3A_536 = arith.shrsi %parallel_loop3A_534, %parallel_loop3A_535 : i32
        %parallel_loop3A_537 = arith.constant 5 : i32
        %parallel_loop3A_538 = arith.shli %parallel_loop3A_536, %parallel_loop3A_537 : i32
        %parallel_loop3A_539 = arith.subi %parallel_loop3A_534, %parallel_loop3A_538 : i32
        %parallel_loop3A_540 = arith.constant 16 : i32
        %parallel_loop3A_541 = arith.muli %parallel_loop3A_539, %parallel_loop3A_540 : i32
        %parallel_loop3A_542 = arith.constant 1 : i32
        %parallel_loop3A_543 = arith.index_cast %parallel_loop3A_542 : i32 to index
        %parallel_loop3A_544 = arith.index_cast %parallel_loop3A_536 : i32 to index
        %parallel_loop3A_545 = arith.index_cast %parallel_loop3A_541 : i32 to index
        %parallel_loop3A_546 = tpu.vector_load %arg4[%parallel_loop3A_543, %parallel_loop3A_544, %parallel_loop3A_545] {strides = array<i32>} : memref<2x64x512xf32, #tpu.memory_space<vmem>>, vector<16xf32>,
        %parallel_loop3A_547 = arith.constant 2.550000e+02 : f32
        %parallel_loop3A_548 = vector.broadcast %parallel_loop3A_547 : f32 to vector<16xf32>
        %parallel_loop3A_549 = arith.mulf %parallel_loop3A_546, %parallel_loop3A_548 : vector<16xf32>
        %parallel_loop3A_550 = arith.fptosi %parallel_loop3A_549 : vector<16xf32> to vector<16xi32>
        %parallel_loop3A_551 = arith.addi %mul3A_3, %parallel_loop3A_550 : vector<16xi32>
        tpu.vector_store_idx %arg5[%parallel_loop3A_551], %broadcast_in_dim3A_4 {add = true} : memref<4112xf32, #tpu.memory_space<vmem>>[vector<16xi32>], vector<16xf32>,
        scf.yield %parallel_loop3A_399 : i32
      } {sc.loop_unroll_factor = 1 : i64, sc.parallel_access}
      %add3A_391 = arith.constant 2 : i32
      %add3A_392 = arith.addi %add3A_328, %add3A_391 : i32
      %lt3A_393 = arith.constant 8 : i32
      %lt3A_394 = arith.cmpi slt, %add3A_392, %lt3A_393 : i32
      %convert_element_type3A_395 = arith.extui %lt3A_394 : i1 to i32
      %cond3A_396 = arith.constant 0 : i32
      %cond3A_397 = arith.cmpi ne, %convert_element_type3A_395, %cond3A_396 : i32
      scf.if %cond3A_397 {
        %add3A_398 = arith.constant 2 : i32
        %add3A_399 = arith.addi %add3A_328, %add3A_398 : i32
        %jit3A_400 = arith.constant 8 : i32
        %div3A_401 = arith.divsi %add3A_134, %jit3A_400 : i32
        %sign3A_402 = arith.constant 0 : i32
        %sign3A_403 = arith.cmpi sgt, %add3A_134, %sign3A_402 : i32
        %sign3A_404 = arith.extui %sign3A_403 : i1 to i32
        %sign3A_405 = arith.constant 0 : i32
        %sign3A_406 = arith.cmpi slt, %add3A_134, %sign3A_405 : i32
        %sign3A_407 = arith.extui %sign3A_406 : i1 to i32
        %sign3A_408 = arith.subi %sign3A_404, %sign3A_407 : i32
        %sign3A_409 = arith.constant 0 : i32
        %sign3A_410 = arith.cmpi sgt, %jit3A_400, %sign3A_409 : i32
        %sign3A_411 = arith.extui %sign3A_410 : i1 to i32
        %sign3A_412 = arith.constant 0 : i32
        %sign3A_413 = arith.cmpi slt, %jit3A_400, %sign3A_412 : i32
        %sign3A_414 = arith.extui %sign3A_413 : i1 to i32
        %sign3A_415 = arith.subi %sign3A_411, %sign3A_414 : i32
        %ne3A_416 = arith.cmpi ne, %sign3A_408, %sign3A_415 : i32
        %rem3A_417 = arith.remsi %add3A_134, %jit3A_400 : i32
        %ne3A_418 = arith.constant 0 : i32
        %ne3A_419 = arith.cmpi ne, %rem3A_417, %ne3A_418 : i32
        %and3A_420 = arith.andi %ne3A_416, %ne3A_419 : i1
        %sub3A_421 = arith.constant 1 : i32
        %sub3A_422 = arith.subi %div3A_401, %sub3A_421 : i32
        %select_n3A_423 = arith.select %and3A_420, %sub3A_422, %div3A_401 : i32
        %mul3A_424 = arith.constant 512 : i32
        %mul3A_425 = arith.muli %select_n3A_423, %mul3A_424 : i32
        %mul3A_426 = arith.constant 64 : i32
        %mul3A_427 = arith.muli %add3A_399, %mul3A_426 : i32
        %add3A_428 = arith.addi %mul3A_425, %mul3A_427 : i32
        %jit3A_429 = arith.constant 8 : i32
        %eq3A_430 = arith.constant 0 : i32
        %eq3A_431 = arith.cmpi eq, %jit3A_429, %eq3A_430 : i32
        %jit3A_432 = arith.constant 1 : i32
        %select_n3A_433 = arith.select %eq3A_431, %jit3A_432, %jit3A_429 : i32
        %rem3A_434 = arith.remsi %add3A_134, %select_n3A_433 : i32
        %ne3A_435 = arith.constant 0 : i32
        %ne3A_436 = arith.cmpi ne, %rem3A_434, %ne3A_435 : i32
        %lt3A_437 = arith.constant 0 : i32
        %lt3A_438 = arith.cmpi slt, %rem3A_434, %lt3A_437 : i32
        %lt3A_439 = arith.constant 0 : i32
        %lt3A_440 = arith.cmpi slt, %select_n3A_433, %lt3A_439 : i32
        %ne3A_441 = arith.xori %lt3A_438, %lt3A_440 : i1
        %and3A_442 = arith.andi %ne3A_441, %ne3A_436 : i1
        %add3A_443 = arith.addi %rem3A_434, %select_n3A_433 : i32
        %select_n3A_444 = arith.select %and3A_442, %add3A_443, %rem3A_434 : i32
        %mul3A_445 = arith.constant 512 : i32
        %mul3A_446 = arith.muli %select_n3A_444, %mul3A_445 : i32
        %dma_start3A_447 = arith.constant 1 : i32
        %dma_start3A_448 = arith.constant 0 : i32
        %dma_start3A_449 = arith.constant 0 : i32
        %dma_start3A_450 = tpu.memref_slice %arg4[%dma_start3A_447, %dma_start3A_448, %dma_start3A_449] : memref<2x64x512xf32, #tpu.memory_space<vmem>> -> memref<1x64x512xf32, #tpu.memory_space<vmem>>
        %dma_start3A_451 = tpu.memref_squeeze %dma_start3A_450 : memref<1x64x512xf32, #tpu.memory_space<vmem>> -> memref<64x512xf32, #tpu.memory_space<vmem>>
        %dma_start3A_452 = tpu.memref_slice %arg2[%add3A_428, %mul3A_446] : memref<4096x4096xf32, #tpu.memory_space<hbm>> -> memref<64x512xf32, #tpu.memory_space<hbm>>
        %dma_start3A_453 = arith.constant 0 : i32
        %dma_start3A_454 = arith.constant 0 : i32
        %dma_start3A_455 = tpu.memref_slice %arg4[%dma_start3A_447, %dma_start3A_453, %dma_start3A_454] : memref<2x64x512xf32, #tpu.memory_space<vmem>> -> memref<1x64x512xf32, #tpu.memory_space<vmem>>
        %dma_start3A_456 = tpu.memref_squeeze %dma_start3A_455 : memref<1x64x512xf32, #tpu.memory_space<vmem>> -> memref<64x512xf32, #tpu.memory_space<vmem>>
        %dma_start3A_457 = tpu.memref_slice %arg2[%add3A_428, %mul3A_446] : memref<4096x4096xf32, #tpu.memory_space<hbm>> -> memref<64x512xf32, #tpu.memory_space<hbm>>
        tpu.enqueue_dma source(%dma_start3A_457 : memref<64x512xf32, #tpu.memory_space<hbm>>) target(%dma_start3A_456 : memref<64x512xf32, #tpu.memory_space<vmem>>) target_semaphore(%arg7 : memref<!tpu.dma_semaphore, #tpu.memory_space<semaphore_mem>>)
      } else {
      }
    }
    %scan3A_254 = arith.constant 4 : i32
    "tpu.region"() ({
      %run_scoped3A = tpu.sem_alloc : memref<!tpu.dma_semaphore, #tpu.memory_space<semaphore_mem>>
      %dma_start3A_255 = arith.constant 0 : i32
      %dma_start3A_256 = tpu.memref_slice %arg3[%add3A_134, %dma_start3A_255] : memref<64x4112xf32, #tpu.memory_space<hbm>> -> memref<1x4112xf32, #tpu.memory_space<hbm>>
      %dma_start3A_257 = tpu.memref_squeeze %dma_start3A_256 : memref<1x4112xf32, #tpu.memory_space<hbm>> -> memref<4112xf32, #tpu.memory_space<hbm>>
      %dma_start3A_258 = arith.constant 0 : i32
      %dma_start3A_259 = tpu.memref_slice %arg3[%add3A_134, %dma_start3A_258] : memref<64x4112xf32, #tpu.memory_space<hbm>> -> memref<1x4112xf32, #tpu.memory_space<hbm>>
      %dma_start3A_260 = tpu.memref_squeeze %dma_start3A_259 : memref<1x4112xf32, #tpu.memory_space<hbm>> -> memref<4112xf32, #tpu.memory_space<hbm>>
      tpu.enqueue_dma source(%arg5 : memref<4112xf32, #tpu.memory_space<vmem>>) target(%dma_start3A_260 : memref<4112xf32, #tpu.memory_space<hbm>>) target_semaphore(%run_scoped3A : memref<!tpu.dma_semaphore, #tpu.memory_space<semaphore_mem>>)
      %dma_wait3A = arith.constant 0 : i32
      %dma_wait3A_261 = tpu.memref_slice %arg3[%add3A_134, %dma_wait3A] : memref<64x4112xf32, #tpu.memory_space<hbm>> -> memref<1x4112xf32, #tpu.memory_space<hbm>>
      %dma_wait3A_262 = tpu.memref_squeeze %dma_wait3A_261 : memref<1x4112xf32, #tpu.memory_space<hbm>> -> memref<4112xf32, #tpu.memory_space<hbm>>
      %dma_wait3A_263 = arith.constant 0 : i32
      %dma_wait3A_264 = tpu.memref_slice %arg3[%add3A_134, %dma_wait3A_263] : memref<64x4112xf32, #tpu.memory_space<hbm>> -> memref<1x4112xf32, #tpu.memory_space<hbm>>
      %dma_wait3A_265 = tpu.memref_squeeze %dma_wait3A_264 : memref<1x4112xf32, #tpu.memory_space<hbm>> -> memref<4112xf32, #tpu.memory_space<hbm>>
      tpu.wait_dma2 semaphore(%run_scoped3A : memref<!tpu.dma_semaphore, #tpu.memory_space<semaphore_mem>>) src(%arg5 : memref<4112xf32, #tpu.memory_space<vmem>>) dst(%dma_wait3A_265 : memref<4112xf32, #tpu.memory_space<hbm>>)
      tpu.yield
    }) : () -> ()
    return
  }
}

module attributes {stable_mosaic.version = 14 : i64} {
  func.func @_combine_body(%arg0: memref<64x16x257xf32, #tpu.memory_space<vmem>>, %arg1: memref<64x512xf32, #tpu.memory_space<vmem>>, %arg2: memref<1x1xf32, #tpu.memory_space<vmem>>) attributes {dimension_semantics = [], scalar_prefetch = 0 : i64, scratch_operands = 0 : i64, tpu.core_type = #tpu.core_type<tc>} {
    %get3A = arith.constant 0 : index
    %get3A_0 = arith.constant 0 : index
    %get3A_1 = arith.constant 0 : index
    %get3A_2 = vector.load %arg0[%get3A, %get3A_0, %get3A_1] : memref<64x16x257xf32, #tpu.memory_space<vmem>>, vector<64x16x257xf32>
    %reduce_sum3A = arith.constant dense<0.000000e+00> : vector<64x257xf32>
    %reduce_sum3A_3 = vector.multi_reduction <add>, %get3A_2, %reduce_sum3A [1] : vector<64x16x257xf32> to vector<64x257xf32>
    %slice3A = vector.extract_strided_slice %reduce_sum3A_3 {offsets = [0, 0], sizes = [64, 256], strides = [1, 1]} : vector<64x257xf32> to vector<64x256xf32>
    %mul3A = arith.constant 3.81469727E-6 : f32
    %mul3A_4 = vector.broadcast %mul3A : f32 to vector<64x256xf32>
    %mul3A_5 = arith.mulf %slice3A, %mul3A_4 : vector<64x256xf32>
    %gt3A = arith.constant 0.000000e+00 : f32
    %gt3A_6 = vector.broadcast %gt3A : f32 to vector<64x256xf32>
    %gt3A_7 = arith.cmpf ogt, %slice3A, %gt3A_6 : vector<64x256xf32>
    %jit3A = arith.constant 1.000000e+00 : f32
    %broadcast_in_dim3A = vector.broadcast %jit3A : f32 to vector<64x256xf32>
    %select_n3A = arith.select %gt3A_7, %mul3A_5, %broadcast_in_dim3A : vector<64x256xi1>, vector<64x256xf32>
    %log3A = math.log %select_n3A : vector<64x256xf32>
    %mul3A_8 = arith.mulf %mul3A_5, %log3A : vector<64x256xf32>
    %jit3A_9 = arith.constant 0.000000e+00 : f32
    %broadcast_in_dim3A_10 = vector.broadcast %jit3A_9 : f32 to vector<64x256xf32>
    %select_n3A_11 = arith.select %gt3A_7, %mul3A_8, %broadcast_in_dim3A_10 : vector<64x256xi1>, vector<64x256xf32>
    %log3A_12 = arith.constant 2.000000e+00 : f32
    %log3A_13 = math.log %log3A_12 : f32
    %div3A = arith.constant -1.000000e+00 : f32
    %div3A_14 = arith.divf %div3A, %log3A_13 : f32
    %mul3A_15 = vector.broadcast %div3A_14 : f32 to vector<64x256xf32>
    %mul3A_16 = arith.mulf %select_n3A_11, %mul3A_15 : vector<64x256xf32>
    %slice3A_17 = vector.extract_strided_slice %mul3A_16 {offsets = [0, 0], sizes = [64, 16], strides = [1, 1]} : vector<64x256xf32> to vector<64x16xf32>
    %reduce_sum3A_18 = arith.constant dense<0.000000e+00> : vector<64xf32>
    %reduce_sum3A_19 = vector.multi_reduction <add>, %slice3A_17, %reduce_sum3A_18 [1] : vector<64x16xf32> to vector<64xf32>
    %broadcast_in_dim3A_20 = vector.shape_cast %reduce_sum3A_19 : vector<64xf32> to vector<64x1xf32>
    %broadcast_in_dim3A_21 = arith.constant 0.000000e+00 : f32
    %broadcast_in_dim3A_22 = vector.broadcast %broadcast_in_dim3A_21 : f32 to vector<64x1xf32>
    %slice3A_23 = vector.extract_strided_slice %mul3A_16 {offsets = [0, 16], sizes = [64, 16], strides = [1, 1]} : vector<64x256xf32> to vector<64x16xf32>
    %reduce_sum3A_24 = arith.constant dense<0.000000e+00> : vector<64xf32>
    %reduce_sum3A_25 = vector.multi_reduction <add>, %slice3A_23, %reduce_sum3A_24 [1] : vector<64x16xf32> to vector<64xf32>
    %broadcast_in_dim3A_26 = vector.shape_cast %reduce_sum3A_25 : vector<64xf32> to vector<64x1xf32>
    %sub3A = arith.subf %broadcast_in_dim3A_26, %broadcast_in_dim3A_22 : vector<64x1xf32>
    %add3A = arith.addf %broadcast_in_dim3A_20, %sub3A : vector<64x1xf32>
    %sub3A_27 = arith.subf %add3A, %broadcast_in_dim3A_20 : vector<64x1xf32>
    %sub3A_28 = arith.subf %sub3A_27, %sub3A : vector<64x1xf32>
    %slice3A_29 = vector.extract_strided_slice %mul3A_16 {offsets = [0, 32], sizes = [64, 16], strides = [1, 1]} : vector<64x256xf32> to vector<64x16xf32>
    %reduce_sum3A_30 = arith.constant dense<0.000000e+00> : vector<64xf32>
    %reduce_sum3A_31 = vector.multi_reduction <add>, %slice3A_29, %reduce_sum3A_30 [1] : vector<64x16xf32> to vector<64xf32>
    %broadcast_in_dim3A_32 = vector.shape_cast %reduce_sum3A_31 : vector<64xf32> to vector<64x1xf32>
    %sub3A_33 = arith.subf %broadcast_in_dim3A_32, %sub3A_28 : vector<64x1xf32>
    %add3A_34 = arith.addf %add3A, %sub3A_33 : vector<64x1xf32>
    %sub3A_35 = arith.subf %add3A_34, %add3A : vector<64x1xf32>
    %sub3A_36 = arith.subf %sub3A_35, %sub3A_33 : vector<64x1xf32>
    %slice3A_37 = vector.extract_strided_slice %mul3A_16 {offsets = [0, 48], sizes = [64, 16], strides = [1, 1]} : vector<64x256xf32> to vector<64x16xf32>
    %reduce_sum3A_38 = arith.constant dense<0.000000e+00> : vector<64xf32>
    %reduce_sum3A_39 = vector.multi_reduction <add>, %slice3A_37, %reduce_sum3A_38 [1] : vector<64x16xf32> to vector<64xf32>
    %broadcast_in_dim3A_40 = vector.shape_cast %reduce_sum3A_39 : vector<64xf32> to vector<64x1xf32>
    %sub3A_41 = arith.subf %broadcast_in_dim3A_40, %sub3A_36 : vector<64x1xf32>
    %add3A_42 = arith.addf %add3A_34, %sub3A_41 : vector<64x1xf32>
    %sub3A_43 = arith.subf %add3A_42, %add3A_34 : vector<64x1xf32>
    %sub3A_44 = arith.subf %sub3A_43, %sub3A_41 : vector<64x1xf32>
    %slice3A_45 = vector.extract_strided_slice %mul3A_16 {offsets = [0, 64], sizes = [64, 16], strides = [1, 1]} : vector<64x256xf32> to vector<64x16xf32>
    %reduce_sum3A_46 = arith.constant dense<0.000000e+00> : vector<64xf32>
    %reduce_sum3A_47 = vector.multi_reduction <add>, %slice3A_45, %reduce_sum3A_46 [1] : vector<64x16xf32> to vector<64xf32>
    %broadcast_in_dim3A_48 = vector.shape_cast %reduce_sum3A_47 : vector<64xf32> to vector<64x1xf32>
    %sub3A_49 = arith.subf %broadcast_in_dim3A_48, %sub3A_44 : vector<64x1xf32>
    %add3A_50 = arith.addf %add3A_42, %sub3A_49 : vector<64x1xf32>
    %sub3A_51 = arith.subf %add3A_50, %add3A_42 : vector<64x1xf32>
    %sub3A_52 = arith.subf %sub3A_51, %sub3A_49 : vector<64x1xf32>
    %slice3A_53 = vector.extract_strided_slice %mul3A_16 {offsets = [0, 80], sizes = [64, 16], strides = [1, 1]} : vector<64x256xf32> to vector<64x16xf32>
    %reduce_sum3A_54 = arith.constant dense<0.000000e+00> : vector<64xf32>
    %reduce_sum3A_55 = vector.multi_reduction <add>, %slice3A_53, %reduce_sum3A_54 [1] : vector<64x16xf32> to vector<64xf32>
    %broadcast_in_dim3A_56 = vector.shape_cast %reduce_sum3A_55 : vector<64xf32> to vector<64x1xf32>
    %sub3A_57 = arith.subf %broadcast_in_dim3A_56, %sub3A_52 : vector<64x1xf32>
    %add3A_58 = arith.addf %add3A_50, %sub3A_57 : vector<64x1xf32>
    %sub3A_59 = arith.subf %add3A_58, %add3A_50 : vector<64x1xf32>
    %sub3A_60 = arith.subf %sub3A_59, %sub3A_57 : vector<64x1xf32>
    %slice3A_61 = vector.extract_strided_slice %mul3A_16 {offsets = [0, 96], sizes = [64, 16], strides = [1, 1]} : vector<64x256xf32> to vector<64x16xf32>
    %reduce_sum3A_62 = arith.constant dense<0.000000e+00> : vector<64xf32>
    %reduce_sum3A_63 = vector.multi_reduction <add>, %slice3A_61, %reduce_sum3A_62 [1] : vector<64x16xf32> to vector<64xf32>
    %broadcast_in_dim3A_64 = vector.shape_cast %reduce_sum3A_63 : vector<64xf32> to vector<64x1xf32>
    %sub3A_65 = arith.subf %broadcast_in_dim3A_64, %sub3A_60 : vector<64x1xf32>
    %add3A_66 = arith.addf %add3A_58, %sub3A_65 : vector<64x1xf32>
    %sub3A_67 = arith.subf %add3A_66, %add3A_58 : vector<64x1xf32>
    %sub3A_68 = arith.subf %sub3A_67, %sub3A_65 : vector<64x1xf32>
    %slice3A_69 = vector.extract_strided_slice %mul3A_16 {offsets = [0, 112], sizes = [64, 16], strides = [1, 1]} : vector<64x256xf32> to vector<64x16xf32>
    %reduce_sum3A_70 = arith.constant dense<0.000000e+00> : vector<64xf32>
    %reduce_sum3A_71 = vector.multi_reduction <add>, %slice3A_69, %reduce_sum3A_70 [1] : vector<64x16xf32> to vector<64xf32>
    %broadcast_in_dim3A_72 = vector.shape_cast %reduce_sum3A_71 : vector<64xf32> to vector<64x1xf32>
    %sub3A_73 = arith.subf %broadcast_in_dim3A_72, %sub3A_68 : vector<64x1xf32>
    %add3A_74 = arith.addf %add3A_66, %sub3A_73 : vector<64x1xf32>
    %sub3A_75 = arith.subf %add3A_74, %add3A_66 : vector<64x1xf32>
    %sub3A_76 = arith.subf %sub3A_75, %sub3A_73 : vector<64x1xf32>
    %slice3A_77 = vector.extract_strided_slice %mul3A_16 {offsets = [0, 128], sizes = [64, 16], strides = [1, 1]} : vector<64x256xf32> to vector<64x16xf32>
    %reduce_sum3A_78 = arith.constant dense<0.000000e+00> : vector<64xf32>
    %reduce_sum3A_79 = vector.multi_reduction <add>, %slice3A_77, %reduce_sum3A_78 [1] : vector<64x16xf32> to vector<64xf32>
    %broadcast_in_dim3A_80 = vector.shape_cast %reduce_sum3A_79 : vector<64xf32> to vector<64x1xf32>
    %sub3A_81 = arith.subf %broadcast_in_dim3A_80, %sub3A_76 : vector<64x1xf32>
    %add3A_82 = arith.addf %add3A_74, %sub3A_81 : vector<64x1xf32>
    %sub3A_83 = arith.subf %add3A_82, %add3A_74 : vector<64x1xf32>
    %sub3A_84 = arith.subf %sub3A_83, %sub3A_81 : vector<64x1xf32>
    %slice3A_85 = vector.extract_strided_slice %mul3A_16 {offsets = [0, 144], sizes = [64, 16], strides = [1, 1]} : vector<64x256xf32> to vector<64x16xf32>
    %reduce_sum3A_86 = arith.constant dense<0.000000e+00> : vector<64xf32>
    %reduce_sum3A_87 = vector.multi_reduction <add>, %slice3A_85, %reduce_sum3A_86 [1] : vector<64x16xf32> to vector<64xf32>
    %broadcast_in_dim3A_88 = vector.shape_cast %reduce_sum3A_87 : vector<64xf32> to vector<64x1xf32>
    %sub3A_89 = arith.subf %broadcast_in_dim3A_88, %sub3A_84 : vector<64x1xf32>
    %add3A_90 = arith.addf %add3A_82, %sub3A_89 : vector<64x1xf32>
    %sub3A_91 = arith.subf %add3A_90, %add3A_82 : vector<64x1xf32>
    %sub3A_92 = arith.subf %sub3A_91, %sub3A_89 : vector<64x1xf32>
    %slice3A_93 = vector.extract_strided_slice %mul3A_16 {offsets = [0, 160], sizes = [64, 16], strides = [1, 1]} : vector<64x256xf32> to vector<64x16xf32>
    %reduce_sum3A_94 = arith.constant dense<0.000000e+00> : vector<64xf32>
    %reduce_sum3A_95 = vector.multi_reduction <add>, %slice3A_93, %reduce_sum3A_94 [1] : vector<64x16xf32> to vector<64xf32>
    %broadcast_in_dim3A_96 = vector.shape_cast %reduce_sum3A_95 : vector<64xf32> to vector<64x1xf32>
    %sub3A_97 = arith.subf %broadcast_in_dim3A_96, %sub3A_92 : vector<64x1xf32>
    %add3A_98 = arith.addf %add3A_90, %sub3A_97 : vector<64x1xf32>
    %sub3A_99 = arith.subf %add3A_98, %add3A_90 : vector<64x1xf32>
    %sub3A_100 = arith.subf %sub3A_99, %sub3A_97 : vector<64x1xf32>
    %slice3A_101 = vector.extract_strided_slice %mul3A_16 {offsets = [0, 176], sizes = [64, 16], strides = [1, 1]} : vector<64x256xf32> to vector<64x16xf32>
    %reduce_sum3A_102 = arith.constant dense<0.000000e+00> : vector<64xf32>
    %reduce_sum3A_103 = vector.multi_reduction <add>, %slice3A_101, %reduce_sum3A_102 [1] : vector<64x16xf32> to vector<64xf32>
    %broadcast_in_dim3A_104 = vector.shape_cast %reduce_sum3A_103 : vector<64xf32> to vector<64x1xf32>
    %sub3A_105 = arith.subf %broadcast_in_dim3A_104, %sub3A_100 : vector<64x1xf32>
    %add3A_106 = arith.addf %add3A_98, %sub3A_105 : vector<64x1xf32>
    %sub3A_107 = arith.subf %add3A_106, %add3A_98 : vector<64x1xf32>
    %sub3A_108 = arith.subf %sub3A_107, %sub3A_105 : vector<64x1xf32>
    %slice3A_109 = vector.extract_strided_slice %mul3A_16 {offsets = [0, 192], sizes = [64, 16], strides = [1, 1]} : vector<64x256xf32> to vector<64x16xf32>
    %reduce_sum3A_110 = arith.constant dense<0.000000e+00> : vector<64xf32>
    %reduce_sum3A_111 = vector.multi_reduction <add>, %slice3A_109, %reduce_sum3A_110 [1] : vector<64x16xf32> to vector<64xf32>
    %broadcast_in_dim3A_112 = vector.shape_cast %reduce_sum3A_111 : vector<64xf32> to vector<64x1xf32>
    %sub3A_113 = arith.subf %broadcast_in_dim3A_112, %sub3A_108 : vector<64x1xf32>
    %add3A_114 = arith.addf %add3A_106, %sub3A_113 : vector<64x1xf32>
    %sub3A_115 = arith.subf %add3A_114, %add3A_106 : vector<64x1xf32>
    %sub3A_116 = arith.subf %sub3A_115, %sub3A_113 : vector<64x1xf32>
    %slice3A_117 = vector.extract_strided_slice %mul3A_16 {offsets = [0, 208], sizes = [64, 16], strides = [1, 1]} : vector<64x256xf32> to vector<64x16xf32>
    %reduce_sum3A_118 = arith.constant dense<0.000000e+00> : vector<64xf32>
    %reduce_sum3A_119 = vector.multi_reduction <add>, %slice3A_117, %reduce_sum3A_118 [1] : vector<64x16xf32> to vector<64xf32>
    %broadcast_in_dim3A_120 = vector.shape_cast %reduce_sum3A_119 : vector<64xf32> to vector<64x1xf32>
    %sub3A_121 = arith.subf %broadcast_in_dim3A_120, %sub3A_116 : vector<64x1xf32>
    %add3A_122 = arith.addf %add3A_114, %sub3A_121 : vector<64x1xf32>
    %sub3A_123 = arith.subf %add3A_122, %add3A_114 : vector<64x1xf32>
    %sub3A_124 = arith.subf %sub3A_123, %sub3A_121 : vector<64x1xf32>
    %slice3A_125 = vector.extract_strided_slice %mul3A_16 {offsets = [0, 224], sizes = [64, 16], strides = [1, 1]} : vector<64x256xf32> to vector<64x16xf32>
    %reduce_sum3A_126 = arith.constant dense<0.000000e+00> : vector<64xf32>
    %reduce_sum3A_127 = vector.multi_reduction <add>, %slice3A_125, %reduce_sum3A_126 [1] : vector<64x16xf32> to vector<64xf32>
    %broadcast_in_dim3A_128 = vector.shape_cast %reduce_sum3A_127 : vector<64xf32> to vector<64x1xf32>
    %sub3A_129 = arith.subf %broadcast_in_dim3A_128, %sub3A_124 : vector<64x1xf32>
    %add3A_130 = arith.addf %add3A_122, %sub3A_129 : vector<64x1xf32>
    %sub3A_131 = arith.subf %add3A_130, %add3A_122 : vector<64x1xf32>
    %sub3A_132 = arith.subf %sub3A_131, %sub3A_129 : vector<64x1xf32>
    %slice3A_133 = vector.extract_strided_slice %mul3A_16 {offsets = [0, 240], sizes = [64, 16], strides = [1, 1]} : vector<64x256xf32> to vector<64x16xf32>
    %reduce_sum3A_134 = arith.constant dense<0.000000e+00> : vector<64xf32>
    %reduce_sum3A_135 = vector.multi_reduction <add>, %slice3A_133, %reduce_sum3A_134 [1] : vector<64x16xf32> to vector<64xf32>
    %broadcast_in_dim3A_136 = vector.shape_cast %reduce_sum3A_135 : vector<64xf32> to vector<64x1xf32>
    %sub3A_137 = arith.subf %broadcast_in_dim3A_136, %sub3A_132 : vector<64x1xf32>
    %add3A_138 = arith.addf %add3A_130, %sub3A_137 : vector<64x1xf32>
    %reduce_min3A = vector.shape_cast %add3A_138 : vector<64x1xf32> to vector<1x64x1xf32>
    %reduce_min3A_139 = arith.constant dense<0x7F800000> : vector<1xf32>
    %reduce_min3A_140 = vector.multi_reduction <minimumf>, %reduce_min3A, %reduce_min3A_139 [1, 2] : vector<1x64x1xf32> to vector<1xf32>
    %reduce_min3A_141 = vector.shape_cast %reduce_min3A_140 : vector<1xf32> to vector<1x1x1xf32>
    %reduce_min3A_142 = vector.extract %reduce_min3A_141[0, 0, 0] : f32 from vector<1x1x1xf32>
    %reduce_max3A = vector.shape_cast %add3A_138 : vector<64x1xf32> to vector<1x64x1xf32>
    %reduce_max3A_143 = arith.constant dense<0xFF800000> : vector<1xf32>
    %reduce_max3A_144 = vector.multi_reduction <maximumf>, %reduce_max3A, %reduce_max3A_143 [1, 2] : vector<1x64x1xf32> to vector<1xf32>
    %reduce_max3A_145 = vector.shape_cast %reduce_max3A_144 : vector<1xf32> to vector<1x1x1xf32>
    %reduce_max3A_146 = vector.extract %reduce_max3A_145[0, 0, 0] : f32 from vector<1x1x1xf32>
    %sub3A_147 = vector.broadcast %reduce_min3A_142 : f32 to vector<64x1xf32>
    %sub3A_148 = arith.subf %add3A_138, %sub3A_147 : vector<64x1xf32>
    %div3A_149 = vector.broadcast %reduce_max3A_146 : f32 to vector<64x1xf32>
    %div3A_150 = arith.divf %sub3A_148, %div3A_149 : vector<64x1xf32>
    %get3A_151 = arith.constant 0 : index
    %get3A_152 = arith.constant 0 : index
    %get3A_153 = vector.load %arg1[%get3A_151, %get3A_152] : memref<64x512xf32, #tpu.memory_space<vmem>>, vector<64x512xf32>
    %reduce_sum3A_154 = arith.constant dense<0.000000e+00> : vector<64xf32>
    %reduce_sum3A_155 = vector.multi_reduction <add>, %get3A_153, %reduce_sum3A_154 [1] : vector<64x512xf32> to vector<64xf32>
    %broadcast_in_dim3A_156 = vector.shape_cast %reduce_sum3A_155 : vector<64xf32> to vector<64x1xf32>
    %mul3A_157 = arith.mulf %div3A_150, %broadcast_in_dim3A_156 : vector<64x1xf32>
    %reduce_sum3A_158 = vector.shape_cast %mul3A_157 : vector<64x1xf32> to vector<1x64x1xf32>
    %reduce_sum3A_159 = arith.constant dense<0.000000e+00> : vector<1xf32>
    %reduce_sum3A_160 = vector.multi_reduction <add>, %reduce_sum3A_158, %reduce_sum3A_159 [1, 2] : vector<1x64x1xf32> to vector<1xf32>
    %reduce_sum3A_161 = vector.shape_cast %reduce_sum3A_160 : vector<1xf32> to vector<1x1x1xf32>
    %reduce_sum3A_162 = vector.extract %reduce_sum3A_161[0, 0, 0] : f32 from vector<1x1x1xf32>
    %mul3A_163 = arith.constant 5.96046448E-8 : f32
    %mul3A_164 = arith.mulf %reduce_sum3A_162, %mul3A_163 : f32
    %reshape3A = vector.broadcast %mul3A_164 : f32 to vector<1x1xf32>
    %swap3A = arith.constant 0 : index
    %swap3A_165 = arith.constant 0 : index
    %swap3A_166 = vector.load %arg2[%swap3A, %swap3A_165] : memref<1x1xf32, #tpu.memory_space<vmem>>, vector<1x1xf32>
    tpu.vector_store %arg2[%swap3A, %swap3A_165], %reshape3A {strides = array<i32>} : memref<1x1xf32, #tpu.memory_space<vmem>>, vector<1x1xf32>,
    return
  }
}

module attributes {stable_mosaic.version = 14 : i64} {
  func.func @_abs_body(%arg0: i32, %arg1: memref<512x512xf32, #tpu.memory_space<vmem>>, %arg2: memref<512x512xf32, #tpu.memory_space<vmem>>, %arg3: memref<1x1x512xf32, #tpu.memory_space<vmem>>) attributes {dimension_semantics = [#tpu.dimension_semantics<arbitrary>], iteration_bounds = array<i64: 64>, scalar_prefetch = 0 : i64, scratch_operands = 0 : i64, tpu.core_type = #tpu.core_type<tc>, window_params = [{transform_indices = @transform_0, window_bounds = array<i64: 512, 512>}, {transform_indices = @transform_1, window_bounds = array<i64: 512, 512>}, {transform_indices = @transform_2, window_bounds = array<i64: 1, 1, 512>}]} {
    %get3A = arith.constant 0 : index
    %get3A_0 = arith.constant 0 : index
    %get3A_1 = vector.load %arg1[%get3A, %get3A_0] : memref<512x512xf32, #tpu.memory_space<vmem>>, vector<512x512xf32>
    %get3A_2 = arith.constant 0 : index
    %get3A_3 = arith.constant 0 : index
    %get3A_4 = vector.load %arg2[%get3A_2, %get3A_3] : memref<512x512xf32, #tpu.memory_space<vmem>>, vector<512x512xf32>
    %sub3A = arith.subf %get3A_1, %get3A_4 : vector<512x512xf32>
    %abs3A = math.absf %sub3A : vector<512x512xf32>
    %reduce_sum3A = arith.constant dense<0.000000e+00> : vector<512xf32>
    %reduce_sum3A_5 = vector.multi_reduction <add>, %abs3A, %reduce_sum3A [0] : vector<512x512xf32> to vector<512xf32>
    %reshape3A = vector.shape_cast %reduce_sum3A_5 : vector<512xf32> to vector<1x1x512xf32>
    %swap3A = arith.constant 0 : index
    %swap3A_6 = arith.constant 0 : index
    %swap3A_7 = arith.constant 0 : index
    %swap3A_8 = vector.load %arg3[%swap3A, %swap3A_6, %swap3A_7] : memref<1x1x512xf32, #tpu.memory_space<vmem>>, vector<1x1x512xf32>
    tpu.vector_store %arg3[%swap3A, %swap3A_6, %swap3A_7], %reshape3A {strides = array<i32>} : memref<1x1x512xf32, #tpu.memory_space<vmem>>, vector<1x1x512xf32>,
    return
  }
  func.func @transform_0(%arg0: i32) -> (i32, i32) {
    %jit3A = arith.constant 8 : i32
    %div3A = arith.divsi %arg0, %jit3A : i32
    %sign3A = arith.constant 0 : i32
    %sign3A_0 = arith.cmpi sgt, %arg0, %sign3A : i32
    %sign3A_1 = arith.extui %sign3A_0 : i1 to i32
    %sign3A_2 = arith.constant 0 : i32
    %sign3A_3 = arith.cmpi slt, %arg0, %sign3A_2 : i32
    %sign3A_4 = arith.extui %sign3A_3 : i1 to i32
    %sign3A_5 = arith.subi %sign3A_1, %sign3A_4 : i32
    %sign3A_6 = arith.constant 0 : i32
    %sign3A_7 = arith.cmpi sgt, %jit3A, %sign3A_6 : i32
    %sign3A_8 = arith.extui %sign3A_7 : i1 to i32
    %sign3A_9 = arith.constant 0 : i32
    %sign3A_10 = arith.cmpi slt, %jit3A, %sign3A_9 : i32
    %sign3A_11 = arith.extui %sign3A_10 : i1 to i32
    %sign3A_12 = arith.subi %sign3A_8, %sign3A_11 : i32
    %ne3A = arith.cmpi ne, %sign3A_5, %sign3A_12 : i32
    %rem3A = arith.remsi %arg0, %jit3A : i32
    %ne3A_13 = arith.constant 0 : i32
    %ne3A_14 = arith.cmpi ne, %rem3A, %ne3A_13 : i32
    %and3A = arith.andi %ne3A, %ne3A_14 : i1
    %sub3A = arith.constant 1 : i32
    %sub3A_15 = arith.subi %div3A, %sub3A : i32
    %select_n3A = arith.select %and3A, %sub3A_15, %div3A : i32
    %jit3A_16 = arith.constant 8 : i32
    %eq3A = arith.constant 0 : i32
    %eq3A_17 = arith.cmpi eq, %jit3A_16, %eq3A : i32
    %jit3A_18 = arith.constant 1 : i32
    %select_n3A_19 = arith.select %eq3A_17, %jit3A_18, %jit3A_16 : i32
    %rem3A_20 = arith.remsi %arg0, %select_n3A_19 : i32
    %ne3A_21 = arith.constant 0 : i32
    %ne3A_22 = arith.cmpi ne, %rem3A_20, %ne3A_21 : i32
    %lt3A = arith.constant 0 : i32
    %lt3A_23 = arith.cmpi slt, %rem3A_20, %lt3A : i32
    %lt3A_24 = arith.constant 0 : i32
    %lt3A_25 = arith.cmpi slt, %select_n3A_19, %lt3A_24 : i32
    %ne3A_26 = arith.xori %lt3A_23, %lt3A_25 : i1
    %and3A_27 = arith.andi %ne3A_26, %ne3A_22 : i1
    %add3A = arith.addi %rem3A_20, %select_n3A_19 : i32
    %select_n3A_28 = arith.select %and3A_27, %add3A, %rem3A_20 : i32
    %c0_i32 = arith.constant 0 : i32
    return %select_n3A, %select_n3A_28 : i32, i32
  }
  func.func @transform_1(%arg0: i32) -> (i32, i32) {
    %jit3A = arith.constant 8 : i32
    %div3A = arith.divsi %arg0, %jit3A : i32
    %sign3A = arith.constant 0 : i32
    %sign3A_0 = arith.cmpi sgt, %arg0, %sign3A : i32
    %sign3A_1 = arith.extui %sign3A_0 : i1 to i32
    %sign3A_2 = arith.constant 0 : i32
    %sign3A_3 = arith.cmpi slt, %arg0, %sign3A_2 : i32
    %sign3A_4 = arith.extui %sign3A_3 : i1 to i32
    %sign3A_5 = arith.subi %sign3A_1, %sign3A_4 : i32
    %sign3A_6 = arith.constant 0 : i32
    %sign3A_7 = arith.cmpi sgt, %jit3A, %sign3A_6 : i32
    %sign3A_8 = arith.extui %sign3A_7 : i1 to i32
    %sign3A_9 = arith.constant 0 : i32
    %sign3A_10 = arith.cmpi slt, %jit3A, %sign3A_9 : i32
    %sign3A_11 = arith.extui %sign3A_10 : i1 to i32
    %sign3A_12 = arith.subi %sign3A_8, %sign3A_11 : i32
    %ne3A = arith.cmpi ne, %sign3A_5, %sign3A_12 : i32
    %rem3A = arith.remsi %arg0, %jit3A : i32
    %ne3A_13 = arith.constant 0 : i32
    %ne3A_14 = arith.cmpi ne, %rem3A, %ne3A_13 : i32
    %and3A = arith.andi %ne3A, %ne3A_14 : i1
    %sub3A = arith.constant 1 : i32
    %sub3A_15 = arith.subi %div3A, %sub3A : i32
    %select_n3A = arith.select %and3A, %sub3A_15, %div3A : i32
    %jit3A_16 = arith.constant 8 : i32
    %eq3A = arith.constant 0 : i32
    %eq3A_17 = arith.cmpi eq, %jit3A_16, %eq3A : i32
    %jit3A_18 = arith.constant 1 : i32
    %select_n3A_19 = arith.select %eq3A_17, %jit3A_18, %jit3A_16 : i32
    %rem3A_20 = arith.remsi %arg0, %select_n3A_19 : i32
    %ne3A_21 = arith.constant 0 : i32
    %ne3A_22 = arith.cmpi ne, %rem3A_20, %ne3A_21 : i32
    %lt3A = arith.constant 0 : i32
    %lt3A_23 = arith.cmpi slt, %rem3A_20, %lt3A : i32
    %lt3A_24 = arith.constant 0 : i32
    %lt3A_25 = arith.cmpi slt, %select_n3A_19, %lt3A_24 : i32
    %ne3A_26 = arith.xori %lt3A_23, %lt3A_25 : i1
    %and3A_27 = arith.andi %ne3A_26, %ne3A_22 : i1
    %add3A = arith.addi %rem3A_20, %select_n3A_19 : i32
    %select_n3A_28 = arith.select %and3A_27, %add3A, %rem3A_20 : i32
    %c0_i32 = arith.constant 0 : i32
    return %select_n3A, %select_n3A_28 : i32, i32
  }
  func.func @transform_2(%arg0: i32) -> (i32, i32, i32) {
    %c0_i32 = arith.constant 0 : i32
    %c0_i32_0 = arith.constant 0 : i32
    %c0_i32_1 = arith.constant 0 : i32
    return %arg0, %c0_i32, %c0_i32_0 : i32, i32, i32
  }
}

</mosaic_0001>

<sc_bundles>
// kernel: kernel.5.cloned.1.call-start
scs
__scs_entry_jumppad:
0x0: {  	(pc) =	sbr.rel $0x88, $3  }
0x1: {  	(tag) =	ssettag $0x0;
	lr =	simm.s32 $0x1  }
0x2: {  	[smem:$0x3F9F] =	sst lr;
	_ =	strace $0xD0000000  }
0x3: {  	_ = 	snop  }
0x4: {  	_ = 	snop  }
0x5: {  	_ = 	snop  }
0x6: {  	_ = 	snop  }
0x7: {  	_ = 	snop  }
__scs_overlays_trampoline_lowered:
0x8: {  	[smem:$0x3FAE] =	sst s0  }
0x9: {  	[smem:$0x3FAF] =	sst s1  }
0xa: {  	[smem:$0x3FB0] =	sst s2  }
0xb: {  	[smem:$0x3FB1] =	sst s3  }
0xc: {  	[smem:$0x3FB2] =	sst s4  }
0xd: {  	[smem:$0x3FB3] =	sst s5  }
0xe: {  	[smem:$0x3FB4] =	sst s6  }
0xf: {  	[smem:$0x3FB5] =	sst s7  }
0x10: {  	[smem:$0x3FB6] =	sst s8  }
0x11: {  	[smem:$0x3FB7] =	sst s9;
	s0 =	simm.s32 @!p0 $0x0  }
0x12: {  	s1 =	sld [smem:$0x3F9D];
	s0 =	simm.s32 @p0 $0x1  }
0x13: {  	[smem:$0x3FB8] =	sst s0;
	s0 =	simm.s32 @!p1 $0x0  }
0x14: {  	s2 =	sld [smem:$0x3F9C];
	s0 =	simm.s32 @p1 $0x1  }
0x15: {  	[smem:$0x3FB9] =	sst s0;
	s0 =	simm.s32 @!p2 $0x0  }
0x16: {  	s3 =	sld [smem:$0x3FDB];
	s0 =	simm.s32 @p2 $0x1  }
0x17: {  	s4 =	simm.s32 $0x1BF5;
	[smem:$0x3FBB] =	sst s0  }
0x18: {  	s0 =	sld [smem:$0x3F9E];
	_ =	swait.ge [sflag:s4], $0x0  }
0x19: {  	s7 =	sld [smem:$0x3F9F]  }
0x1a: {  	s8 =	sadd.s32 $0xFFFFE003, lr  }
0x1b: {  	s9 =	sadd.s32 $0xFFFFFEF7, lr;
	s5 =	simm.s32 $0xFFFFFFFF;
	p2 =	slt.u32 s8, $0xFFFFF086  }
0x1c: {  	p1 =	slt.u32 s9, $0xF7A;
	s5 =	simm.s32 @!p2 $0x0  }
0x1d: {  	s5 =	simm.s32 @p1 $0x1;
	p0 =	seq.s32 s7, s2  }
0x1e: {  	s7 =	smul.u32 @!p0 $0xF7A, s2;
	p2 =	seq.s32 @!p0 s5, $0x0  }
0x1f: {  	s9 =	smul.u32 $0xF7A, s1;
	s8 =	simm.s32 @!p0 $0x1BF5;
	p2 =	por !p2, p0  }
0x20: {  	[sflag:s8] =	ssyncset.s32 @!p0 $0xFFFFF086;
	s6 =	sadd.s32 @!p0 s3, s7;
	s7 =	simm.s32 @!p0 $0x108  }
0x21: {  	s3 =	sadd.s32 s3, s9;
	s6 =	sadd.s32 @!p0 $0x88, s6;
	s7 =	simm.s32 @p2 $0x1082  }
0x22: {  	[simem:s7], [sflag:s8] =	dma.local @!p0 [hbm:s6], $0xF7A  }
0x23: {  	s9 =	sor.u32 $0xD0000000, s2;
	s6 =	simm.s32 $0x108;
	_ =	swait.ge @!p0 [sflag:s8], $0x0  }
0x24: {  	s3 =	sadd.s32 $0x88, s3;
	s6 =	simm.s32 @!p1 $0x1082;
	[sflag:s4] =	ssyncset.s32 $0xFFFFF086  }
0x25: {  	[simem:s6], [sflag:s4] =	dma.local [hbm:s3], $0xF7A  }
0x26: {  	[smem:$0x3F9F] =	sst s1;
	(tag) =	ssettag s2;
	_ =	strace s9  }
0x27: {  	s1 =	sld [smem:$0x3FAF]  }
0x28: {  	s2 =	sld [smem:$0x3FB0]  }
0x29: {  	s4 =	sld [smem:$0x3FB2]  }
0x2a: {  	p0 =	seq.s32 s5, $0x0;
	s5 =	sld [smem:$0x3FB3]  }
0x2b: {  	s6 =	sld [smem:$0x3FB4]  }
0x2c: {  	s7 =	sld [smem:$0x3FB5]  }
0x2d: {  	s3 =	simm.s32 $0x108;
	s8 =	sld [smem:$0x3FB6]  }
0x2e: {  	s3 =	simm.s32 @!p0 $0x1082;
	s9 =	sld [smem:$0x3FB7]  }
0x2f: {  	lr =	sadd.s32 s0, s3;
	s0 =	sld [smem:$0x3FAE]  }
0x30: {  	s3 =	sld [smem:$0x3FB1]  }
0x31: {  	[smem:$0x3FBA] =	sst s10  }
0x32: {  	s10 =	sld [smem:$0x3FB8];
	_ =	sdelay $0x3  }
0x33: {  	p0 =	seq.s32 s10, $0x1;
	s10 =	sld [smem:$0x3FBA];
	_ =	sdelay $0x3  }
0x34: {  	[smem:$0x3FBA] =	sst s10  }
0x35: {  	s10 =	sld [smem:$0x3FB9];
	_ =	sdelay $0x3  }
0x36: {  	p1 =	seq.s32 s10, $0x1;
	s10 =	sld [smem:$0x3FBA];
	_ =	sdelay $0x3  }
0x37: {  	[smem:$0x3FBA] =	sst s10  }
0x38: {  	s10 =	sld [smem:$0x3FBB]  }
0x39: {  	_ = 	snop;
	(pc) =	sbr.ind lr, $3  }
0x3a: {  	_ = 	snop  }
0x3b: {  	_ = 	snop  }
0x3c: {  	p2 =	seq.s32 s10, $0x1;
	s10 =	sld [smem:$0x3FBA]  }
0x3d: {  	_ =	shalt  }
0x3e: {  	_ =	shalt  }
0x3f: {  	_ =	shalt  }
0x40: {  	_ =	shalt  }
0x41: {  	_ =	shalt  }
0x42: {  	_ =	shalt  }
0x43: {  	_ =	shalt  }
0x44: {  	_ =	shalt  }
0x45: {  	_ =	shalt  }
0x46: {  	_ =	shalt  }
0x47: {  	_ =	shalt  }
0x48: {  	_ =	shalt  }
0x49: {  	_ =	shalt  }
0x4a: {  	_ =	shalt  }
0x4b: {  	_ =	shalt  }
0x4c: {  	_ =	shalt  }
0x4d: {  	_ =	shalt  }
0x4e: {  	_ =	shalt  }
0x4f: {  	_ =	shalt  }
0x50: {  	_ =	shalt  }
0x51: {  	_ =	shalt  }
0x52: {  	_ =	shalt  }
0x53: {  	_ =	shalt  }
0x54: {  	_ =	shalt  }
0x55: {  	_ =	shalt  }
0x56: {  	_ =	shalt  }
0x57: {  	_ =	shalt  }
0x58: {  	_ =	shalt  }
0x59: {  	_ =	shalt  }
0x5a: {  	_ =	shalt  }
0x5b: {  	_ =	shalt  }
0x5c: {  	_ =	shalt  }
0x5d: {  	_ =	shalt  }
0x5e: {  	_ =	shalt  }
0x5f: {  	_ =	shalt  }
0x60: {  	_ =	shalt  }
0x61: {  	_ =	shalt  }
0x62: {  	_ =	shalt  }
0x63: {  	_ =	shalt  }
0x64: {  	_ =	shalt  }
0x65: {  	_ =	shalt  }
0x66: {  	_ =	shalt  }
0x67: {  	_ =	shalt  }
0x68: {  	_ =	shalt  }
0x69: {  	_ =	shalt  }
0x6a: {  	_ =	shalt  }
0x6b: {  	_ =	shalt  }
0x6c: {  	_ =	shalt  }
0x6d: {  	_ =	shalt  }
0x6e: {  	_ =	shalt  }
0x6f: {  	_ =	shalt  }
0x70: {  	_ =	shalt  }
0x71: {  	_ =	shalt  }
0x72: {  	_ =	shalt  }
0x73: {  	_ =	shalt  }
0x74: {  	_ =	shalt  }
0x75: {  	_ =	shalt  }
0x76: {  	_ =	shalt  }
0x77: {  	_ =	shalt  }
0x78: {  	_ =	shalt  }
0x79: {  	_ =	shalt  }
0x7a: {  	_ =	shalt  }
0x7b: {  	_ =	shalt  }
0x7c: {  	_ =	shalt  }
0x7d: {  	_ =	shalt  }
0x7e: {  	_ =	shalt  }
0x7f: {  	_ =	shalt  }
0x80: {  	_ =	shalt  }
0x81: {  	_ =	shalt  }
0x82: {  	_ =	shalt  }
0x83: {  	_ =	shalt  }
0x84: {  	_ =	shalt  }
0x85: {  	_ =	shalt  }
0x86: {  	_ =	shalt  }
0x87: {  	_ =	shalt  }
.Lfunc_end0:
.L_simem_size_0:
called_computation_lowered:
.L_overlay_start_0:
0x88: {  	s2 =	sld [smem:$0x3FD9]  }
0x89: {  	s3 =	sld [smem:$0x3FFE];
	_ =	sdelay $0x1  }
0x8a: {  	s1 =	srdreg.scid  }
0x8b: {  	s0 =	sand.u32 $0x1, s1  }
0x8c: {  	s17 =	sshll.u32 s0, $0xA;
	s2 =	sadd.s32 s3, s2  }
0x8d: {  	s2 =	sadd.s32 s2, s17  }
0x8e: {  	[smem:$0x3FC6] =	sst s2  }
0x8f: {  	_ = 	snop  }
0x90: {  	s2 =	sld [smem:$0x3FC8];
	(tm) =	ssettm $0x1  }
0x91: {  	s18 =	sld [smem:$0x3FFB];
	_ =	sdelay $0x3  }
0x92: {  	_ =	strace s18  }
0x93: {  	s3 =	sld [smem:$0x3FFC];
	_ =	sdelay $0x3  }
0x94: {  	_ =	strace s3  }
0x95: {  	s3 =	sld [smem:$0x3FFD];
	_ =	sdelay $0x3  }
0x96: {  	_ =	strace s3  }
0x97: {  	_ =	strace $0x8FFFFFFF  }
0x98: {  	s19 =	sld [smem:$0x3FDB];
	_ =	sdelay $0x1  }
0x99: {  	s4 =	simm.s32 $_scs_section_size  }
0x9a: {  	s5 =	simm.s32 $_size__tile_overlayer_lowered;
	s6 =	simm.s32 $_tile_overlayer_lowered  }
0x9b: {  	s22 =	simm.s32 $0x1BFF;
	s21 =	sshll.u32 s6, $0x1;
	s3 =	sadd.s32 s4, s19  }
0x9c: {  	s7 =	simm.s32 $0x0;
	s20 =	sshll.u32 s5, $0x1;
	s5 =	sadd.s32 s21, s3  }
0x9d: {  	[timem:s7], [sflag:s22] =	dma.local [hbm:s5], s20  }
0x9e: {  	_ =	swait.ge [sflag:s22], s20  }
0x9f: {  	s4 =	ssub.s32 $0x0, s20;
	[sflag:s22] =	ssyncset.done $0x0  }
0xa0: {  	[sflag:s22] =	ssyncadd.s32 s4;
	_ =	sdelay $0x1  }
0xa1: {  	s23 =	simm.s32 $0x1B8B  }
0xa2: {  	_ =	swait.ge [sflag:s23], $0x1  }
0xa3: {  	[sflag:s23] =	ssyncset.done $0x0  }
0xa4: {  	s25 =	simm.s32 $0x1B8E;
	s24 =	sld [smem:$0x3FFE];
	[sflag:s23] =	ssyncadd.s32 $0xFFFFFFFF  }
0xa5: {  	s26 =	simm.s32 $execute0_lowered;
	[smem:$0x3FD2] =	sst s25  }
0xa6: {  	s5 =	sshll.u32 s26, $0x1;
	_ =	strace $0x80000046;
	[dreg:$0x1] =	wrdreg $0xFFFFFFFF  }
0xa7: {  	s28 =	simm.s32 $_size_execute0_lowered;
	s3 =	sadd.s32 s3, s5;
	[dreg:$0x0] =	wrdreg $0x0  }
0xa8: {  	s5 =	sshll.u32 s28, $0x1;
	[dreg:$0x2] =	wrdreg s3  }
0xa9: {  	[dreg:$0x3] =	wrdreg s5  }
0xaa: {  	[dreg:$0x4] =	wrdreg $0xC0  }
0xab: {  	_ =	task [dreg:s7], $0x5FFFF  }
0xac: {  	[dreg:$0x1] =	wrdreg $0xFFFFFFFF  }
0xad: {  	[dreg:$0x0] =	wrdreg $0x60  }
0xae: {  	[dreg:$0x2] =	wrdreg s2  }
0xaf: {  	[dreg:$0x3] =	wrdreg s24  }
0xb0: {  	[dreg:$0x4] =	wrdreg $0x9  }
0xb1: {  	_ =	task.clear_ibuf [dreg:s7], $0x5FFFF;
	_ =	strace $0x90000046  }
0xb2: {  	s29 =	simm.s32 $0x9;
	_ =	strace $0x80000048  }
0xb3: {  	_ =	swait.ge [sflag:s29], $0x1  }
0xb4: {  	[sflag:s29] =	ssyncadd.s32 $0xFFFFFFFF  }
0xb5: {  	_ =	strace $0x90000048  }
0xb6: {  	_ =	sfence  }
0xb7: {  	s30 =	sld [smem:$0x0];
	_ =	sdelay $0x2  }
0xb8: {  	s31 =	sshll.u32 s1, $0xD;
	s1 =	sshrl.u32 s1, $0x2  }
0xb9: {  	s3 =	sand.u32 $0x4000, s31;
	s1 =	sadd.s32 s1, s30  }
0xba: {  	s0 =	sor.u32 s3, s0;
	s1 =	sshll.u32 s1, $0x11  }
0xbb: {  	s0 =	sor.u32 s1, s0  }
0xbc: {  	s0 =	sadd.s32 $0x8F2B, s0  }
0xbd: {  	[sflag:s0] =	ssyncadd.remote.s32 $0x1  }
0xbe: {  	_ =	sfence.sel $0xFFFF  }
0xbf: {  	[dreg:$0x0] =	wrdreg $0xFFFFFFFF;
	(pc) =	sbr.abs _section_cstart, $3  }
0xc0: {  	[dreg:$0x1] =	wrdreg $0xFFFFFFFF  }
0xc1: {  	_ =	task.clear_ibuf [dreg:s7], $0x2FFFF;
	_ =	strace $0x9FFFFFFF  }
0xc2: {  	(tm) =	ssettm $0x7FFFFFFF  }
0xc3: {  	_ =	shalt  }
tec
execute0_lowered:
.L_overlay_start_1:
0x0: {  	(tag) =	ssettag $0x1  }
0x1: {  	s2 =	rddreg [dreg:$0x0]  }
0x2: {  	s0 =	rddreg [dreg:$0x1]  }
0x3: {  	s1 =	srdreg.scid;
	s6 =	stileid.u32  }
0x4: {  	s3 =	simm.s32 $0x0;
	s15 =	simm.s32 $0x1000;
	s16 =	simm.s32 $0x8000  }
0x5: {  	s17 =	simm.s32 $0x1;
	s18 =	simm.s32 $0x10000;
	s19 =	simm.s32 $0x2  }
0x6: {  	s22 =	simm.s32 $0x3;
	s1 =	sand.u32 $0x1, s1;
	s4 =	sshll.u32 s6, $0x2  }
0x7: {  	[smem:$0x7FF] =	sst s3;
	s7 =	sshrl.u32 s6, $0x1;
	s0 =	sadd.s32 $0x400, s0  }
0x8: {  	s10 =	sadd.s32 $0x8000, s2;
	s5 =	sshll.u32 s1, $0x1;
	_ =	strace $0x80000047  }
0x9: {  	s1 =	ssub.s32 $0x2, s1;
	s8 =	sshll.u32 s7, $0x15;
	s4 =	sor.u32 s5, s4  }
0xa: {  	s11 =	smul.u32 $0x8400, s7;
	s25 =	sshrl.u32 s1, $0x1;
	s5 =	sshll.u32 s4, $0xC  }
0xb: {  	s1 =	ssub.s32 s1, s25;
	s12 =	sshll.u32 s4, $0x7;
	s4 =	sor.u32 $0x1, s4  }
0xc: {  	s5 =	sand.u32 $0x6000, s5;
	s28 =	sand.u32 $0x300, s12;
	s29 =	sshll.u32 s4, $0xC  }
0xd: {  	s4 =	sshll.u32 s4, $0x7;
	s14 =	smax.u32 s1, $0x1;
	s9 =	sor.u32 s8, s5  }
0xe: {  	s12 =	sand.u32 $0x7000, s29;
	s4 =	sand.u32 $0x380, s4;
	s5 =	sshrl.u32 s9, $0x3  }
0xf: {  	s6 =	sor.u32 $0x80000, s9;
	s7 =	sor.u32 $0xC0000, s9;
	s9 =	sor.u32 s11, s28  }
0x10: {  	s12 =	sor.u32 s8, s12;
	s4 =	sor.u32 s11, s4;
	s26 =	sadd.s32 s2, s5  }
.Ltmp0:
0x11: {  	s5 =	sadd.s32 s5, s10;
	s9 =	sshrl.u32 s9, $0x3;
	(pc) =	sbr.rel .LBB2_1-.Ltmp0, $4  }
0x12: {  	s13 =	sshrl.u32 s12, $0x3;
	s4 =	sshrl.u32 s4, $0x3;
	[dreg:$0x3] =	wrdreg s26  }
0x13: {  	s11 =	sor.u32 $0x80000, s12;
	[dreg:$0x4] =	wrdreg s5;
	s30 =	sadd.s32 s0, s9  }
0x14: {  	v1 =	vlaneseq.u32;
	s12 =	sor.u32 $0xC0000, s12;
	s31 =	sadd.s32 s2, s13;
	[dreg:$0x5] =	wrdreg s30  }
0x15: {  	v0 =	vimm.f32 $0.0e+00;
	v2 =	vimm.f32 $1.000000000e+00;
	v1 =	vmul.u32 $0x101, v1;
	s10 =	sadd.s32 s13, s10;
	s13 =	sadd.s32 s0, s4;
	[dreg:$0x6] =	wrdreg s31  }
.LBB2_19:
0x16: {  	s3 =	sadd.s32 $0x1, s3  }
0x17: {  	p0 =	sne.s32 s3, s14  }
.Ltmp1:
0x18: {  	s0 =	simm.s32 $0x80;
	s1 =	simm.s32 $0x400;
	(pc) =	sbr.rel @!p0 .LBB2_20-.Ltmp1, $4  }
0x19: {  	[hbm4b:s13+s0] =	stream.strided.scatter [tilespmem:s18], [sflag:$0x3], $0x1080, s1, s0, $0x38;
	[tilespmem:$0x11080] =	vst v63  }
0x1a: {  	_ =	swait.ge [sflag:s22], $0x1080  }
0x1b: {  	[sflag:s22] =	ssyncset.done $0x0  }
0x1c: {  	[sflag:s22] =	ssyncadd.s32 $0xFFFFEF80  }
.LBB2_1:
0x1d: {  	s0 =	simm.s32 $0x40;
	s1 =	simm.s32 $0x0  }
.LBB2_2:
0x1e: {  	p0 =	sne.s32 s0, $0x4000;
	[tilespmem:s1+$0x10000] =	vst v0;
	s1 =	smov.u32 s0;
	s0 =	sadd.s32 $0x40, s0  }
.Ltmp2:
0x1f: {  	(pc) =	sbr.rel @p0 .LBB2_2-.Ltmp2, $2  }
0x20: {  	_ =	sdelay $0x2  }
0x21: {  	s1 =	sshra.s32 s1, $0x2  }
0x22: {  	[tilespmem:s1+$0x10000] =	vst v0;
	s23 =	simm.s32 $0x0;
	s0 =	rddreg [dreg:$0x3]  }
0x23: {  	[tilespmem:s23], [sflag:$0x1] =	stream.strided.gather [hbm4b:s0+s15], $0x8000, s16, s15, $0x38;
	[tilespmem:$0x11080] =	vst v63  }
0x24: {  	s31 =	rddreg [dreg:$0x4];
	s24 =	simm.s32 $0x0  }
0x25: {  	[tilespmem:s16], [sflag:$0x2] =	stream.strided.gather [hbm4b:s31+s15], $0x8000, s16, s15, $0x38;
	[tilespmem:$0x11080] =	vst v63  }
.LBB2_4:
0x26: {  	_ =	swait.ge [sflag:s17], $0x8000;
	s0 =	simm.s32 $0x0  }
0x27: {  	s1 =	sand.u32 $0xC00, s23;
	s4 =	simm.s32 $0x0;
	s0 =	sand.u32 $0x7000, s0  }
0x28: {  	[sflag:s17] =	ssyncset.done $0x0;
	s4 =	sand.u32 $0x380, s4;
	s0 =	sor.u32 s1, s0  }
0x29: {  	[sflag:s17] =	ssyncadd.s32 $0xFFFF8000;
	s20 =	sor.u32 s4, s0  }
0x2a: {  	v3 =	vld [tilespmem:s20+$0x0];
	_ =	sdelay $0x3  }
0x2b: {  	s5 =	simm.s32 $0x400;
	s4 =	simm.s32 $0x80  }
0x2c: {  	s8 =	simm.s32 $0x20;
	s1 =	sand.u32 $0xC00, s5;
	s0 =	sand.u32 $0x7000, s4;
	v3 =	vmul.f32 $2.550000000e+02, v3  }
0x2d: {  	s4 =	sand.u32 $0x380, s8;
	s0 =	sor.u32 s1, s0  }
0x2e: {  	s25 =	sor.u32 s4, s0;
	v3 =	vtrunc.f32 v3  }
0x2f: {  	v4 =	vld [tilespmem:s25+$0x0];
	v3 =	vcvt.f32.s32 v3;
	_ =	sdelay $0x1  }
0x30: {  	v3 =	vadd.s32 v1, v3;
	_ =	sdelay $0x2  }
0x31: {  	v4 =	vmul.f32 $2.550000000e+02, v4;
	_ =	sdelay $0x1  }
0x32: {  	v4 =	vtrunc.f32 v4;
	[tilespmem:v3+s18+$0x0] =	vst.idx.add.f32.msk $0xffff, v2  }
0x33: {  	v4 =	vcvt.f32.s32 v4;
	v3 =	vld [tilespmem:s20+$0x10]  }
0x34: {  	s9 =	simm.s32 $0x100;
	s21 =	simm.s32 $0x800  }
0x35: {  	s26 =	simm.s32 $0x40;
	s1 =	sand.u32 $0xC00, s21;
	s0 =	sand.u32 $0x7000, s9;
	v4 =	vadd.s32 v1, v4  }
0x36: {  	s4 =	sand.u32 $0x380, s26;
	s0 =	sor.u32 s1, s0  }
0x37: {  	s26 =	sor.u32 s4, s0  }
0x38: {  	v5 =	vld [tilespmem:s26+$0x0];
	v3 =	vmul.f32 $2.550000000e+02, v3;
	_ =	sdelay $0x1  }
0x39: {  	[tilespmem:v4+s18+$0x0] =	vst.idx.add.f32.msk $0xffff, v2;
	v3 =	vtrunc.f32 v3  }
0x3a: {  	v4 =	vld [tilespmem:s25+$0x10];
	v3 =	vcvt.f32.s32 v3;
	_ =	sdelay $0x1  }
0x3b: {  	v5 =	vmul.f32 $2.550000000e+02, v5;
	v3 =	vadd.s32 v1, v3;
	_ =	sdelay $0x1  }
0x3c: {  	v5 =	vtrunc.f32 v5  }
0x3d: {  	v5 =	vcvt.f32.s32 v5;
	v4 =	vmul.f32 $2.550000000e+02, v4;
	_ =	sdelay $0x1  }
0x3e: {  	v5 =	vadd.s32 v1, v5;
	v4 =	vtrunc.f32 v4;
	[tilespmem:v3+s18+$0x0] =	vst.idx.add.f32.msk $0xffff, v2  }
0x3f: {  	v4 =	vcvt.f32.s32 v4;
	v3 =	vld [tilespmem:s20+$0x20];
	_ =	sdelay $0x1  }
0x40: {  	v4 =	vadd.s32 v1, v4;
	_ =	sdelay $0x1  }
0x41: {  	[tilespmem:v5+s18+$0x0] =	vst.idx.add.f32.msk $0xffff, v2  }
0x42: {  	v5 =	vld [tilespmem:s26+$0x10];
	v3 =	vmul.f32 $2.550000000e+02, v3;
	_ =	sdelay $0x1  }
0x43: {  	s1 =	simm.s32 $0x180;
	s4 =	simm.s32 $0xC00;
	[tilespmem:v4+s18+$0x0] =	vst.idx.add.f32.msk $0xffff, v2;
	v3 =	vtrunc.f32 v3  }
0x44: {  	s5 =	simm.s32 $0x60;
	s0 =	sand.u32 $0x7000, s1;
	s1 =	sand.u32 $0xC00, s4;
	v4 =	vld [tilespmem:s25+$0x20];
	v3 =	vcvt.f32.s32 v3  }
0x45: {  	s4 =	sand.u32 $0x380, s5;
	s0 =	sor.u32 s1, s0  }
0x46: {  	s28 =	sor.u32 s4, s0;
	v5 =	vmul.f32 $2.550000000e+02, v5;
	v3 =	vadd.s32 v1, v3  }
0x47: {  	v6 =	vld [tilespmem:s28+$0x0]  }
0x48: {  	v5 =	vtrunc.f32 v5  }
0x49: {  	v5 =	vcvt.f32.s32 v5;
	v4 =	vmul.f32 $2.550000000e+02, v4;
	_ =	sdelay $0x1  }
0x4a: {  	s8 =	simm.s32 $0x200;
	s9 =	simm.s32 $0x1000;
	v5 =	vadd.s32 v1, v5;
	v4 =	vtrunc.f32 v4;
	[tilespmem:v3+s18+$0x0] =	vst.idx.add.f32.msk $0xffff, v2  }
0x4b: {  	s21 =	simm.s32 $0x80;
	s1 =	sand.u32 $0xC00, s9;
	s0 =	sand.u32 $0x7000, s8;
	v4 =	vcvt.f32.s32 v4;
	v3 =	vmul.f32 $2.550000000e+02, v6;
	v6 =	vld [tilespmem:s20+$0x30]  }
0x4c: {  	s4 =	sand.u32 $0x380, s21;
	s0 =	sor.u32 s1, s0  }
0x4d: {  	s29 =	sor.u32 s4, s0;
	v4 =	vadd.s32 v1, v4;
	v3 =	vtrunc.f32 v3  }
0x4e: {  	v7 =	vld [tilespmem:s29+$0x0];
	v3 =	vcvt.f32.s32 v3  }
0x4f: {  	[tilespmem:v5+s18+$0x0] =	vst.idx.add.f32.msk $0xffff, v2  }
0x50: {  	v5 =	vld [tilespmem:s26+$0x20];
	v3 =	vadd.s32 v1, v3;
	v6 =	vmul.f32 $2.550000000e+02, v6;
	_ =	sdelay $0x1  }
0x51: {  	[tilespmem:v4+s18+$0x0] =	vst.idx.add.f32.msk $0xffff, v2;
	v6 =	vtrunc.f32 v6  }
0x52: {  	v4 =	vmul.f32 $2.550000000e+02, v7;
	v7 =	vld [tilespmem:s25+$0x30];
	v6 =	vcvt.f32.s32 v6;
	_ =	sdelay $0x1  }
0x53: {  	s1 =	simm.s32 $0x280;
	s4 =	simm.s32 $0x1400;
	v5 =	vmul.f32 $2.550000000e+02, v5;
	[tilespmem:v3+s18+$0x0] =	vst.idx.add.f32.msk $0xffff, v2;
	v6 =	vadd.s32 v1, v6  }
0x54: {  	s5 =	simm.s32 $0xA0;
	s0 =	sand.u32 $0x7000, s1;
	s1 =	sand.u32 $0xC00, s4;
	v3 =	vld [tilespmem:s28+$0x10]  }
0x55: {  	s4 =	sand.u32 $0x380, s5;
	s0 =	sor.u32 s1, s0;
	v5 =	vtrunc.f32 v5  }
0x56: {  	s30 =	sor.u32 s4, s0;
	v5 =	vcvt.f32.s32 v5;
	v7 =	vmul.f32 $2.550000000e+02, v7  }
0x57: {  	v8 =	vld [tilespmem:s30+$0x0];
	v4 =	vtrunc.f32 v4  }
0x58: {  	v5 =	vadd.s32 v1, v5;
	v4 =	vcvt.f32.s32 v4;
	v7 =	vtrunc.f32 v7;
	[tilespmem:v6+s18+$0x0] =	vst.idx.add.f32.msk $0xffff, v2  }
0x59: {  	v7 =	vcvt.f32.s32 v7;
	v3 =	vmul.f32 $2.550000000e+02, v3;
	v6 =	vld [tilespmem:s20+$0x40]  }
0x5a: {  	v4 =	vadd.s32 v1, v4  }
0x5b: {  	v7 =	vadd.s32 v1, v7;
	v3 =	vtrunc.f32 v3  }
0x5c: {  	v3 =	vcvt.f32.s32 v3  }
0x5d: {  	[tilespmem:v5+s18+$0x0] =	vst.idx.add.f32.msk $0xffff, v2  }
0x5e: {  	v5 =	vmul.f32 $2.550000000e+02, v8;
	v8 =	vld [tilespmem:s26+$0x30];
	v3 =	vadd.s32 v1, v3;
	v6 =	vmul.f32 $2.550000000e+02, v6  }
0x5f: {  	[tilespmem:v4+s18+$0x0] =	vst.idx.add.f32.msk $0xffff, v2  }
0x60: {  	[tilespmem:v7+s18+$0x0] =	vst.idx.add.f32.msk $0xffff, v2;
	v4 =	vtrunc.f32 v6  }
0x61: {  	v6 =	vld [tilespmem:s29+$0x10];
	v4 =	vcvt.f32.s32 v4  }
0x62: {  	v5 =	vtrunc.f32 v5;
	v7 =	vld [tilespmem:s25+$0x40]  }
0x63: {  	v5 =	vcvt.f32.s32 v5;
	[tilespmem:v3+s18+$0x0] =	vst.idx.add.f32.msk $0xffff, v2;
	v4 =	vadd.s32 v1, v4  }
0x64: {  	v8 =	vmul.f32 $2.550000000e+02, v8;
	v3 =	vld [tilespmem:s28+$0x20]  }
0x65: {  	v5 =	vadd.s32 v1, v5  }
0x66: {  	v8 =	vtrunc.f32 v8;
	v6 =	vmul.f32 $2.550000000e+02, v6  }
0x67: {  	v8 =	vcvt.f32.s32 v8  }
0x68: {  	v7 =	vmul.f32 $2.550000000e+02, v7;
	[tilespmem:v4+s18+$0x0] =	vst.idx.add.f32.msk $0xffff, v2;
	v4 =	vtrunc.f32 v6  }
0x69: {  	v3 =	vmul.f32 $2.550000000e+02, v3;
	v6 =	vld [tilespmem:s20+$0x50];
	v4 =	vcvt.f32.s32 v4  }
0x6a: {  	s9 =	simm.s32 $0x1800;
	s8 =	simm.s32 $0x300;
	[tilespmem:v5+s18+$0x0] =	vst.idx.add.f32.msk $0xffff, v2;
	v8 =	vadd.s32 v1, v8;
	v5 =	vtrunc.f32 v7  }
0x6b: {  	s21 =	simm.s32 $0xC0;
	s1 =	sand.u32 $0xC00, s9;
	s0 =	sand.u32 $0x7000, s8;
	v5 =	vcvt.f32.s32 v5;
	v3 =	vtrunc.f32 v3;
	v4 =	vadd.s32 v1, v4  }
0x6c: {  	s4 =	sand.u32 $0x380, s21;
	s0 =	sor.u32 s1, s0;
	v3 =	vcvt.f32.s32 v3  }
0x6d: {  	s31 =	sor.u32 s4, s0;
	v7 =	vld [tilespmem:s30+$0x10];
	v5 =	vadd.s32 v1, v5  }
0x6e: {  	v9 =	vld [tilespmem:s31+$0x0];
	v3 =	vadd.s32 v1, v3;
	v6 =	vmul.f32 $2.550000000e+02, v6  }
0x6f: {  	[tilespmem:v8+s18+$0x0] =	vst.idx.add.f32.msk $0xffff, v2  }
0x70: {  	[tilespmem:v4+s18+$0x0] =	vst.idx.add.f32.msk $0xffff, v2;
	v4 =	vtrunc.f32 v6  }
0x71: {  	v6 =	vld [tilespmem:s29+$0x20];
	v4 =	vcvt.f32.s32 v4  }
0x72: {  	v7 =	vmul.f32 $2.550000000e+02, v7;
	[tilespmem:v5+s18+$0x0] =	vst.idx.add.f32.msk $0xffff, v2  }
0x73: {  	[tilespmem:v3+s18+$0x0] =	vst.idx.add.f32.msk $0xffff, v2;
	v3 =	vmul.f32 $2.550000000e+02, v9;
	v4 =	vadd.s32 v1, v4  }
0x74: {  	v5 =	vtrunc.f32 v7;
	v9 =	vld [tilespmem:s28+$0x30]  }
0x75: {  	v8 =	vld [tilespmem:s26+$0x40];
	v5 =	vcvt.f32.s32 v5;
	v3 =	vtrunc.f32 v3  }
0x76: {  	v7 =	vld [tilespmem:s25+$0x50];
	v3 =	vcvt.f32.s32 v3;
	v6 =	vmul.f32 $2.550000000e+02, v6  }
0x77: {  	s1 =	simm.s32 $0x380;
	s4 =	simm.s32 $0x1C00;
	v5 =	vadd.s32 v1, v5  }
0x78: {  	s5 =	simm.s32 $0xE0;
	s0 =	sand.u32 $0x7000, s1;
	s1 =	sand.u32 $0xC00, s4;
	v3 =	vadd.s32 v1, v3;
	[tilespmem:v4+s18+$0x0] =	vst.idx.add.f32.msk $0xffff, v2;
	v4 =	vtrunc.f32 v6  }
0x79: {  	s4 =	sand.u32 $0x380, s5;
	s0 =	sor.u32 s1, s0;
	v6 =	vmul.f32 $2.550000000e+02, v9;
	v9 =	vld [tilespmem:s20+$0x60];
	v4 =	vcvt.f32.s32 v4  }
0x7a: {  	s0 =	sor.u32 s4, s0;
	v8 =	vmul.f32 $2.550000000e+02, v8  }
0x7b: {  	v10 =	vld [tilespmem:s0+$0x0];
	v7 =	vmul.f32 $2.550000000e+02, v7;
	v6 =	vtrunc.f32 v6;
	v4 =	vadd.s32 v1, v4  }
0x7c: {  	[tilespmem:v5+s18+$0x0] =	vst.idx.add.f32.msk $0xffff, v2;
	v6 =	vcvt.f32.s32 v6  }
0x7d: {  	v5 =	vtrunc.f32 v7;
	[tilespmem:v3+s18+$0x0] =	vst.idx.add.f32.msk $0xffff, v2;
	v3 =	vtrunc.f32 v8  }
0x7e: {  	v8 =	vld [tilespmem:s31+$0x10];
	v6 =	vadd.s32 v1, v6;
	v3 =	vcvt.f32.s32 v3;
	v7 =	vmul.f32 $2.550000000e+02, v9  }
0x7f: {  	v5 =	vcvt.f32.s32 v5;
	v9 =	vld [tilespmem:s30+$0x20]  }
0x80: {  	v3 =	vadd.s32 v1, v3;
	[tilespmem:v4+s18+$0x0] =	vst.idx.add.f32.msk $0xffff, v2;
	v4 =	vtrunc.f32 v7  }
0x81: {  	v5 =	vadd.s32 v1, v5;
	v4 =	vcvt.f32.s32 v4  }
0x82: {  	v10 =	vmul.f32 $2.550000000e+02, v10;
	v7 =	vld [tilespmem:s29+$0x30]  }
0x83: {  	[tilespmem:v6+s18+$0x0] =	vst.idx.add.f32.msk $0xffff, v2;
	v8 =	vmul.f32 $2.550000000e+02, v8;
	v4 =	vadd.s32 v1, v4  }
0x84: {  	v10 =	vtrunc.f32 v10;
	v6 =	vld [tilespmem:s28+$0x40];
	v9 =	vmul.f32 $2.550000000e+02, v9  }
0x85: {  	[tilespmem:v3+s18+$0x0] =	vst.idx.add.f32.msk $0xffff, v2;
	v3 =	vcvt.f32.s32 v10;
	v8 =	vtrunc.f32 v8  }
0x86: {  	[tilespmem:v5+s18+$0x0] =	vst.idx.add.f32.msk $0xffff, v2;
	v5 =	vcvt.f32.s32 v8  }
0x87: {  	s8 =	simm.s32 $0x400;
	s21 =	simm.s32 $0x2000;
	v10 =	vld [tilespmem:s26+$0x50];
	v9 =	vtrunc.f32 v9;
	v3 =	vadd.s32 v1, v3  }
0x88: {  	s9 =	sand.u32 $0xC00, s21;
	s5 =	simm.s32 $0x100;
	s1 =	sand.u32 $0x7000, s8;
	v7 =	vmul.f32 $2.550000000e+02, v7;
	[tilespmem:v4+s18+$0x0] =	vst.idx.add.f32.msk $0xffff, v2;
	v4 =	vadd.s32 v1, v5;
	v5 =	vcvt.f32.s32 v9  }
0x89: {  	s5 =	sand.u32 $0x380, s5;
	s1 =	sor.u32 s9, s1;
	v8 =	vld [tilespmem:s25+$0x60]  }
0x8a: {  	s1 =	sor.u32 s5, s1;
	v7 =	vtrunc.f32 v7;
	v6 =	vmul.f32 $2.550000000e+02, v6;
	v11 =	vld [tilespmem:s20+$0x70];
	v5 =	vadd.s32 v1, v5  }
0x8b: {  	v12 =	vld [tilespmem:s1+$0x0];
	v7 =	vcvt.f32.s32 v7  }
0x8c: {  	[tilespmem:v3+s18+$0x0] =	vst.idx.add.f32.msk $0xffff, v2;
	v3 =	vtrunc.f32 v6;
	v6 =	vmul.f32 $2.550000000e+02, v10  }
0x8d: {  	v7 =	vadd.s32 v1, v7;
	v10 =	vld [tilespmem:s0+$0x10];
	v3 =	vcvt.f32.s32 v3  }
0x8e: {  	[tilespmem:v4+s18+$0x0] =	vst.idx.add.f32.msk $0xffff, v2;
	v4 =	vmul.f32 $2.550000000e+02, v8;
	v6 =	vtrunc.f32 v6  }
0x8f: {  	v3 =	vadd.s32 v1, v3;
	v11 =	vmul.f32 $2.550000000e+02, v11;
	[tilespmem:v5+s18+$0x0] =	vst.idx.add.f32.msk $0xffff, v2;
	v5 =	vcvt.f32.s32 v6  }
0x90: {  	v9 =	vld [tilespmem:s31+$0x20];
	v4 =	vtrunc.f32 v4  }
0x91: {  	v8 =	vld [tilespmem:s30+$0x30];
	v4 =	vcvt.f32.s32 v4;
	v6 =	vtrunc.f32 v11;
	v5 =	vadd.s32 v1, v5  }
0x92: {  	v11 =	vmul.f32 $2.550000000e+02, v12;
	[tilespmem:v7+s18+$0x0] =	vst.idx.add.f32.msk $0xffff, v2;
	v6 =	vcvt.f32.s32 v6  }
0x93: {  	v7 =	vld [tilespmem:s29+$0x40];
	v4 =	vadd.s32 v1, v4  }
0x94: {  	v10 =	vmul.f32 $2.550000000e+02, v10;
	v11 =	vtrunc.f32 v11;
	[tilespmem:v3+s18+$0x0] =	vst.idx.add.f32.msk $0xffff, v2;
	v3 =	vadd.s32 v1, v6  }
0x95: {  	s4 =	simm.s32 $0x40;
	v11 =	vcvt.f32.s32 v11;
	v6 =	vld [tilespmem:s28+$0x50]  }
.LBB2_5:
0x96: {  	s4 =	sadd.s32 $0x8, s4;
	v10 =	vtrunc.f32 v10;
	v9 =	vmul.f32 $2.550000000e+02, v9;
	[tilespmem:v5+s18+$0x0] =	vst.idx.add.f32.msk $0xffff, v2  }
0x97: {  	s21 =	sadd.s32 $0x400, s21;
	s5 =	sshll.u32 s4, $0x4;
	p0 =	slt.u32 s4, $0x7F8;
	v5 =	vadd.s32 v1, v11;
	v10 =	vcvt.f32.s32 v10;
	v11 =	vld [tilespmem:s26+$0x60]  }
0x98: {  	v8 =	vmul.f32 $2.550000000e+02, v8;
	s20 =	sand.u32 $0xC00, s21;
	s8 =	sshll.u32 s4, $0x2;
	s5 =	sand.u32 $0x7000, s5;
	v9 =	vtrunc.f32 v9;
	[tilespmem:v4+s18+$0x0] =	vst.idx.add.f32.msk $0xffff, v2  }
0x99: {  	s8 =	sand.u32 $0x380, s8;
	s5 =	sor.u32 s20, s5;
	v4 =	vadd.s32 v1, v10;
	v9 =	vcvt.f32.s32 v9;
	[tilespmem:v3+s18+$0x0] =	vst.idx.add.f32.msk $0xffff, v2  }
0x9a: {  	v7 =	vmul.f32 $2.550000000e+02, v7;
	v3 =	vtrunc.f32 v8;
	s5 =	sor.u32 s8, s5;
	v8 =	vld [tilespmem:s25+$0x70];
	s25 =	smov.u32 s26;
	s26 =	smov.u32 s28  }
0x9b: {  	v3 =	vcvt.f32.s32 v3;
	s28 =	smov.u32 s29;
	s29 =	smov.u32 s30;
	s30 =	smov.u32 s31;
	v10 =	vld [tilespmem:s5+$0x0];
	v12 =	vadd.s32 v1, v9  }
0x9c: {  	v6 =	vmul.f32 $2.550000000e+02, v6;
	s31 =	smov.u32 s0;
	s0 =	smov.u32 s1;
	s1 =	smov.u32 s5;
	[tilespmem:v5+s18+$0x0] =	vst.idx.add.f32.msk $0xffff, v2;
	v5 =	vtrunc.f32 v7  }
0x9d: {  	v3 =	vadd.s32 v1, v3;
	v13 =	vld [tilespmem:s0+$0x10];
	v5 =	vcvt.f32.s32 v5  }
0x9e: {  	[tilespmem:v4+s18+$0x0] =	vst.idx.add.f32.msk $0xffff, v2;
	v4 =	vtrunc.f32 v6;
	v6 =	vmul.f32 $2.550000000e+02, v11  }
0x9f: {  	v9 =	vld [tilespmem:s31+$0x20];
	v11 =	vadd.s32 v1, v5;
	v4 =	vcvt.f32.s32 v4;
	v7 =	vmul.f32 $2.550000000e+02, v8  }
0xa0: {  	[tilespmem:v12+s18+$0x0] =	vst.idx.add.f32.msk $0xffff, v2;
	v6 =	vtrunc.f32 v6  }
.Ltmp3:
0xa1: {  	v8 =	vld [tilespmem:s30+$0x30];
	v5 =	vadd.s32 v1, v4;
	v4 =	vcvt.f32.s32 v6;
	v6 =	vtrunc.f32 v7;
	(pc) =	sbr.rel @p0 .LBB2_5-.Ltmp3, $4  }
0xa2: {  	v10 =	vmul.f32 $2.550000000e+02, v10;
	[tilespmem:v3+s18+$0x0] =	vst.idx.add.f32.msk $0xffff, v2;
	v3 =	vcvt.f32.s32 v6  }
0xa3: {  	v7 =	vld [tilespmem:s29+$0x40];
	v4 =	vadd.s32 v1, v4  }
0xa4: {  	v6 =	vtrunc.f32 v10;
	v10 =	vmul.f32 $2.550000000e+02, v13;
	[tilespmem:v11+s18+$0x0] =	vst.idx.add.f32.msk $0xffff, v2;
	v3 =	vadd.s32 v1, v3  }
0xa5: {  	v11 =	vcvt.f32.s32 v6;
	v6 =	vld [tilespmem:s28+$0x50]  }
0xa6: {  	_ = 	snop  }
0xa7: {  	v11 =	vadd.s32 v1, v11;
	_ =	sdelay $0x4  }
0xa8: {  	[tilespmem:v11+s18+$0x0] =	vst.idx.add.f32.msk $0xffff, v2  }
0xa9: {  	v11 =	vld [tilespmem:s1+$0x10];
	_ =	sdelay $0x3  }
0xaa: {  	v10 =	vtrunc.f32 v10  }
0xab: {  	v10 =	vcvt.f32.s32 v10;
	v11 =	vmul.f32 $2.550000000e+02, v11;
	_ =	sdelay $0x1  }
0xac: {  	v10 =	vadd.s32 v1, v10;
	v11 =	vtrunc.f32 v11  }
0xad: {  	v11 =	vcvt.f32.s32 v11;
	_ =	sdelay $0x1  }
0xae: {  	v11 =	vadd.s32 v1, v11;
	_ =	sdelay $0x1  }
0xaf: {  	[tilespmem:v10+s18+$0x0] =	vst.idx.add.f32.msk $0xffff, v2  }
0xb0: {  	v10 =	vld [tilespmem:s0+$0x20];
	_ =	sdelay $0x1  }
0xb1: {  	v9 =	vmul.f32 $2.550000000e+02, v9;
	[tilespmem:v11+s18+$0x0] =	vst.idx.add.f32.msk $0xffff, v2  }
0xb2: {  	v11 =	vld [tilespmem:s1+$0x20]  }
0xb3: {  	v9 =	vtrunc.f32 v9  }
0xb4: {  	v9 =	vcvt.f32.s32 v9;
	v10 =	vmul.f32 $2.550000000e+02, v10;
	_ =	sdelay $0x1  }
0xb5: {  	v9 =	vadd.s32 v1, v9;
	v10 =	vtrunc.f32 v10  }
0xb6: {  	v10 =	vcvt.f32.s32 v10;
	v11 =	vmul.f32 $2.550000000e+02, v11;
	_ =	sdelay $0x1  }
0xb7: {  	v10 =	vadd.s32 v1, v10;
	v11 =	vtrunc.f32 v11  }
0xb8: {  	v11 =	vcvt.f32.s32 v11  }
0xb9: {  	v8 =	vmul.f32 $2.550000000e+02, v8;
	[tilespmem:v9+s18+$0x0] =	vst.idx.add.f32.msk $0xffff, v2  }
0xba: {  	v9 =	vld [tilespmem:s31+$0x30];
	v11 =	vadd.s32 v1, v11  }
0xbb: {  	v8 =	vtrunc.f32 v8  }
0xbc: {  	v8 =	vcvt.f32.s32 v8;
	[tilespmem:v10+s18+$0x0] =	vst.idx.add.f32.msk $0xffff, v2  }
0xbd: {  	v10 =	vld [tilespmem:s0+$0x30]  }
0xbe: {  	v8 =	vadd.s32 v1, v8  }
0xbf: {  	v9 =	vmul.f32 $2.550000000e+02, v9;
	[tilespmem:v11+s18+$0x0] =	vst.idx.add.f32.msk $0xffff, v2  }
0xc0: {  	v11 =	vld [tilespmem:s1+$0x30]  }
0xc1: {  	v9 =	vtrunc.f32 v9  }
0xc2: {  	v9 =	vcvt.f32.s32 v9;
	v10 =	vmul.f32 $2.550000000e+02, v10  }
0xc3: {  	[tilespmem:v8+s18+$0x0] =	vst.idx.add.f32.msk $0xffff, v2  }
0xc4: {  	v8 =	vld [tilespmem:s30+$0x40];
	v9 =	vadd.s32 v1, v9;
	v10 =	vtrunc.f32 v10  }
0xc5: {  	v10 =	vcvt.f32.s32 v10;
	v11 =	vmul.f32 $2.550000000e+02, v11;
	_ =	sdelay $0x1  }
0xc6: {  	v10 =	vadd.s32 v1, v10;
	v11 =	vtrunc.f32 v11  }
0xc7: {  	v11 =	vcvt.f32.s32 v11  }
0xc8: {  	v8 =	vmul.f32 $2.550000000e+02, v8;
	[tilespmem:v9+s18+$0x0] =	vst.idx.add.f32.msk $0xffff, v2  }
0xc9: {  	v9 =	vld [tilespmem:s31+$0x40];
	v11 =	vadd.s32 v1, v11  }
0xca: {  	v8 =	vtrunc.f32 v8  }
0xcb: {  	v8 =	vcvt.f32.s32 v8;
	[tilespmem:v10+s18+$0x0] =	vst.idx.add.f32.msk $0xffff, v2  }
0xcc: {  	v7 =	vmul.f32 $2.550000000e+02, v7;
	v10 =	vld [tilespmem:s0+$0x40]  }
0xcd: {  	v8 =	vadd.s32 v1, v8  }
0xce: {  	v7 =	vtrunc.f32 v7;
	v9 =	vmul.f32 $2.550000000e+02, v9;
	[tilespmem:v11+s18+$0x0] =	vst.idx.add.f32.msk $0xffff, v2  }
0xcf: {  	v7 =	vcvt.f32.s32 v7;
	v11 =	vld [tilespmem:s1+$0x40]  }
0xd0: {  	v9 =	vtrunc.f32 v9  }
0xd1: {  	v7 =	vadd.s32 v1, v7;
	v9 =	vcvt.f32.s32 v9;
	v10 =	vmul.f32 $2.550000000e+02, v10  }
0xd2: {  	[tilespmem:v8+s18+$0x0] =	vst.idx.add.f32.msk $0xffff, v2  }
0xd3: {  	v8 =	vld [tilespmem:s30+$0x50];
	v9 =	vadd.s32 v1, v9;
	v10 =	vtrunc.f32 v10  }
0xd4: {  	v10 =	vcvt.f32.s32 v10;
	v11 =	vmul.f32 $2.550000000e+02, v11;
	_ =	sdelay $0x1  }
0xd5: {  	[tilespmem:v7+s18+$0x0] =	vst.idx.add.f32.msk $0xffff, v2;
	v10 =	vadd.s32 v1, v10;
	v7 =	vtrunc.f32 v11  }
0xd6: {  	v11 =	vld [tilespmem:s29+$0x50];
	v7 =	vcvt.f32.s32 v7  }
0xd7: {  	v8 =	vmul.f32 $2.550000000e+02, v8;
	[tilespmem:v9+s18+$0x0] =	vst.idx.add.f32.msk $0xffff, v2  }
0xd8: {  	v9 =	vld [tilespmem:s31+$0x50];
	v7 =	vadd.s32 v1, v7  }
0xd9: {  	v6 =	vmul.f32 $2.550000000e+02, v6;
	v8 =	vtrunc.f32 v8  }
0xda: {  	v8 =	vcvt.f32.s32 v8;
	[tilespmem:v10+s18+$0x0] =	vst.idx.add.f32.msk $0xffff, v2  }
0xdb: {  	v6 =	vtrunc.f32 v6;
	v10 =	vld [tilespmem:s0+$0x50];
	v11 =	vmul.f32 $2.550000000e+02, v11  }
0xdc: {  	v6 =	vcvt.f32.s32 v6;
	v8 =	vadd.s32 v1, v8  }
0xdd: {  	v9 =	vmul.f32 $2.550000000e+02, v9;
	v11 =	vtrunc.f32 v11;
	[tilespmem:v7+s18+$0x0] =	vst.idx.add.f32.msk $0xffff, v2  }
0xde: {  	v6 =	vadd.s32 v1, v6;
	v7 =	vcvt.f32.s32 v11;
	v11 =	vld [tilespmem:s1+$0x50]  }
0xdf: {  	[tilespmem:v5+s18+$0x0] =	vst.idx.add.f32.msk $0xffff, v2;
	v5 =	vtrunc.f32 v9  }
0xe0: {  	v5 =	vcvt.f32.s32 v5;
	v9 =	vmul.f32 $2.550000000e+02, v10;
	v10 =	vld [tilespmem:s26+$0x60];
	v7 =	vadd.s32 v1, v7  }
0xe1: {  	[tilespmem:v8+s18+$0x0] =	vst.idx.add.f32.msk $0xffff, v2  }
0xe2: {  	v8 =	vld [tilespmem:s30+$0x60];
	v5 =	vadd.s32 v1, v5  }
0xe3: {  	[tilespmem:v6+s18+$0x0] =	vst.idx.add.f32.msk $0xffff, v2;
	v6 =	vtrunc.f32 v9;
	v9 =	vmul.f32 $2.550000000e+02, v11  }
0xe4: {  	v6 =	vcvt.f32.s32 v6;
	v11 =	vld [tilespmem:s28+$0x60]  }
0xe5: {  	v10 =	vmul.f32 $2.550000000e+02, v10;
	[tilespmem:v7+s18+$0x0] =	vst.idx.add.f32.msk $0xffff, v2;
	v7 =	vtrunc.f32 v9  }
0xe6: {  	v6 =	vadd.s32 v1, v6;
	v9 =	vld [tilespmem:s29+$0x60];
	v7 =	vcvt.f32.s32 v7  }
0xe7: {  	v8 =	vmul.f32 $2.550000000e+02, v8;
	[tilespmem:v5+s18+$0x0] =	vst.idx.add.f32.msk $0xffff, v2;
	v10 =	vtrunc.f32 v10  }
0xe8: {  	v5 =	vcvt.f32.s32 v10;
	v10 =	vld [tilespmem:s31+$0x60];
	v7 =	vadd.s32 v1, v7  }
0xe9: {  	[tilespmem:v4+s18+$0x0] =	vst.idx.add.f32.msk $0xffff, v2;
	v4 =	vtrunc.f32 v8;
	v11 =	vmul.f32 $2.550000000e+02, v11  }
0xea: {  	v4 =	vcvt.f32.s32 v4;
	v5 =	vadd.s32 v1, v5  }
0xeb: {  	[tilespmem:v6+s18+$0x0] =	vst.idx.add.f32.msk $0xffff, v2;
	v11 =	vtrunc.f32 v11;
	v9 =	vmul.f32 $2.550000000e+02, v9  }
0xec: {  	v4 =	vadd.s32 v1, v4;
	v6 =	vcvt.f32.s32 v11;
	v11 =	vld [tilespmem:s0+$0x60]  }
0xed: {  	v8 =	vmul.f32 $2.550000000e+02, v10;
	v9 =	vtrunc.f32 v9;
	[tilespmem:v7+s18+$0x0] =	vst.idx.add.f32.msk $0xffff, v2  }
0xee: {  	v6 =	vadd.s32 v1, v6;
	v7 =	vcvt.f32.s32 v9;
	v9 =	vld [tilespmem:s1+$0x60]  }
0xef: {  	[tilespmem:v5+s18+$0x0] =	vst.idx.add.f32.msk $0xffff, v2;
	v5 =	vtrunc.f32 v8  }
0xf0: {  	v5 =	vcvt.f32.s32 v5;
	v7 =	vadd.s32 v1, v7  }
0xf1: {  	[tilespmem:v4+s18+$0x0] =	vst.idx.add.f32.msk $0xffff, v2;
	v8 =	vmul.f32 $2.550000000e+02, v11  }
0xf2: {  	v4 =	vld [tilespmem:s30+$0x70];
	v5 =	vadd.s32 v1, v5  }
0xf3: {  	[tilespmem:v6+s18+$0x0] =	vst.idx.add.f32.msk $0xffff, v2;
	v6 =	vtrunc.f32 v8;
	v8 =	vmul.f32 $2.550000000e+02, v9  }
0xf4: {  	v10 =	vld [tilespmem:s25+$0x70];
	v6 =	vcvt.f32.s32 v6  }
0xf5: {  	[tilespmem:v7+s18+$0x0] =	vst.idx.add.f32.msk $0xffff, v2;
	v7 =	vtrunc.f32 v8  }
0xf6: {  	v11 =	vld [tilespmem:s26+$0x70];
	v6 =	vadd.s32 v1, v6;
	v7 =	vcvt.f32.s32 v7  }
0xf7: {  	[tilespmem:v5+s18+$0x0] =	vst.idx.add.f32.msk $0xffff, v2  }
0xf8: {  	v5 =	vld [tilespmem:s31+$0x70];
	v7 =	vadd.s32 v1, v7  }
0xf9: {  	v10 =	vmul.f32 $2.550000000e+02, v10;
	v9 =	vld [tilespmem:s28+$0x70]  }
0xfa: {  	v8 =	vld [tilespmem:s29+$0x70]  }
0xfb: {  	v10 =	vtrunc.f32 v10;
	v11 =	vmul.f32 $2.550000000e+02, v11;
	[tilespmem:v6+s18+$0x0] =	vst.idx.add.f32.msk $0xffff, v2  }
0xfc: {  	v4 =	vmul.f32 $2.550000000e+02, v4;
	v6 =	vcvt.f32.s32 v10;
	v10 =	vld [tilespmem:s0+$0x70]  }
0xfd: {  	v5 =	vmul.f32 $2.550000000e+02, v5;
	v11 =	vtrunc.f32 v11;
	[tilespmem:v7+s18+$0x0] =	vst.idx.add.f32.msk $0xffff, v2  }
0xfe: {  	v4 =	vtrunc.f32 v4;
	v7 =	vcvt.f32.s32 v11;
	v11 =	vld [tilespmem:s1+$0x70]  }
0xff: {  	v5 =	vtrunc.f32 v5;
	v9 =	vmul.f32 $2.550000000e+02, v9  }
0x100: {  	v4 =	vcvt.f32.s32 v4;
	v5 =	vcvt.f32.s32 v5  }
0x101: {  	v8 =	vmul.f32 $2.550000000e+02, v8;
	v9 =	vtrunc.f32 v9;
	v6 =	vadd.s32 v1, v6  }
0x102: {  	[tilespmem:v3+s18+$0x0] =	vst.idx.add.f32.msk $0xffff, v2;
	v3 =	vadd.s32 v1, v4;
	v9 =	vcvt.f32.s32 v9;
	v10 =	vmul.f32 $2.550000000e+02, v10  }
0x103: {  	v5 =	vadd.s32 v1, v5;
	v8 =	vtrunc.f32 v8;
	v11 =	vmul.f32 $2.550000000e+02, v11  }
0x104: {  	v8 =	vcvt.f32.s32 v8;
	v9 =	vadd.s32 v1, v9;
	v10 =	vtrunc.f32 v10  }
0x105: {  	v7 =	vadd.s32 v1, v7;
	v4 =	vcvt.f32.s32 v10;
	v10 =	vtrunc.f32 v11  }
0x106: {  	v8 =	vadd.s32 v1, v8;
	[tilespmem:v6+s18+$0x0] =	vst.idx.add.f32.msk $0xffff, v2;
	v6 =	vcvt.f32.s32 v10  }
0x107: {  	[tilespmem:v3+s18+$0x0] =	vst.idx.add.f32.msk $0xffff, v2;
	v4 =	vadd.s32 v1, v4  }
0x108: {  	[tilespmem:v5+s18+$0x0] =	vst.idx.add.f32.msk $0xffff, v2;
	v6 =	vadd.s32 v1, v6  }
0x109: {  	[tilespmem:v9+s18+$0x0] =	vst.idx.add.f32.msk $0xffff, v2  }
0x10a: {  	p0 =	seq.s32 s24, $0x3;
	s25 =	sshll.u32 s24, $0x13;
	[tilespmem:v7+s18+$0x0] =	vst.idx.add.f32.msk $0xffff, v2  }
0x10b: {  	s20 =	simm.s32 $0x0;
	s21 =	simm.s32 $0x0;
	s0 =	sadd.s32 @!p0 s25, s6;
	[tilespmem:v8+s18+$0x0] =	vst.idx.add.f32.msk $0xffff, v2  }
0x10c: {  	s4 =	simm.s32 @!p0 $0x8000;
	s5 =	simm.s32 @!p0 $0x0;
	s0 =	sshrl.u32 @!p0 s0, $0x3;
	[tilespmem:v4+s18+$0x0] =	vst.idx.add.f32.msk $0xffff, v2  }
0x10d: {  	s26 =	simm.s32 $0x0;
	s0 =	sadd.s32 @!p0 s2, s0;
	s1 =	simm.s32 @!p0 $0x1000;
	[tilespmem:v6+s18+$0x0] =	vst.idx.add.f32.msk $0xffff, v2  }
0x10e: {  	[tilespmem:s5], [sflag:$0x1] =	stream.strided.gather @!p0 [hbm4b:s0+s1], $0x8000, s4, s1, $0x38;
	[tilespmem:$0x11080] =	vst v63  }
0x10f: {  	s1 =	sand.u32 $0x7000, s21;
	s0 =	sand.u32 $0xC00, s20;
	_ =	swait.ge [sflag:s19], $0x8000  }
0x110: {  	s4 =	sand.u32 $0x380, s26;
	s0 =	sor.u32 s0, s1;
	[sflag:s19] =	ssyncset.done $0x0  }
0x111: {  	s21 =	sor.u32 s4, s0;
	[sflag:s19] =	ssyncadd.s32 $0xFFFF8000  }
0x112: {  	v3 =	vld [tilespmem:s21+$0x8000];
	_ =	sdelay $0x3  }
0x113: {  	s1 =	simm.s32 $0x80;
	s4 =	simm.s32 $0x400  }
0x114: {  	s5 =	simm.s32 $0x20;
	s0 =	sand.u32 $0x7000, s1;
	s1 =	sand.u32 $0xC00, s4;
	v3 =	vmul.f32 $2.550000000e+02, v3  }
0x115: {  	s4 =	sand.u32 $0x380, s5;
	s0 =	sor.u32 s1, s0  }
0x116: {  	s26 =	sor.u32 s4, s0;
	v3 =	vtrunc.f32 v3  }
0x117: {  	v4 =	vld [tilespmem:s26+$0x8000];
	v3 =	vcvt.f32.s32 v3;
	_ =	sdelay $0x1  }
0x118: {  	v3 =	vadd.s32 v1, v3;
	_ =	sdelay $0x2  }
0x119: {  	v4 =	vmul.f32 $2.550000000e+02, v4;
	_ =	sdelay $0x1  }
0x11a: {  	v4 =	vtrunc.f32 v4;
	[tilespmem:v3+s18+$0x0] =	vst.idx.add.f32.msk $0xffff, v2  }
0x11b: {  	v4 =	vcvt.f32.s32 v4;
	v3 =	vld [tilespmem:s21+$0x8010]  }
0x11c: {  	s8 =	simm.s32 $0x100;
	s9 =	simm.s32 $0x800  }
0x11d: {  	s20 =	simm.s32 $0x40;
	s1 =	sand.u32 $0xC00, s9;
	s0 =	sand.u32 $0x7000, s8;
	v4 =	vadd.s32 v1, v4  }
0x11e: {  	s4 =	sand.u32 $0x380, s20;
	s0 =	sor.u32 s1, s0  }
0x11f: {  	s28 =	sor.u32 s4, s0  }
0x120: {  	v5 =	vld [tilespmem:s28+$0x8000];
	v3 =	vmul.f32 $2.550000000e+02, v3;
	_ =	sdelay $0x1  }
0x121: {  	[tilespmem:v4+s18+$0x0] =	vst.idx.add.f32.msk $0xffff, v2;
	v3 =	vtrunc.f32 v3  }
0x122: {  	v4 =	vld [tilespmem:s26+$0x8010];
	v3 =	vcvt.f32.s32 v3;
	_ =	sdelay $0x1  }
0x123: {  	v5 =	vmul.f32 $2.550000000e+02, v5;
	v3 =	vadd.s32 v1, v3;
	_ =	sdelay $0x1  }
0x124: {  	v5 =	vtrunc.f32 v5  }
0x125: {  	v5 =	vcvt.f32.s32 v5;
	v4 =	vmul.f32 $2.550000000e+02, v4;
	_ =	sdelay $0x1  }
0x126: {  	v5 =	vadd.s32 v1, v5;
	v4 =	vtrunc.f32 v4;
	[tilespmem:v3+s18+$0x0] =	vst.idx.add.f32.msk $0xffff, v2  }
0x127: {  	v4 =	vcvt.f32.s32 v4;
	v3 =	vld [tilespmem:s21+$0x8020];
	_ =	sdelay $0x1  }
0x128: {  	v4 =	vadd.s32 v1, v4;
	_ =	sdelay $0x1  }
0x129: {  	[tilespmem:v5+s18+$0x0] =	vst.idx.add.f32.msk $0xffff, v2  }
0x12a: {  	v5 =	vld [tilespmem:s28+$0x8010];
	v3 =	vmul.f32 $2.550000000e+02, v3;
	_ =	sdelay $0x1  }
0x12b: {  	s1 =	simm.s32 $0x180;
	s4 =	simm.s32 $0xC00;
	[tilespmem:v4+s18+$0x0] =	vst.idx.add.f32.msk $0xffff, v2;
	v3 =	vtrunc.f32 v3  }
0x12c: {  	s5 =	simm.s32 $0x60;
	s0 =	sand.u32 $0x7000, s1;
	s1 =	sand.u32 $0xC00, s4;
	v4 =	vld [tilespmem:s26+$0x8020];
	v3 =	vcvt.f32.s32 v3  }
0x12d: {  	s4 =	sand.u32 $0x380, s5;
	s0 =	sor.u32 s1, s0  }
0x12e: {  	s29 =	sor.u32 s4, s0;
	v5 =	vmul.f32 $2.550000000e+02, v5;
	v3 =	vadd.s32 v1, v3  }
0x12f: {  	v6 =	vld [tilespmem:s29+$0x8000]  }
0x130: {  	v5 =	vtrunc.f32 v5  }
0x131: {  	v5 =	vcvt.f32.s32 v5;
	v4 =	vmul.f32 $2.550000000e+02, v4;
	_ =	sdelay $0x1  }
0x132: {  	s9 =	simm.s32 $0x1000;
	s8 =	simm.s32 $0x200;
	v5 =	vadd.s32 v1, v5;
	v4 =	vtrunc.f32 v4;
	[tilespmem:v3+s18+$0x0] =	vst.idx.add.f32.msk $0xffff, v2  }
0x133: {  	s20 =	simm.s32 $0x80;
	s1 =	sand.u32 $0xC00, s9;
	s0 =	sand.u32 $0x7000, s8;
	v4 =	vcvt.f32.s32 v4;
	v3 =	vmul.f32 $2.550000000e+02, v6;
	v6 =	vld [tilespmem:s21+$0x8030]  }
0x134: {  	s4 =	sand.u32 $0x380, s20;
	s0 =	sor.u32 s1, s0  }
0x135: {  	s30 =	sor.u32 s4, s0;
	v4 =	vadd.s32 v1, v4;
	v3 =	vtrunc.f32 v3  }
0x136: {  	v7 =	vld [tilespmem:s30+$0x8000];
	v3 =	vcvt.f32.s32 v3  }
0x137: {  	[tilespmem:v5+s18+$0x0] =	vst.idx.add.f32.msk $0xffff, v2  }
0x138: {  	v5 =	vld [tilespmem:s28+$0x8020];
	v3 =	vadd.s32 v1, v3;
	v6 =	vmul.f32 $2.550000000e+02, v6;
	_ =	sdelay $0x1  }
0x139: {  	[tilespmem:v4+s18+$0x0] =	vst.idx.add.f32.msk $0xffff, v2;
	v6 =	vtrunc.f32 v6  }
0x13a: {  	v4 =	vmul.f32 $2.550000000e+02, v7;
	v7 =	vld [tilespmem:s26+$0x8030];
	v6 =	vcvt.f32.s32 v6;
	_ =	sdelay $0x1  }
0x13b: {  	s1 =	simm.s32 $0x280;
	s4 =	simm.s32 $0x1400;
	v5 =	vmul.f32 $2.550000000e+02, v5;
	[tilespmem:v3+s18+$0x0] =	vst.idx.add.f32.msk $0xffff, v2;
	v6 =	vadd.s32 v1, v6  }
0x13c: {  	s5 =	simm.s32 $0xA0;
	s0 =	sand.u32 $0x7000, s1;
	s1 =	sand.u32 $0xC00, s4;
	v3 =	vld [tilespmem:s29+$0x8010]  }
0x13d: {  	s4 =	sand.u32 $0x380, s5;
	s0 =	sor.u32 s1, s0;
	v5 =	vtrunc.f32 v5  }
0x13e: {  	s31 =	sor.u32 s4, s0;
	v5 =	vcvt.f32.s32 v5;
	v7 =	vmul.f32 $2.550000000e+02, v7  }
0x13f: {  	v8 =	vld [tilespmem:s31+$0x8000];
	v4 =	vtrunc.f32 v4  }
0x140: {  	v5 =	vadd.s32 v1, v5;
	v4 =	vcvt.f32.s32 v4;
	v7 =	vtrunc.f32 v7;
	[tilespmem:v6+s18+$0x0] =	vst.idx.add.f32.msk $0xffff, v2  }
0x141: {  	v7 =	vcvt.f32.s32 v7;
	v3 =	vmul.f32 $2.550000000e+02, v3;
	v6 =	vld [tilespmem:s21+$0x8040]  }
0x142: {  	v4 =	vadd.s32 v1, v4  }
0x143: {  	v7 =	vadd.s32 v1, v7;
	v3 =	vtrunc.f32 v3  }
0x144: {  	v3 =	vcvt.f32.s32 v3  }
0x145: {  	[tilespmem:v5+s18+$0x0] =	vst.idx.add.f32.msk $0xffff, v2  }
0x146: {  	v5 =	vmul.f32 $2.550000000e+02, v8;
	v8 =	vld [tilespmem:s28+$0x8030];
	v3 =	vadd.s32 v1, v3;
	v6 =	vmul.f32 $2.550000000e+02, v6  }
0x147: {  	[tilespmem:v4+s18+$0x0] =	vst.idx.add.f32.msk $0xffff, v2  }
0x148: {  	[tilespmem:v7+s18+$0x0] =	vst.idx.add.f32.msk $0xffff, v2;
	v4 =	vtrunc.f32 v6  }
0x149: {  	v6 =	vld [tilespmem:s30+$0x8010];
	v4 =	vcvt.f32.s32 v4  }
0x14a: {  	v5 =	vtrunc.f32 v5;
	v7 =	vld [tilespmem:s26+$0x8040]  }
0x14b: {  	v5 =	vcvt.f32.s32 v5;
	[tilespmem:v3+s18+$0x0] =	vst.idx.add.f32.msk $0xffff, v2;
	v4 =	vadd.s32 v1, v4  }
0x14c: {  	v8 =	vmul.f32 $2.550000000e+02, v8;
	v3 =	vld [tilespmem:s29+$0x8020]  }
0x14d: {  	v5 =	vadd.s32 v1, v5  }
0x14e: {  	v8 =	vtrunc.f32 v8;
	v6 =	vmul.f32 $2.550000000e+02, v6  }
0x14f: {  	v8 =	vcvt.f32.s32 v8  }
0x150: {  	v7 =	vmul.f32 $2.550000000e+02, v7;
	[tilespmem:v4+s18+$0x0] =	vst.idx.add.f32.msk $0xffff, v2;
	v4 =	vtrunc.f32 v6  }
0x151: {  	v3 =	vmul.f32 $2.550000000e+02, v3;
	v6 =	vld [tilespmem:s21+$0x8050];
	v4 =	vcvt.f32.s32 v4  }
0x152: {  	s9 =	simm.s32 $0x1800;
	s8 =	simm.s32 $0x300;
	[tilespmem:v5+s18+$0x0] =	vst.idx.add.f32.msk $0xffff, v2;
	v8 =	vadd.s32 v1, v8;
	v5 =	vtrunc.f32 v7  }
0x153: {  	s20 =	simm.s32 $0xC0;
	s1 =	sand.u32 $0xC00, s9;
	s0 =	sand.u32 $0x7000, s8;
	v5 =	vcvt.f32.s32 v5;
	v3 =	vtrunc.f32 v3;
	v4 =	vadd.s32 v1, v4  }
0x154: {  	s4 =	sand.u32 $0x380, s20;
	s0 =	sor.u32 s1, s0;
	v3 =	vcvt.f32.s32 v3  }
0x155: {  	s0 =	sor.u32 s4, s0;
	v7 =	vld [tilespmem:s31+$0x8010];
	v5 =	vadd.s32 v1, v5  }
0x156: {  	v9 =	vld [tilespmem:s0+$0x8000];
	v3 =	vadd.s32 v1, v3;
	v6 =	vmul.f32 $2.550000000e+02, v6  }
0x157: {  	[tilespmem:v8+s18+$0x0] =	vst.idx.add.f32.msk $0xffff, v2  }
0x158: {  	[tilespmem:v4+s18+$0x0] =	vst.idx.add.f32.msk $0xffff, v2;
	v4 =	vtrunc.f32 v6  }
0x159: {  	v6 =	vld [tilespmem:s30+$0x8020];
	v4 =	vcvt.f32.s32 v4  }
0x15a: {  	v7 =	vmul.f32 $2.550000000e+02, v7;
	[tilespmem:v5+s18+$0x0] =	vst.idx.add.f32.msk $0xffff, v2  }
0x15b: {  	[tilespmem:v3+s18+$0x0] =	vst.idx.add.f32.msk $0xffff, v2;
	v3 =	vmul.f32 $2.550000000e+02, v9;
	v4 =	vadd.s32 v1, v4  }
0x15c: {  	v5 =	vtrunc.f32 v7;
	v9 =	vld [tilespmem:s29+$0x8030]  }
0x15d: {  	v8 =	vld [tilespmem:s28+$0x8040];
	v5 =	vcvt.f32.s32 v5;
	v3 =	vtrunc.f32 v3  }
0x15e: {  	v7 =	vld [tilespmem:s26+$0x8050];
	v3 =	vcvt.f32.s32 v3;
	v6 =	vmul.f32 $2.550000000e+02, v6  }
0x15f: {  	s5 =	simm.s32 $0x380;
	s8 =	simm.s32 $0x1C00;
	v5 =	vadd.s32 v1, v5  }
0x160: {  	s9 =	simm.s32 $0xE0;
	s1 =	sand.u32 $0x7000, s5;
	s4 =	sand.u32 $0xC00, s8;
	v3 =	vadd.s32 v1, v3;
	[tilespmem:v4+s18+$0x0] =	vst.idx.add.f32.msk $0xffff, v2;
	v4 =	vtrunc.f32 v6  }
0x161: {  	s5 =	sand.u32 $0x380, s9;
	s1 =	sor.u32 s4, s1;
	v6 =	vmul.f32 $2.550000000e+02, v9;
	v9 =	vld [tilespmem:s21+$0x8060];
	v4 =	vcvt.f32.s32 v4  }
0x162: {  	s1 =	sor.u32 s5, s1;
	v8 =	vmul.f32 $2.550000000e+02, v8  }
0x163: {  	v10 =	vld [tilespmem:s1+$0x8000];
	v7 =	vmul.f32 $2.550000000e+02, v7;
	v6 =	vtrunc.f32 v6;
	v4 =	vadd.s32 v1, v4  }
0x164: {  	[tilespmem:v5+s18+$0x0] =	vst.idx.add.f32.msk $0xffff, v2;
	v6 =	vcvt.f32.s32 v6  }
0x165: {  	v5 =	vtrunc.f32 v7;
	[tilespmem:v3+s18+$0x0] =	vst.idx.add.f32.msk $0xffff, v2;
	v3 =	vtrunc.f32 v8  }
0x166: {  	v8 =	vld [tilespmem:s0+$0x8010];
	v6 =	vadd.s32 v1, v6;
	v3 =	vcvt.f32.s32 v3;
	v7 =	vmul.f32 $2.550000000e+02, v9  }
0x167: {  	v5 =	vcvt.f32.s32 v5;
	v9 =	vld [tilespmem:s31+$0x8020]  }
0x168: {  	v3 =	vadd.s32 v1, v3;
	[tilespmem:v4+s18+$0x0] =	vst.idx.add.f32.msk $0xffff, v2;
	v4 =	vtrunc.f32 v7  }
0x169: {  	v5 =	vadd.s32 v1, v5;
	v4 =	vcvt.f32.s32 v4  }
0x16a: {  	v10 =	vmul.f32 $2.550000000e+02, v10;
	v7 =	vld [tilespmem:s30+$0x8030]  }
0x16b: {  	[tilespmem:v6+s18+$0x0] =	vst.idx.add.f32.msk $0xffff, v2;
	v8 =	vmul.f32 $2.550000000e+02, v8;
	v4 =	vadd.s32 v1, v4  }
0x16c: {  	v10 =	vtrunc.f32 v10;
	v6 =	vld [tilespmem:s29+$0x8040];
	v9 =	vmul.f32 $2.550000000e+02, v9  }
0x16d: {  	[tilespmem:v3+s18+$0x0] =	vst.idx.add.f32.msk $0xffff, v2;
	v3 =	vcvt.f32.s32 v10;
	v8 =	vtrunc.f32 v8  }
0x16e: {  	[tilespmem:v5+s18+$0x0] =	vst.idx.add.f32.msk $0xffff, v2;
	v5 =	vcvt.f32.s32 v8  }
0x16f: {  	s20 =	simm.s32 $0x400;
	s4 =	simm.s32 $0x2000;
	v10 =	vld [tilespmem:s28+$0x8050];
	v9 =	vtrunc.f32 v9;
	v3 =	vadd.s32 v1, v3  }
0x170: {  	s5 =	sand.u32 $0x7000, s20;
	s8 =	sand.u32 $0xC00, s4;
	s20 =	simm.s32 $0x100;
	v7 =	vmul.f32 $2.550000000e+02, v7;
	[tilespmem:v4+s18+$0x0] =	vst.idx.add.f32.msk $0xffff, v2;
	v4 =	vadd.s32 v1, v5;
	v5 =	vcvt.f32.s32 v9  }
0x171: {  	s20 =	sand.u32 $0x380, s20;
	s5 =	sor.u32 s8, s5;
	v8 =	vld [tilespmem:s26+$0x8060]  }
0x172: {  	s20 =	sor.u32 s20, s5;
	v7 =	vtrunc.f32 v7;
	v6 =	vmul.f32 $2.550000000e+02, v6;
	v11 =	vld [tilespmem:s21+$0x8070];
	v5 =	vadd.s32 v1, v5  }
0x173: {  	v12 =	vld [tilespmem:s20+$0x8000];
	v7 =	vcvt.f32.s32 v7  }
0x174: {  	[tilespmem:v3+s18+$0x0] =	vst.idx.add.f32.msk $0xffff, v2;
	v3 =	vtrunc.f32 v6;
	v6 =	vmul.f32 $2.550000000e+02, v10  }
0x175: {  	v7 =	vadd.s32 v1, v7;
	v10 =	vld [tilespmem:s1+$0x8010];
	v3 =	vcvt.f32.s32 v3  }
0x176: {  	[tilespmem:v4+s18+$0x0] =	vst.idx.add.f32.msk $0xffff, v2;
	v4 =	vmul.f32 $2.550000000e+02, v8;
	v6 =	vtrunc.f32 v6  }
0x177: {  	v3 =	vadd.s32 v1, v3;
	v11 =	vmul.f32 $2.550000000e+02, v11;
	[tilespmem:v5+s18+$0x0] =	vst.idx.add.f32.msk $0xffff, v2;
	v5 =	vcvt.f32.s32 v6  }
0x178: {  	v9 =	vld [tilespmem:s0+$0x8020];
	v4 =	vtrunc.f32 v4  }
0x179: {  	v8 =	vld [tilespmem:s31+$0x8030];
	v4 =	vcvt.f32.s32 v4;
	v6 =	vtrunc.f32 v11;
	v5 =	vadd.s32 v1, v5  }
0x17a: {  	v11 =	vmul.f32 $2.550000000e+02, v12;
	[tilespmem:v7+s18+$0x0] =	vst.idx.add.f32.msk $0xffff, v2;
	v6 =	vcvt.f32.s32 v6  }
0x17b: {  	v7 =	vld [tilespmem:s30+$0x8040];
	v4 =	vadd.s32 v1, v4  }
0x17c: {  	v10 =	vmul.f32 $2.550000000e+02, v10;
	v11 =	vtrunc.f32 v11;
	[tilespmem:v3+s18+$0x0] =	vst.idx.add.f32.msk $0xffff, v2;
	v3 =	vadd.s32 v1, v6  }
0x17d: {  	s21 =	simm.s32 $0x40;
	v11 =	vcvt.f32.s32 v11;
	v6 =	vld [tilespmem:s29+$0x8050]  }
.LBB2_7:
0x17e: {  	s21 =	sadd.s32 $0x8, s21;
	v10 =	vtrunc.f32 v10;
	v9 =	vmul.f32 $2.550000000e+02, v9;
	[tilespmem:v5+s18+$0x0] =	vst.idx.add.f32.msk $0xffff, v2  }
0x17f: {  	s4 =	sadd.s32 $0x400, s4;
	s5 =	sshll.u32 s21, $0x4;
	p1 =	slt.u32 s21, $0x7F8;
	v5 =	vadd.s32 v1, v11;
	v10 =	vcvt.f32.s32 v10;
	v11 =	vld [tilespmem:s28+$0x8060]  }
0x180: {  	v8 =	vmul.f32 $2.550000000e+02, v8;
	s8 =	sand.u32 $0xC00, s4;
	s9 =	sshll.u32 s21, $0x2;
	s5 =	sand.u32 $0x7000, s5;
	v9 =	vtrunc.f32 v9;
	[tilespmem:v4+s18+$0x0] =	vst.idx.add.f32.msk $0xffff, v2  }
0x181: {  	s9 =	sand.u32 $0x380, s9;
	s5 =	sor.u32 s8, s5;
	v4 =	vadd.s32 v1, v10;
	v9 =	vcvt.f32.s32 v9;
	[tilespmem:v3+s18+$0x0] =	vst.idx.add.f32.msk $0xffff, v2  }
0x182: {  	v7 =	vmul.f32 $2.550000000e+02, v7;
	v3 =	vtrunc.f32 v8;
	s5 =	sor.u32 s9, s5;
	v8 =	vld [tilespmem:s26+$0x8070];
	s26 =	smov.u32 s28;
	s28 =	smov.u32 s29  }
0x183: {  	v3 =	vcvt.f32.s32 v3;
	s29 =	smov.u32 s30;
	s30 =	smov.u32 s31;
	s31 =	smov.u32 s0;
	v10 =	vld [tilespmem:s5+$0x8000];
	v12 =	vadd.s32 v1, v9  }
0x184: {  	v6 =	vmul.f32 $2.550000000e+02, v6;
	s0 =	smov.u32 s1;
	s1 =	smov.u32 s20;
	s20 =	smov.u32 s5;
	[tilespmem:v5+s18+$0x0] =	vst.idx.add.f32.msk $0xffff, v2;
	v5 =	vtrunc.f32 v7  }
0x185: {  	v3 =	vadd.s32 v1, v3;
	v13 =	vld [tilespmem:s1+$0x8010];
	v5 =	vcvt.f32.s32 v5  }
0x186: {  	[tilespmem:v4+s18+$0x0] =	vst.idx.add.f32.msk $0xffff, v2;
	v4 =	vtrunc.f32 v6;
	v6 =	vmul.f32 $2.550000000e+02, v11  }
0x187: {  	v9 =	vld [tilespmem:s0+$0x8020];
	v11 =	vadd.s32 v1, v5;
	v4 =	vcvt.f32.s32 v4;
	v7 =	vmul.f32 $2.550000000e+02, v8  }
0x188: {  	[tilespmem:v12+s18+$0x0] =	vst.idx.add.f32.msk $0xffff, v2;
	v6 =	vtrunc.f32 v6  }
.Ltmp4:
0x189: {  	v8 =	vld [tilespmem:s31+$0x8030];
	v5 =	vadd.s32 v1, v4;
	v4 =	vcvt.f32.s32 v6;
	v6 =	vtrunc.f32 v7;
	(pc) =	sbr.rel @p1 .LBB2_7-.Ltmp4, $4  }
0x18a: {  	v10 =	vmul.f32 $2.550000000e+02, v10;
	[tilespmem:v3+s18+$0x0] =	vst.idx.add.f32.msk $0xffff, v2;
	v3 =	vcvt.f32.s32 v6  }
0x18b: {  	v7 =	vld [tilespmem:s30+$0x8040];
	v4 =	vadd.s32 v1, v4  }
0x18c: {  	v6 =	vtrunc.f32 v10;
	v10 =	vmul.f32 $2.550000000e+02, v13;
	[tilespmem:v11+s18+$0x0] =	vst.idx.add.f32.msk $0xffff, v2;
	v3 =	vadd.s32 v1, v3  }
0x18d: {  	v11 =	vcvt.f32.s32 v6;
	v6 =	vld [tilespmem:s29+$0x8050]  }
0x18e: {  	_ = 	snop  }
0x18f: {  	v11 =	vadd.s32 v1, v11;
	_ =	sdelay $0x4  }
0x190: {  	[tilespmem:v11+s18+$0x0] =	vst.idx.add.f32.msk $0xffff, v2  }
0x191: {  	v11 =	vld [tilespmem:s20+$0x8010];
	_ =	sdelay $0x3  }
0x192: {  	v10 =	vtrunc.f32 v10  }
0x193: {  	v10 =	vcvt.f32.s32 v10;
	v11 =	vmul.f32 $2.550000000e+02, v11;
	_ =	sdelay $0x1  }
0x194: {  	v10 =	vadd.s32 v1, v10;
	v11 =	vtrunc.f32 v11  }
0x195: {  	v11 =	vcvt.f32.s32 v11;
	_ =	sdelay $0x1  }
0x196: {  	v11 =	vadd.s32 v1, v11;
	_ =	sdelay $0x1  }
0x197: {  	[tilespmem:v10+s18+$0x0] =	vst.idx.add.f32.msk $0xffff, v2  }
0x198: {  	v10 =	vld [tilespmem:s1+$0x8020];
	_ =	sdelay $0x1  }
0x199: {  	[tilespmem:v11+s18+$0x0] =	vst.idx.add.f32.msk $0xffff, v2  }
0x19a: {  	v9 =	vmul.f32 $2.550000000e+02, v9;
	v11 =	vld [tilespmem:s20+$0x8020];
	_ =	sdelay $0x1  }
0x19b: {  	v9 =	vtrunc.f32 v9;
	v10 =	vmul.f32 $2.550000000e+02, v10  }
0x19c: {  	v9 =	vcvt.f32.s32 v9  }
0x19d: {  	v10 =	vtrunc.f32 v10  }
0x19e: {  	v9 =	vadd.s32 v1, v9;
	v10 =	vcvt.f32.s32 v10;
	v11 =	vmul.f32 $2.550000000e+02, v11;
	_ =	sdelay $0x1  }
0x19f: {  	v10 =	vadd.s32 v1, v10;
	v11 =	vtrunc.f32 v11  }
0x1a0: {  	v11 =	vcvt.f32.s32 v11;
	_ =	sdelay $0x1  }
0x1a1: {  	v8 =	vmul.f32 $2.550000000e+02, v8;
	[tilespmem:v9+s18+$0x0] =	vst.idx.add.f32.msk $0xffff, v2;
	v11 =	vadd.s32 v1, v11  }
0x1a2: {  	v9 =	vld [tilespmem:s0+$0x8030]  }
0x1a3: {  	v8 =	vtrunc.f32 v8;
	[tilespmem:v10+s18+$0x0] =	vst.idx.add.f32.msk $0xffff, v2  }
0x1a4: {  	v8 =	vcvt.f32.s32 v8;
	v10 =	vld [tilespmem:s1+$0x8030];
	_ =	sdelay $0x1  }
0x1a5: {  	v8 =	vadd.s32 v1, v8;
	[tilespmem:v11+s18+$0x0] =	vst.idx.add.f32.msk $0xffff, v2  }
0x1a6: {  	v9 =	vmul.f32 $2.550000000e+02, v9;
	v11 =	vld [tilespmem:s20+$0x8030];
	_ =	sdelay $0x1  }
0x1a7: {  	v9 =	vtrunc.f32 v9;
	v10 =	vmul.f32 $2.550000000e+02, v10  }
0x1a8: {  	v9 =	vcvt.f32.s32 v9  }
0x1a9: {  	[tilespmem:v8+s18+$0x0] =	vst.idx.add.f32.msk $0xffff, v2;
	v10 =	vtrunc.f32 v10  }
0x1aa: {  	v8 =	vld [tilespmem:s31+$0x8040];
	v9 =	vadd.s32 v1, v9;
	v10 =	vcvt.f32.s32 v10;
	v11 =	vmul.f32 $2.550000000e+02, v11;
	_ =	sdelay $0x1  }
0x1ab: {  	v10 =	vadd.s32 v1, v10;
	v11 =	vtrunc.f32 v11  }
0x1ac: {  	v11 =	vcvt.f32.s32 v11;
	_ =	sdelay $0x1  }
0x1ad: {  	v8 =	vmul.f32 $2.550000000e+02, v8;
	[tilespmem:v9+s18+$0x0] =	vst.idx.add.f32.msk $0xffff, v2;
	v11 =	vadd.s32 v1, v11  }
0x1ae: {  	v9 =	vld [tilespmem:s0+$0x8040]  }
0x1af: {  	v8 =	vtrunc.f32 v8;
	[tilespmem:v10+s18+$0x0] =	vst.idx.add.f32.msk $0xffff, v2  }
0x1b0: {  	v8 =	vcvt.f32.s32 v8;
	v10 =	vld [tilespmem:s1+$0x8040]  }
0x1b1: {  	v7 =	vmul.f32 $2.550000000e+02, v7  }
0x1b2: {  	v8 =	vadd.s32 v1, v8;
	[tilespmem:v11+s18+$0x0] =	vst.idx.add.f32.msk $0xffff, v2  }
0x1b3: {  	v7 =	vtrunc.f32 v7;
	v9 =	vmul.f32 $2.550000000e+02, v9;
	v11 =	vld [tilespmem:s20+$0x8040]  }
0x1b4: {  	v7 =	vcvt.f32.s32 v7  }
0x1b5: {  	v9 =	vtrunc.f32 v9;
	v10 =	vmul.f32 $2.550000000e+02, v10  }
0x1b6: {  	v7 =	vadd.s32 v1, v7;
	v9 =	vcvt.f32.s32 v9  }
0x1b7: {  	[tilespmem:v8+s18+$0x0] =	vst.idx.add.f32.msk $0xffff, v2;
	v10 =	vtrunc.f32 v10  }
0x1b8: {  	v8 =	vld [tilespmem:s31+$0x8050];
	v9 =	vadd.s32 v1, v9;
	v10 =	vcvt.f32.s32 v10;
	v11 =	vmul.f32 $2.550000000e+02, v11;
	_ =	sdelay $0x1  }
0x1b9: {  	v10 =	vadd.s32 v1, v10;
	v28 =	vtrunc.f32 v11  }
0x1ba: {  	[tilespmem:v7+s18+$0x0] =	vst.idx.add.f32.msk $0xffff, v2;
	v7 =	vcvt.f32.s32 v28  }
0x1bb: {  	v6 =	vmul.f32 $2.550000000e+02, v6;
	v29 =	vld [tilespmem:s30+$0x8050]  }
0x1bc: {  	v8 =	vmul.f32 $2.550000000e+02, v8;
	[tilespmem:v9+s18+$0x0] =	vst.idx.add.f32.msk $0xffff, v2;
	v7 =	vadd.s32 v1, v7  }
0x1bd: {  	v6 =	vtrunc.f32 v6;
	v9 =	vld [tilespmem:s0+$0x8050]  }
0x1be: {  	v6 =	vcvt.f32.s32 v6;
	v8 =	vtrunc.f32 v8;
	[tilespmem:v10+s18+$0x0] =	vst.idx.add.f32.msk $0xffff, v2  }
0x1bf: {  	v8 =	vcvt.f32.s32 v8;
	v10 =	vld [tilespmem:s1+$0x8050]  }
0x1c0: {  	v6 =	vadd.s32 v1, v6;
	v11 =	vmul.f32 $2.550000000e+02, v29  }
0x1c1: {  	v8 =	vadd.s32 v1, v8;
	[tilespmem:v7+s18+$0x0] =	vst.idx.add.f32.msk $0xffff, v2  }
0x1c2: {  	v9 =	vmul.f32 $2.550000000e+02, v9;
	v11 =	vtrunc.f32 v11;
	v31 =	vld [tilespmem:s20+$0x8050]  }
0x1c3: {  	[tilespmem:v5+s18+$0x0] =	vst.idx.add.f32.msk $0xffff, v2;
	v30 =	vcvt.f32.s32 v11  }
0x1c4: {  	v34 =	vld [tilespmem:s28+$0x8060];
	v32 =	vtrunc.f32 v9;
	v33 =	vmul.f32 $2.550000000e+02, v10  }
0x1c5: {  	[tilespmem:v6+s18+$0x0] =	vst.idx.add.f32.msk $0xffff, v2;
	v5 =	vcvt.f32.s32 v32;
	v7 =	vadd.s32 v1, v30  }
0x1c6: {  	[tilespmem:v8+s18+$0x0] =	vst.idx.add.f32.msk $0xffff, v2;
	v35 =	vtrunc.f32 v33  }
0x1c7: {  	v8 =	vld [tilespmem:s31+$0x8060];
	v5 =	vadd.s32 v1, v5;
	v6 =	vcvt.f32.s32 v35;
	v36 =	vmul.f32 $2.550000000e+02, v31  }
0x1c8: {  	v37 =	vld [tilespmem:s29+$0x8060]  }
0x1c9: {  	[tilespmem:v4+s18+$0x0] =	vst.idx.add.f32.msk $0xffff, v2;
	v6 =	vadd.s32 v1, v6;
	v38 =	vtrunc.f32 v36  }
0x1ca: {  	[tilespmem:v7+s18+$0x0] =	vst.idx.add.f32.msk $0xffff, v2;
	v7 =	vcvt.f32.s32 v38  }
0x1cb: {  	v10 =	vmul.f32 $2.550000000e+02, v34;
	v39 =	vld [tilespmem:s30+$0x8060]  }
0x1cc: {  	v8 =	vmul.f32 $2.550000000e+02, v8;
	[tilespmem:v5+s18+$0x0] =	vst.idx.add.f32.msk $0xffff, v2;
	v7 =	vadd.s32 v1, v7  }
0x1cd: {  	v41 =	vld [tilespmem:s0+$0x8060];
	v10 =	vtrunc.f32 v10;
	v11 =	vmul.f32 $2.550000000e+02, v37  }
0x1ce: {  	v46 =	vtrunc.f32 v8;
	v40 =	vcvt.f32.s32 v10;
	[tilespmem:v6+s18+$0x0] =	vst.idx.add.f32.msk $0xffff, v2  }
0x1cf: {  	v4 =	vcvt.f32.s32 v46;
	v11 =	vtrunc.f32 v11;
	v43 =	vld [tilespmem:s1+$0x8060]  }
0x1d0: {  	v5 =	vadd.s32 v1, v40;
	v42 =	vcvt.f32.s32 v11;
	v9 =	vmul.f32 $2.550000000e+02, v39  }
0x1d1: {  	v4 =	vadd.s32 v1, v4;
	[tilespmem:v7+s18+$0x0] =	vst.idx.add.f32.msk $0xffff, v2  }
0x1d2: {  	v47 =	vmul.f32 $2.550000000e+02, v41;
	v6 =	vadd.s32 v1, v42;
	v9 =	vtrunc.f32 v9;
	v45 =	vld [tilespmem:s20+$0x8060]  }
0x1d3: {  	v44 =	vcvt.f32.s32 v9  }
0x1d4: {  	v48 =	vld [tilespmem:s26+$0x8070];
	v49 =	vtrunc.f32 v47;
	v50 =	vmul.f32 $2.550000000e+02, v43  }
0x1d5: {  	[tilespmem:v5+s18+$0x0] =	vst.idx.add.f32.msk $0xffff, v2;
	v5 =	vcvt.f32.s32 v49;
	v7 =	vadd.s32 v1, v44  }
0x1d6: {  	[tilespmem:v4+s18+$0x0] =	vst.idx.add.f32.msk $0xffff, v2;
	v52 =	vtrunc.f32 v50  }
0x1d7: {  	v5 =	vadd.s32 v1, v5;
	[tilespmem:v6+s18+$0x0] =	vst.idx.add.f32.msk $0xffff, v2;
	v6 =	vcvt.f32.s32 v52;
	v53 =	vmul.f32 $2.550000000e+02, v45  }
0x1d8: {  	v4 =	vld [tilespmem:s31+$0x8070]  }
0x1d9: {  	v51 =	vld [tilespmem:s28+$0x8070];
	v6 =	vadd.s32 v1, v6;
	v55 =	vtrunc.f32 v53  }
0x1da: {  	[tilespmem:v7+s18+$0x0] =	vst.idx.add.f32.msk $0xffff, v2;
	v7 =	vcvt.f32.s32 v55  }
0x1db: {  	v54 =	vld [tilespmem:s29+$0x8070]  }
0x1dc: {  	[tilespmem:v5+s18+$0x0] =	vst.idx.add.f32.msk $0xffff, v2;
	v7 =	vadd.s32 v1, v7  }
0x1dd: {  	v4 =	vmul.f32 $2.550000000e+02, v4;
	v10 =	vmul.f32 $2.550000000e+02, v48;
	v5 =	vld [tilespmem:s0+$0x8070]  }
0x1de: {  	[tilespmem:v6+s18+$0x0] =	vst.idx.add.f32.msk $0xffff, v2  }
0x1df: {  	v4 =	vtrunc.f32 v4;
	v10 =	vtrunc.f32 v10;
	v58 =	vld [tilespmem:s1+$0x8070]  }
0x1e0: {  	v4 =	vcvt.f32.s32 v4;
	v11 =	vmul.f32 $2.550000000e+02, v51;
	v56 =	vld [tilespmem:s30+$0x8070]  }
0x1e1: {  	v57 =	vcvt.f32.s32 v10;
	v9 =	vmul.f32 $2.550000000e+02, v54;
	[tilespmem:v7+s18+$0x0] =	vst.idx.add.f32.msk $0xffff, v2  }
0x1e2: {  	v11 =	vtrunc.f32 v11;
	v5 =	vmul.f32 $2.550000000e+02, v5;
	v60 =	vld [tilespmem:s20+$0x8070]  }
0x1e3: {  	v59 =	vcvt.f32.s32 v11;
	v9 =	vtrunc.f32 v9  }
0x1e4: {  	v5 =	vtrunc.f32 v5;
	v10 =	vmul.f32 $2.550000000e+02, v58  }
0x1e5: {  	[tilespmem:v3+s18+$0x0] =	vst.idx.add.f32.msk $0xffff, v2;
	v3 =	vadd.s32 v1, v4;
	v9 =	vcvt.f32.s32 v9;
	v5 =	vcvt.f32.s32 v5  }
0x1e6: {  	v6 =	vadd.s32 v1, v57;
	v10 =	vtrunc.f32 v10;
	v8 =	vmul.f32 $2.550000000e+02, v56  }
0x1e7: {  	v9 =	vadd.s32 v1, v9;
	v61 =	vcvt.f32.s32 v10;
	v11 =	vmul.f32 $2.550000000e+02, v60  }
0x1e8: {  	v5 =	vadd.s32 v1, v5;
	v8 =	vtrunc.f32 v8  }
0x1e9: {  	v4 =	vadd.s32 v1, v61;
	v8 =	vcvt.f32.s32 v8;
	v62 =	vtrunc.f32 v11  }
0x1ea: {  	[tilespmem:v3+s18+$0x0] =	vst.idx.add.f32.msk $0xffff, v2;
	v7 =	vadd.s32 v1, v59;
	v63 =	vcvt.f32.s32 v62  }
0x1eb: {  	[tilespmem:v6+s18+$0x0] =	vst.idx.add.f32.msk $0xffff, v2;
	v8 =	vadd.s32 v1, v8  }
0x1ec: {  	[tilespmem:v9+s18+$0x0] =	vst.idx.add.f32.msk $0xffff, v2;
	v6 =	vadd.s32 v1, v63  }
.Ltmp5:
0x1ed: {  	[tilespmem:v5+s18+$0x0] =	vst.idx.add.f32.msk $0xffff, v2;
	(pc) =	sbr.rel @p0 .LBB2_10-.Ltmp5, $4  }
0x1ee: {  	[tilespmem:v4+s18+$0x0] =	vst.idx.add.f32.msk $0xffff, v2  }
0x1ef: {  	[tilespmem:v7+s18+$0x0] =	vst.idx.add.f32.msk $0xffff, v2  }
0x1f0: {  	[tilespmem:v8+s18+$0x0] =	vst.idx.add.f32.msk $0xffff, v2  }
0x1f1: {  	[tilespmem:v6+s18+$0x0] =	vst.idx.add.f32.msk $0xffff, v2  }
.Ltmp6:
0x1f2: {  	(pc) =	sbr.rel .LBB2_4-.Ltmp6, $4  }
0x1f3: {  	s0 =	sadd.s32 s25, s7  }
0x1f4: {  	s0 =	sshrl.u32 s0, $0x3  }
0x1f5: {  	s24 =	sadd.s32 $0x1, s24;
	s0 =	sadd.s32 s2, s0  }
0x1f6: {  	[tilespmem:s16], [sflag:$0x2] =	stream.strided.gather [hbm4b:s0+s15], $0x8000, s16, s15, $0x38;
	[tilespmem:$0x11080] =	vst v63  }
.LBB2_10:
0x1f7: {  	s0 =	rddreg [dreg:$0x5];
	s1 =	simm.s32 $0x80;
	s4 =	simm.s32 $0x400  }
0x1f8: {  	[hbm4b:s0+s1] =	stream.strided.scatter [tilespmem:s18], [sflag:$0x3], $0x1080, s4, s1, $0x38;
	[tilespmem:$0x11080] =	vst v63  }
0x1f9: {  	_ =	swait.ge [sflag:s22], $0x1080  }
0x1fa: {  	[sflag:s22] =	ssyncset.done $0x0  }
0x1fb: {  	s0 =	simm.s32 $0x40;
	s1 =	simm.s32 $0x0;
	[sflag:s22] =	ssyncadd.s32 $0xFFFFEF80  }
.LBB2_11:
0x1fc: {  	p0 =	sne.s32 s0, $0x4000;
	[tilespmem:s1+$0x10000] =	vst v0;
	s1 =	smov.u32 s0;
	s0 =	sadd.s32 $0x40, s0  }
.Ltmp7:
0x1fd: {  	(pc) =	sbr.rel @p0 .LBB2_11-.Ltmp7, $2  }
0x1fe: {  	_ =	sdelay $0x2  }
0x1ff: {  	s1 =	sshra.s32 s1, $0x2  }
0x200: {  	[tilespmem:s1+$0x10000] =	vst v0;
	s23 =	simm.s32 $0x0;
	s0 =	rddreg [dreg:$0x6]  }
0x201: {  	[tilespmem:s23], [sflag:$0x1] =	stream.strided.gather [hbm4b:s0+s15], $0x8000, s16, s15, $0x38;
	[tilespmem:$0x11080] =	vst v63  }
0x202: {  	s24 =	simm.s32 $0x0  }
0x203: {  	[tilespmem:s16], [sflag:$0x2] =	stream.strided.gather [hbm4b:s10+s15], $0x8000, s16, s15, $0x38;
	[tilespmem:$0x11080] =	vst v63  }
.LBB2_13:
0x204: {  	_ =	swait.ge [sflag:s17], $0x8000;
	s0 =	simm.s32 $0x0  }
0x205: {  	s1 =	sand.u32 $0xC00, s23;
	s4 =	simm.s32 $0x0;
	s0 =	sand.u32 $0x7000, s0  }
0x206: {  	[sflag:s17] =	ssyncset.done $0x0;
	s4 =	sand.u32 $0x380, s4;
	s0 =	sor.u32 s1, s0  }
0x207: {  	[sflag:s17] =	ssyncadd.s32 $0xFFFF8000;
	s21 =	sor.u32 s4, s0  }
0x208: {  	v3 =	vld [tilespmem:s21+$0x0];
	_ =	sdelay $0x3  }
0x209: {  	s25 =	simm.s32 $0x80;
	s26 =	simm.s32 $0x400  }
0x20a: {  	s31 =	simm.s32 $0x20;
	s1 =	sand.u32 $0xC00, s26;
	s0 =	sand.u32 $0x7000, s25;
	v3 =	vmul.f32 $2.550000000e+02, v3  }
0x20b: {  	s4 =	sand.u32 $0x380, s31;
	s0 =	sor.u32 s1, s0  }
0x20c: {  	s25 =	sor.u32 s4, s0;
	v3 =	vtrunc.f32 v3  }
0x20d: {  	v4 =	vld [tilespmem:s25+$0x0];
	v3 =	vcvt.f32.s32 v3;
	_ =	sdelay $0x1  }
0x20e: {  	v3 =	vadd.s32 v1, v3;
	_ =	sdelay $0x2  }
0x20f: {  	v4 =	vmul.f32 $2.550000000e+02, v4;
	_ =	sdelay $0x1  }
0x210: {  	v4 =	vtrunc.f32 v4;
	[tilespmem:v3+s18+$0x0] =	vst.idx.add.f32.msk $0xffff, v2  }
0x211: {  	v4 =	vcvt.f32.s32 v4;
	v3 =	vld [tilespmem:s21+$0x10]  }
0x212: {  	s5 =	simm.s32 $0x800;
	s4 =	simm.s32 $0x100  }
0x213: {  	s8 =	simm.s32 $0x40;
	s1 =	sand.u32 $0xC00, s5;
	s0 =	sand.u32 $0x7000, s4;
	v4 =	vadd.s32 v1, v4  }
0x214: {  	s4 =	sand.u32 $0x380, s8;
	s0 =	sor.u32 s1, s0  }
0x215: {  	s26 =	sor.u32 s4, s0  }
0x216: {  	v5 =	vld [tilespmem:s26+$0x0];
	v3 =	vmul.f32 $2.550000000e+02, v3;
	_ =	sdelay $0x1  }
0x217: {  	[tilespmem:v4+s18+$0x0] =	vst.idx.add.f32.msk $0xffff, v2;
	v3 =	vtrunc.f32 v3  }
0x218: {  	v4 =	vld [tilespmem:s25+$0x10];
	v3 =	vcvt.f32.s32 v3;
	_ =	sdelay $0x1  }
0x219: {  	v5 =	vmul.f32 $2.550000000e+02, v5;
	v3 =	vadd.s32 v1, v3;
	_ =	sdelay $0x1  }
0x21a: {  	v5 =	vtrunc.f32 v5  }
0x21b: {  	v5 =	vcvt.f32.s32 v5;
	v4 =	vmul.f32 $2.550000000e+02, v4;
	_ =	sdelay $0x1  }
0x21c: {  	v5 =	vadd.s32 v1, v5;
	v4 =	vtrunc.f32 v4;
	[tilespmem:v3+s18+$0x0] =	vst.idx.add.f32.msk $0xffff, v2  }
0x21d: {  	v4 =	vcvt.f32.s32 v4;
	v3 =	vld [tilespmem:s21+$0x20];
	_ =	sdelay $0x1  }
0x21e: {  	v4 =	vadd.s32 v1, v4;
	_ =	sdelay $0x1  }
0x21f: {  	[tilespmem:v5+s18+$0x0] =	vst.idx.add.f32.msk $0xffff, v2  }
0x220: {  	v5 =	vld [tilespmem:s26+$0x10];
	v3 =	vmul.f32 $2.550000000e+02, v3;
	_ =	sdelay $0x1  }
0x221: {  	s9 =	simm.s32 $0x180;
	s20 =	simm.s32 $0xC00;
	[tilespmem:v4+s18+$0x0] =	vst.idx.add.f32.msk $0xffff, v2;
	v3 =	vtrunc.f32 v3  }
0x222: {  	s31 =	simm.s32 $0x60;
	s1 =	sand.u32 $0xC00, s20;
	s0 =	sand.u32 $0x7000, s9;
	v4 =	vld [tilespmem:s25+$0x20];
	v3 =	vcvt.f32.s32 v3  }
0x223: {  	s4 =	sand.u32 $0x380, s31;
	s0 =	sor.u32 s1, s0  }
0x224: {  	s28 =	sor.u32 s4, s0;
	v5 =	vmul.f32 $2.550000000e+02, v5;
	v3 =	vadd.s32 v1, v3  }
0x225: {  	v6 =	vld [tilespmem:s28+$0x0]  }
0x226: {  	v5 =	vtrunc.f32 v5  }
0x227: {  	v5 =	vcvt.f32.s32 v5;
	v4 =	vmul.f32 $2.550000000e+02, v4;
	_ =	sdelay $0x1  }
0x228: {  	s5 =	simm.s32 $0x1000;
	s4 =	simm.s32 $0x200;
	v5 =	vadd.s32 v1, v5;
	v4 =	vtrunc.f32 v4;
	[tilespmem:v3+s18+$0x0] =	vst.idx.add.f32.msk $0xffff, v2  }
0x229: {  	s8 =	simm.s32 $0x80;
	s1 =	sand.u32 $0xC00, s5;
	s0 =	sand.u32 $0x7000, s4;
	v4 =	vcvt.f32.s32 v4;
	v3 =	vmul.f32 $2.550000000e+02, v6;
	v6 =	vld [tilespmem:s21+$0x30]  }
0x22a: {  	s4 =	sand.u32 $0x380, s8;
	s0 =	sor.u32 s1, s0  }
0x22b: {  	s29 =	sor.u32 s4, s0;
	v4 =	vadd.s32 v1, v4;
	v3 =	vtrunc.f32 v3  }
0x22c: {  	v7 =	vld [tilespmem:s29+$0x0];
	v3 =	vcvt.f32.s32 v3  }
0x22d: {  	[tilespmem:v5+s18+$0x0] =	vst.idx.add.f32.msk $0xffff, v2  }
0x22e: {  	v5 =	vld [tilespmem:s26+$0x20];
	v3 =	vadd.s32 v1, v3;
	v6 =	vmul.f32 $2.550000000e+02, v6;
	_ =	sdelay $0x1  }
0x22f: {  	[tilespmem:v4+s18+$0x0] =	vst.idx.add.f32.msk $0xffff, v2;
	v6 =	vtrunc.f32 v6  }
0x230: {  	v4 =	vmul.f32 $2.550000000e+02, v7;
	v7 =	vld [tilespmem:s25+$0x30];
	v6 =	vcvt.f32.s32 v6;
	_ =	sdelay $0x1  }
0x231: {  	s20 =	simm.s32 $0x1400;
	s9 =	simm.s32 $0x280;
	v5 =	vmul.f32 $2.550000000e+02, v5;
	[tilespmem:v3+s18+$0x0] =	vst.idx.add.f32.msk $0xffff, v2;
	v6 =	vadd.s32 v1, v6  }
0x232: {  	s31 =	simm.s32 $0xA0;
	s1 =	sand.u32 $0xC00, s20;
	s0 =	sand.u32 $0x7000, s9;
	v3 =	vld [tilespmem:s28+$0x10]  }
0x233: {  	s4 =	sand.u32 $0x380, s31;
	s0 =	sor.u32 s1, s0;
	v5 =	vtrunc.f32 v5  }
0x234: {  	s30 =	sor.u32 s4, s0;
	v5 =	vcvt.f32.s32 v5;
	v7 =	vmul.f32 $2.550000000e+02, v7  }
0x235: {  	v8 =	vld [tilespmem:s30+$0x0];
	v4 =	vtrunc.f32 v4  }
0x236: {  	v5 =	vadd.s32 v1, v5;
	v4 =	vcvt.f32.s32 v4;
	v7 =	vtrunc.f32 v7;
	[tilespmem:v6+s18+$0x0] =	vst.idx.add.f32.msk $0xffff, v2  }
0x237: {  	v7 =	vcvt.f32.s32 v7;
	v3 =	vmul.f32 $2.550000000e+02, v3;
	v6 =	vld [tilespmem:s21+$0x40]  }
0x238: {  	v4 =	vadd.s32 v1, v4  }
0x239: {  	v7 =	vadd.s32 v1, v7;
	v3 =	vtrunc.f32 v3  }
0x23a: {  	v3 =	vcvt.f32.s32 v3  }
0x23b: {  	[tilespmem:v5+s18+$0x0] =	vst.idx.add.f32.msk $0xffff, v2  }
0x23c: {  	v5 =	vmul.f32 $2.550000000e+02, v8;
	v8 =	vld [tilespmem:s26+$0x30];
	v3 =	vadd.s32 v1, v3;
	v6 =	vmul.f32 $2.550000000e+02, v6  }
0x23d: {  	[tilespmem:v4+s18+$0x0] =	vst.idx.add.f32.msk $0xffff, v2  }
0x23e: {  	[tilespmem:v7+s18+$0x0] =	vst.idx.add.f32.msk $0xffff, v2;
	v4 =	vtrunc.f32 v6  }
0x23f: {  	v6 =	vld [tilespmem:s29+$0x10];
	v4 =	vcvt.f32.s32 v4  }
0x240: {  	v5 =	vtrunc.f32 v5;
	v7 =	vld [tilespmem:s25+$0x40]  }
0x241: {  	v5 =	vcvt.f32.s32 v5;
	[tilespmem:v3+s18+$0x0] =	vst.idx.add.f32.msk $0xffff, v2;
	v4 =	vadd.s32 v1, v4  }
0x242: {  	v8 =	vmul.f32 $2.550000000e+02, v8;
	v3 =	vld [tilespmem:s28+$0x20]  }
0x243: {  	v5 =	vadd.s32 v1, v5  }
0x244: {  	v8 =	vtrunc.f32 v8;
	v6 =	vmul.f32 $2.550000000e+02, v6  }
0x245: {  	v8 =	vcvt.f32.s32 v8  }
0x246: {  	v7 =	vmul.f32 $2.550000000e+02, v7;
	[tilespmem:v4+s18+$0x0] =	vst.idx.add.f32.msk $0xffff, v2;
	v4 =	vtrunc.f32 v6  }
0x247: {  	v3 =	vmul.f32 $2.550000000e+02, v3;
	v6 =	vld [tilespmem:s21+$0x50];
	v4 =	vcvt.f32.s32 v4  }
0x248: {  	s5 =	simm.s32 $0x1800;
	s4 =	simm.s32 $0x300;
	[tilespmem:v5+s18+$0x0] =	vst.idx.add.f32.msk $0xffff, v2;
	v8 =	vadd.s32 v1, v8;
	v5 =	vtrunc.f32 v7  }
0x249: {  	s8 =	simm.s32 $0xC0;
	s1 =	sand.u32 $0xC00, s5;
	s0 =	sand.u32 $0x7000, s4;
	v5 =	vcvt.f32.s32 v5;
	v3 =	vtrunc.f32 v3;
	v4 =	vadd.s32 v1, v4  }
0x24a: {  	s4 =	sand.u32 $0x380, s8;
	s0 =	sor.u32 s1, s0;
	v3 =	vcvt.f32.s32 v3  }
0x24b: {  	s0 =	sor.u32 s4, s0;
	v7 =	vld [tilespmem:s30+$0x10];
	v5 =	vadd.s32 v1, v5  }
0x24c: {  	v9 =	vld [tilespmem:s0+$0x0];
	v3 =	vadd.s32 v1, v3;
	v6 =	vmul.f32 $2.550000000e+02, v6  }
0x24d: {  	[tilespmem:v8+s18+$0x0] =	vst.idx.add.f32.msk $0xffff, v2  }
0x24e: {  	[tilespmem:v4+s18+$0x0] =	vst.idx.add.f32.msk $0xffff, v2;
	v4 =	vtrunc.f32 v6  }
0x24f: {  	v6 =	vld [tilespmem:s29+$0x20];
	v4 =	vcvt.f32.s32 v4  }
0x250: {  	v7 =	vmul.f32 $2.550000000e+02, v7;
	[tilespmem:v5+s18+$0x0] =	vst.idx.add.f32.msk $0xffff, v2  }
0x251: {  	[tilespmem:v3+s18+$0x0] =	vst.idx.add.f32.msk $0xffff, v2;
	v3 =	vmul.f32 $2.550000000e+02, v9;
	v4 =	vadd.s32 v1, v4  }
0x252: {  	v5 =	vtrunc.f32 v7;
	v9 =	vld [tilespmem:s28+$0x30]  }
0x253: {  	v8 =	vld [tilespmem:s26+$0x40];
	v5 =	vcvt.f32.s32 v5;
	v3 =	vtrunc.f32 v3  }
0x254: {  	v7 =	vld [tilespmem:s25+$0x50];
	v3 =	vcvt.f32.s32 v3;
	v6 =	vmul.f32 $2.550000000e+02, v6  }
0x255: {  	s20 =	simm.s32 $0x1C00;
	s9 =	simm.s32 $0x380;
	v5 =	vadd.s32 v1, v5  }
0x256: {  	s5 =	simm.s32 $0xE0;
	s1 =	sand.u32 $0x7000, s9;
	s4 =	sand.u32 $0xC00, s20;
	v3 =	vadd.s32 v1, v3;
	[tilespmem:v4+s18+$0x0] =	vst.idx.add.f32.msk $0xffff, v2;
	v4 =	vtrunc.f32 v6  }
0x257: {  	s5 =	sand.u32 $0x380, s5;
	s1 =	sor.u32 s4, s1;
	v6 =	vmul.f32 $2.550000000e+02, v9;
	v9 =	vld [tilespmem:s21+$0x60];
	v4 =	vcvt.f32.s32 v4  }
0x258: {  	s1 =	sor.u32 s5, s1;
	v8 =	vmul.f32 $2.550000000e+02, v8  }
0x259: {  	v10 =	vld [tilespmem:s1+$0x0];
	v7 =	vmul.f32 $2.550000000e+02, v7;
	v6 =	vtrunc.f32 v6;
	v4 =	vadd.s32 v1, v4  }
0x25a: {  	[tilespmem:v5+s18+$0x0] =	vst.idx.add.f32.msk $0xffff, v2;
	v6 =	vcvt.f32.s32 v6  }
0x25b: {  	v5 =	vtrunc.f32 v7;
	[tilespmem:v3+s18+$0x0] =	vst.idx.add.f32.msk $0xffff, v2;
	v3 =	vtrunc.f32 v8  }
0x25c: {  	v8 =	vld [tilespmem:s0+$0x10];
	v6 =	vadd.s32 v1, v6;
	v3 =	vcvt.f32.s32 v3;
	v7 =	vmul.f32 $2.550000000e+02, v9  }
0x25d: {  	v5 =	vcvt.f32.s32 v5;
	v9 =	vld [tilespmem:s30+$0x20]  }
0x25e: {  	v3 =	vadd.s32 v1, v3;
	[tilespmem:v4+s18+$0x0] =	vst.idx.add.f32.msk $0xffff, v2;
	v4 =	vtrunc.f32 v7  }
0x25f: {  	v5 =	vadd.s32 v1, v5;
	v4 =	vcvt.f32.s32 v4  }
0x260: {  	v10 =	vmul.f32 $2.550000000e+02, v10;
	v7 =	vld [tilespmem:s29+$0x30]  }
0x261: {  	[tilespmem:v6+s18+$0x0] =	vst.idx.add.f32.msk $0xffff, v2;
	v8 =	vmul.f32 $2.550000000e+02, v8;
	v4 =	vadd.s32 v1, v4  }
0x262: {  	v10 =	vtrunc.f32 v10;
	v6 =	vld [tilespmem:s28+$0x40];
	v9 =	vmul.f32 $2.550000000e+02, v9  }
0x263: {  	[tilespmem:v3+s18+$0x0] =	vst.idx.add.f32.msk $0xffff, v2;
	v3 =	vcvt.f32.s32 v10;
	v8 =	vtrunc.f32 v8  }
0x264: {  	[tilespmem:v5+s18+$0x0] =	vst.idx.add.f32.msk $0xffff, v2;
	v5 =	vcvt.f32.s32 v8  }
0x265: {  	s31 =	simm.s32 $0x400;
	s4 =	simm.s32 $0x2000;
	v10 =	vld [tilespmem:s26+$0x50];
	v9 =	vtrunc.f32 v9;
	v3 =	vadd.s32 v1, v3  }
0x266: {  	s9 =	simm.s32 $0x100;
	s5 =	sand.u32 $0x7000, s31;
	s8 =	sand.u32 $0xC00, s4;
	v7 =	vmul.f32 $2.550000000e+02, v7;
	[tilespmem:v4+s18+$0x0] =	vst.idx.add.f32.msk $0xffff, v2;
	v4 =	vadd.s32 v1, v5;
	v5 =	vcvt.f32.s32 v9  }
0x267: {  	s9 =	sand.u32 $0x380, s9;
	s5 =	sor.u32 s8, s5;
	v8 =	vld [tilespmem:s25+$0x60]  }
0x268: {  	s20 =	sor.u32 s9, s5;
	v7 =	vtrunc.f32 v7;
	v6 =	vmul.f32 $2.550000000e+02, v6;
	v11 =	vld [tilespmem:s21+$0x70];
	v5 =	vadd.s32 v1, v5  }
0x269: {  	v12 =	vld [tilespmem:s20+$0x0];
	v7 =	vcvt.f32.s32 v7  }
0x26a: {  	[tilespmem:v3+s18+$0x0] =	vst.idx.add.f32.msk $0xffff, v2;
	v3 =	vtrunc.f32 v6;
	v6 =	vmul.f32 $2.550000000e+02, v10  }
0x26b: {  	v7 =	vadd.s32 v1, v7;
	v10 =	vld [tilespmem:s1+$0x10];
	v3 =	vcvt.f32.s32 v3  }
0x26c: {  	[tilespmem:v4+s18+$0x0] =	vst.idx.add.f32.msk $0xffff, v2;
	v4 =	vmul.f32 $2.550000000e+02, v8;
	v6 =	vtrunc.f32 v6  }
0x26d: {  	v3 =	vadd.s32 v1, v3;
	v11 =	vmul.f32 $2.550000000e+02, v11;
	[tilespmem:v5+s18+$0x0] =	vst.idx.add.f32.msk $0xffff, v2;
	v5 =	vcvt.f32.s32 v6  }
0x26e: {  	v9 =	vld [tilespmem:s0+$0x20];
	v4 =	vtrunc.f32 v4  }
0x26f: {  	v8 =	vld [tilespmem:s30+$0x30];
	v4 =	vcvt.f32.s32 v4;
	v6 =	vtrunc.f32 v11;
	v5 =	vadd.s32 v1, v5  }
0x270: {  	v11 =	vmul.f32 $2.550000000e+02, v12;
	[tilespmem:v7+s18+$0x0] =	vst.idx.add.f32.msk $0xffff, v2;
	v6 =	vcvt.f32.s32 v6  }
0x271: {  	v7 =	vld [tilespmem:s29+$0x40];
	v4 =	vadd.s32 v1, v4  }
0x272: {  	v10 =	vmul.f32 $2.550000000e+02, v10;
	v11 =	vtrunc.f32 v11;
	[tilespmem:v3+s18+$0x0] =	vst.idx.add.f32.msk $0xffff, v2;
	v3 =	vadd.s32 v1, v6  }
0x273: {  	s21 =	simm.s32 $0x40;
	v11 =	vcvt.f32.s32 v11;
	v6 =	vld [tilespmem:s28+$0x50]  }
.LBB2_14:
0x274: {  	s21 =	sadd.s32 $0x8, s21;
	v10 =	vtrunc.f32 v10;
	v9 =	vmul.f32 $2.550000000e+02, v9;
	[tilespmem:v5+s18+$0x0] =	vst.idx.add.f32.msk $0xffff, v2  }
0x275: {  	s4 =	sadd.s32 $0x400, s4;
	s5 =	sshll.u32 s21, $0x4;
	p0 =	slt.u32 s21, $0x7F8;
	v5 =	vadd.s32 v1, v11;
	v10 =	vcvt.f32.s32 v10;
	v11 =	vld [tilespmem:s26+$0x60]  }
0x276: {  	v8 =	vmul.f32 $2.550000000e+02, v8;
	s8 =	sand.u32 $0xC00, s4;
	s9 =	sshll.u32 s21, $0x2;
	s5 =	sand.u32 $0x7000, s5;
	v9 =	vtrunc.f32 v9;
	[tilespmem:v4+s18+$0x0] =	vst.idx.add.f32.msk $0xffff, v2  }
0x277: {  	s9 =	sand.u32 $0x380, s9;
	s5 =	sor.u32 s8, s5;
	v4 =	vadd.s32 v1, v10;
	v9 =	vcvt.f32.s32 v9;
	[tilespmem:v3+s18+$0x0] =	vst.idx.add.f32.msk $0xffff, v2  }
0x278: {  	v7 =	vmul.f32 $2.550000000e+02, v7;
	v3 =	vtrunc.f32 v8;
	s5 =	sor.u32 s9, s5;
	v8 =	vld [tilespmem:s25+$0x70];
	s25 =	smov.u32 s26;
	s26 =	smov.u32 s28  }
0x279: {  	v3 =	vcvt.f32.s32 v3;
	s28 =	smov.u32 s29;
	s29 =	smov.u32 s30;
	s30 =	smov.u32 s0;
	v10 =	vld [tilespmem:s5+$0x0];
	v12 =	vadd.s32 v1, v9  }
0x27a: {  	v6 =	vmul.f32 $2.550000000e+02, v6;
	s0 =	smov.u32 s1;
	s1 =	smov.u32 s20;
	s20 =	smov.u32 s5;
	[tilespmem:v5+s18+$0x0] =	vst.idx.add.f32.msk $0xffff, v2;
	v5 =	vtrunc.f32 v7  }
0x27b: {  	v3 =	vadd.s32 v1, v3;
	v13 =	vld [tilespmem:s1+$0x10];
	v5 =	vcvt.f32.s32 v5  }
0x27c: {  	[tilespmem:v4+s18+$0x0] =	vst.idx.add.f32.msk $0xffff, v2;
	v4 =	vtrunc.f32 v6;
	v6 =	vmul.f32 $2.550000000e+02, v11  }
0x27d: {  	v9 =	vld [tilespmem:s0+$0x20];
	v11 =	vadd.s32 v1, v5;
	v4 =	vcvt.f32.s32 v4;
	v7 =	vmul.f32 $2.550000000e+02, v8  }
0x27e: {  	[tilespmem:v12+s18+$0x0] =	vst.idx.add.f32.msk $0xffff, v2;
	v6 =	vtrunc.f32 v6  }
.Ltmp8:
0x27f: {  	v8 =	vld [tilespmem:s30+$0x30];
	v5 =	vadd.s32 v1, v4;
	v4 =	vcvt.f32.s32 v6;
	v6 =	vtrunc.f32 v7;
	(pc) =	sbr.rel @p0 .LBB2_14-.Ltmp8, $4  }
0x280: {  	v10 =	vmul.f32 $2.550000000e+02, v10;
	[tilespmem:v3+s18+$0x0] =	vst.idx.add.f32.msk $0xffff, v2;
	v3 =	vcvt.f32.s32 v6  }
0x281: {  	v7 =	vld [tilespmem:s29+$0x40];
	v4 =	vadd.s32 v1, v4  }
0x282: {  	v6 =	vtrunc.f32 v10;
	v10 =	vmul.f32 $2.550000000e+02, v13;
	[tilespmem:v11+s18+$0x0] =	vst.idx.add.f32.msk $0xffff, v2;
	v3 =	vadd.s32 v1, v3  }
0x283: {  	v11 =	vcvt.f32.s32 v6;
	v6 =	vld [tilespmem:s28+$0x50]  }
0x284: {  	_ = 	snop  }
0x285: {  	v11 =	vadd.s32 v1, v11;
	_ =	sdelay $0x4  }
0x286: {  	[tilespmem:v11+s18+$0x0] =	vst.idx.add.f32.msk $0xffff, v2  }
0x287: {  	v11 =	vld [tilespmem:s20+$0x10];
	_ =	sdelay $0x3  }
0x288: {  	v10 =	vtrunc.f32 v10  }
0x289: {  	v10 =	vcvt.f32.s32 v10;
	v11 =	vmul.f32 $2.550000000e+02, v11;
	_ =	sdelay $0x1  }
0x28a: {  	v10 =	vadd.s32 v1, v10;
	v11 =	vtrunc.f32 v11  }
0x28b: {  	v11 =	vcvt.f32.s32 v11;
	_ =	sdelay $0x1  }
0x28c: {  	v11 =	vadd.s32 v1, v11;
	_ =	sdelay $0x1  }
0x28d: {  	[tilespmem:v10+s18+$0x0] =	vst.idx.add.f32.msk $0xffff, v2  }
0x28e: {  	v10 =	vld [tilespmem:s1+$0x20];
	_ =	sdelay $0x1  }
0x28f: {  	v9 =	vmul.f32 $2.550000000e+02, v9;
	[tilespmem:v11+s18+$0x0] =	vst.idx.add.f32.msk $0xffff, v2  }
0x290: {  	v11 =	vld [tilespmem:s20+$0x20]  }
0x291: {  	v9 =	vtrunc.f32 v9  }
0x292: {  	v9 =	vcvt.f32.s32 v9;
	v10 =	vmul.f32 $2.550000000e+02, v10;
	_ =	sdelay $0x1  }
0x293: {  	v9 =	vadd.s32 v1, v9;
	v10 =	vtrunc.f32 v10  }
0x294: {  	v10 =	vcvt.f32.s32 v10;
	v11 =	vmul.f32 $2.550000000e+02, v11;
	_ =	sdelay $0x1  }
0x295: {  	v10 =	vadd.s32 v1, v10;
	v11 =	vtrunc.f32 v11  }
0x296: {  	v11 =	vcvt.f32.s32 v11  }
0x297: {  	v8 =	vmul.f32 $2.550000000e+02, v8;
	[tilespmem:v9+s18+$0x0] =	vst.idx.add.f32.msk $0xffff, v2  }
0x298: {  	v9 =	vld [tilespmem:s0+$0x30];
	v11 =	vadd.s32 v1, v11  }
0x299: {  	v8 =	vtrunc.f32 v8  }
0x29a: {  	v8 =	vcvt.f32.s32 v8;
	[tilespmem:v10+s18+$0x0] =	vst.idx.add.f32.msk $0xffff, v2  }
0x29b: {  	v10 =	vld [tilespmem:s1+$0x30]  }
0x29c: {  	v8 =	vadd.s32 v1, v8  }
0x29d: {  	v9 =	vmul.f32 $2.550000000e+02, v9;
	[tilespmem:v11+s18+$0x0] =	vst.idx.add.f32.msk $0xffff, v2  }
0x29e: {  	v11 =	vld [tilespmem:s20+$0x30]  }
0x29f: {  	v9 =	vtrunc.f32 v9  }
0x2a0: {  	v9 =	vcvt.f32.s32 v9;
	v10 =	vmul.f32 $2.550000000e+02, v10  }
0x2a1: {  	[tilespmem:v8+s18+$0x0] =	vst.idx.add.f32.msk $0xffff, v2  }
0x2a2: {  	v8 =	vld [tilespmem:s30+$0x40];
	v9 =	vadd.s32 v1, v9;
	v10 =	vtrunc.f32 v10  }
0x2a3: {  	v10 =	vcvt.f32.s32 v10;
	v11 =	vmul.f32 $2.550000000e+02, v11;
	_ =	sdelay $0x1  }
0x2a4: {  	v10 =	vadd.s32 v1, v10;
	v11 =	vtrunc.f32 v11  }
0x2a5: {  	v11 =	vcvt.f32.s32 v11  }
0x2a6: {  	v8 =	vmul.f32 $2.550000000e+02, v8;
	[tilespmem:v9+s18+$0x0] =	vst.idx.add.f32.msk $0xffff, v2  }
0x2a7: {  	v9 =	vld [tilespmem:s0+$0x40];
	v11 =	vadd.s32 v1, v11  }
0x2a8: {  	v8 =	vtrunc.f32 v8  }
0x2a9: {  	v8 =	vcvt.f32.s32 v8;
	[tilespmem:v10+s18+$0x0] =	vst.idx.add.f32.msk $0xffff, v2  }
0x2aa: {  	v7 =	vmul.f32 $2.550000000e+02, v7;
	v10 =	vld [tilespmem:s1+$0x40]  }
0x2ab: {  	v8 =	vadd.s32 v1, v8  }
0x2ac: {  	v7 =	vtrunc.f32 v7;
	v9 =	vmul.f32 $2.550000000e+02, v9;
	[tilespmem:v11+s18+$0x0] =	vst.idx.add.f32.msk $0xffff, v2  }
0x2ad: {  	v7 =	vcvt.f32.s32 v7;
	v11 =	vld [tilespmem:s20+$0x40]  }
0x2ae: {  	v9 =	vtrunc.f32 v9  }
0x2af: {  	v7 =	vadd.s32 v1, v7;
	v9 =	vcvt.f32.s32 v9;
	v10 =	vmul.f32 $2.550000000e+02, v10  }
0x2b0: {  	[tilespmem:v8+s18+$0x0] =	vst.idx.add.f32.msk $0xffff, v2  }
0x2b1: {  	v8 =	vld [tilespmem:s30+$0x50];
	v9 =	vadd.s32 v1, v9;
	v10 =	vtrunc.f32 v10  }
0x2b2: {  	v10 =	vcvt.f32.s32 v10;
	v11 =	vmul.f32 $2.550000000e+02, v11;
	_ =	sdelay $0x1  }
0x2b3: {  	[tilespmem:v7+s18+$0x0] =	vst.idx.add.f32.msk $0xffff, v2;
	v10 =	vadd.s32 v1, v10;
	v7 =	vtrunc.f32 v11  }
0x2b4: {  	v11 =	vld [tilespmem:s29+$0x50];
	v7 =	vcvt.f32.s32 v7  }
0x2b5: {  	v8 =	vmul.f32 $2.550000000e+02, v8;
	[tilespmem:v9+s18+$0x0] =	vst.idx.add.f32.msk $0xffff, v2  }
0x2b6: {  	v9 =	vld [tilespmem:s0+$0x50];
	v7 =	vadd.s32 v1, v7  }
0x2b7: {  	v6 =	vmul.f32 $2.550000000e+02, v6;
	v8 =	vtrunc.f32 v8  }
0x2b8: {  	v8 =	vcvt.f32.s32 v8;
	[tilespmem:v10+s18+$0x0] =	vst.idx.add.f32.msk $0xffff, v2  }
0x2b9: {  	v6 =	vtrunc.f32 v6;
	v10 =	vld [tilespmem:s1+$0x50];
	v11 =	vmul.f32 $2.550000000e+02, v11  }
0x2ba: {  	v6 =	vcvt.f32.s32 v6;
	v8 =	vadd.s32 v1, v8  }
0x2bb: {  	v9 =	vmul.f32 $2.550000000e+02, v9;
	v11 =	vtrunc.f32 v11;
	[tilespmem:v7+s18+$0x0] =	vst.idx.add.f32.msk $0xffff, v2  }
0x2bc: {  	v6 =	vadd.s32 v1, v6;
	v7 =	vcvt.f32.s32 v11;
	v11 =	vld [tilespmem:s20+$0x50]  }
0x2bd: {  	[tilespmem:v5+s18+$0x0] =	vst.idx.add.f32.msk $0xffff, v2;
	v5 =	vtrunc.f32 v9  }
0x2be: {  	v5 =	vcvt.f32.s32 v5;
	v9 =	vmul.f32 $2.550000000e+02, v10;
	v10 =	vld [tilespmem:s26+$0x60];
	v7 =	vadd.s32 v1, v7  }
0x2bf: {  	[tilespmem:v8+s18+$0x0] =	vst.idx.add.f32.msk $0xffff, v2  }
0x2c0: {  	v8 =	vld [tilespmem:s30+$0x60];
	v5 =	vadd.s32 v1, v5  }
0x2c1: {  	[tilespmem:v6+s18+$0x0] =	vst.idx.add.f32.msk $0xffff, v2;
	v6 =	vtrunc.f32 v9;
	v9 =	vmul.f32 $2.550000000e+02, v11  }
0x2c2: {  	v6 =	vcvt.f32.s32 v6;
	v11 =	vld [tilespmem:s28+$0x60]  }
0x2c3: {  	v10 =	vmul.f32 $2.550000000e+02, v10;
	[tilespmem:v7+s18+$0x0] =	vst.idx.add.f32.msk $0xffff, v2;
	v7 =	vtrunc.f32 v9  }
0x2c4: {  	v6 =	vadd.s32 v1, v6;
	v9 =	vld [tilespmem:s29+$0x60];
	v7 =	vcvt.f32.s32 v7  }
0x2c5: {  	v8 =	vmul.f32 $2.550000000e+02, v8;
	[tilespmem:v5+s18+$0x0] =	vst.idx.add.f32.msk $0xffff, v2;
	v10 =	vtrunc.f32 v10  }
0x2c6: {  	v5 =	vcvt.f32.s32 v10;
	v10 =	vld [tilespmem:s0+$0x60];
	v7 =	vadd.s32 v1, v7  }
0x2c7: {  	[tilespmem:v4+s18+$0x0] =	vst.idx.add.f32.msk $0xffff, v2;
	v4 =	vtrunc.f32 v8;
	v11 =	vmul.f32 $2.550000000e+02, v11  }
0x2c8: {  	v4 =	vcvt.f32.s32 v4;
	v5 =	vadd.s32 v1, v5  }
0x2c9: {  	[tilespmem:v6+s18+$0x0] =	vst.idx.add.f32.msk $0xffff, v2;
	v11 =	vtrunc.f32 v11;
	v9 =	vmul.f32 $2.550000000e+02, v9  }
0x2ca: {  	v4 =	vadd.s32 v1, v4;
	v6 =	vcvt.f32.s32 v11;
	v11 =	vld [tilespmem:s1+$0x60]  }
0x2cb: {  	v8 =	vmul.f32 $2.550000000e+02, v10;
	v9 =	vtrunc.f32 v9;
	[tilespmem:v7+s18+$0x0] =	vst.idx.add.f32.msk $0xffff, v2  }
0x2cc: {  	v6 =	vadd.s32 v1, v6;
	v7 =	vcvt.f32.s32 v9;
	v9 =	vld [tilespmem:s20+$0x60]  }
0x2cd: {  	[tilespmem:v5+s18+$0x0] =	vst.idx.add.f32.msk $0xffff, v2;
	v5 =	vtrunc.f32 v8  }
0x2ce: {  	v5 =	vcvt.f32.s32 v5;
	v7 =	vadd.s32 v1, v7  }
0x2cf: {  	[tilespmem:v4+s18+$0x0] =	vst.idx.add.f32.msk $0xffff, v2;
	v8 =	vmul.f32 $2.550000000e+02, v11  }
0x2d0: {  	v4 =	vld [tilespmem:s30+$0x70];
	v5 =	vadd.s32 v1, v5  }
0x2d1: {  	[tilespmem:v6+s18+$0x0] =	vst.idx.add.f32.msk $0xffff, v2;
	v6 =	vtrunc.f32 v8;
	v8 =	vmul.f32 $2.550000000e+02, v9  }
0x2d2: {  	v10 =	vld [tilespmem:s25+$0x70];
	v6 =	vcvt.f32.s32 v6  }
0x2d3: {  	[tilespmem:v7+s18+$0x0] =	vst.idx.add.f32.msk $0xffff, v2;
	v7 =	vtrunc.f32 v8  }
0x2d4: {  	v11 =	vld [tilespmem:s26+$0x70];
	v6 =	vadd.s32 v1, v6;
	v7 =	vcvt.f32.s32 v7  }
0x2d5: {  	[tilespmem:v5+s18+$0x0] =	vst.idx.add.f32.msk $0xffff, v2  }
0x2d6: {  	v5 =	vld [tilespmem:s0+$0x70];
	v7 =	vadd.s32 v1, v7  }
0x2d7: {  	v10 =	vmul.f32 $2.550000000e+02, v10;
	v9 =	vld [tilespmem:s28+$0x70]  }
0x2d8: {  	v8 =	vld [tilespmem:s29+$0x70]  }
0x2d9: {  	v10 =	vtrunc.f32 v10;
	v11 =	vmul.f32 $2.550000000e+02, v11;
	[tilespmem:v6+s18+$0x0] =	vst.idx.add.f32.msk $0xffff, v2  }
0x2da: {  	v4 =	vmul.f32 $2.550000000e+02, v4;
	v6 =	vcvt.f32.s32 v10;
	v10 =	vld [tilespmem:s1+$0x70]  }
0x2db: {  	v5 =	vmul.f32 $2.550000000e+02, v5;
	v11 =	vtrunc.f32 v11;
	[tilespmem:v7+s18+$0x0] =	vst.idx.add.f32.msk $0xffff, v2  }
0x2dc: {  	v4 =	vtrunc.f32 v4;
	v7 =	vcvt.f32.s32 v11;
	v11 =	vld [tilespmem:s20+$0x70]  }
0x2dd: {  	v5 =	vtrunc.f32 v5;
	v9 =	vmul.f32 $2.550000000e+02, v9  }
0x2de: {  	v4 =	vcvt.f32.s32 v4;
	v5 =	vcvt.f32.s32 v5  }
0x2df: {  	v8 =	vmul.f32 $2.550000000e+02, v8;
	v9 =	vtrunc.f32 v9;
	v6 =	vadd.s32 v1, v6  }
0x2e0: {  	[tilespmem:v3+s18+$0x0] =	vst.idx.add.f32.msk $0xffff, v2;
	v3 =	vadd.s32 v1, v4;
	v9 =	vcvt.f32.s32 v9;
	v10 =	vmul.f32 $2.550000000e+02, v10  }
0x2e1: {  	v5 =	vadd.s32 v1, v5;
	v8 =	vtrunc.f32 v8;
	v11 =	vmul.f32 $2.550000000e+02, v11  }
0x2e2: {  	v8 =	vcvt.f32.s32 v8;
	v9 =	vadd.s32 v1, v9;
	v10 =	vtrunc.f32 v10  }
0x2e3: {  	v7 =	vadd.s32 v1, v7;
	v4 =	vcvt.f32.s32 v10;
	v10 =	vtrunc.f32 v11  }
0x2e4: {  	v8 =	vadd.s32 v1, v8;
	[tilespmem:v6+s18+$0x0] =	vst.idx.add.f32.msk $0xffff, v2;
	v6 =	vcvt.f32.s32 v10  }
0x2e5: {  	[tilespmem:v3+s18+$0x0] =	vst.idx.add.f32.msk $0xffff, v2;
	v4 =	vadd.s32 v1, v4  }
0x2e6: {  	[tilespmem:v5+s18+$0x0] =	vst.idx.add.f32.msk $0xffff, v2;
	v6 =	vadd.s32 v1, v6  }
0x2e7: {  	p0 =	seq.s32 s24, $0x3;
	s25 =	sshll.u32 s24, $0x13;
	[tilespmem:v9+s18+$0x0] =	vst.idx.add.f32.msk $0xffff, v2  }
0x2e8: {  	s0 =	sadd.s32 @!p0 s25, s11;
	[tilespmem:v7+s18+$0x0] =	vst.idx.add.f32.msk $0xffff, v2  }
0x2e9: {  	s21 =	simm.s32 $0x0;
	s0 =	sshrl.u32 @!p0 s0, $0x3;
	[tilespmem:v8+s18+$0x0] =	vst.idx.add.f32.msk $0xffff, v2  }
0x2ea: {  	s4 =	simm.s32 @!p0 $0x8000;
	s5 =	simm.s32 @!p0 $0x0;
	s0 =	sadd.s32 @!p0 s2, s0;
	[tilespmem:v4+s18+$0x0] =	vst.idx.add.f32.msk $0xffff, v2  }
0x2eb: {  	s26 =	simm.s32 $0x0;
	s1 =	simm.s32 @!p0 $0x1000;
	s20 =	simm.s32 $0x0;
	[tilespmem:v6+s18+$0x0] =	vst.idx.add.f32.msk $0xffff, v2  }
0x2ec: {  	[tilespmem:s5], [sflag:$0x1] =	stream.strided.gather @!p0 [hbm4b:s0+s1], $0x8000, s4, s1, $0x38;
	[tilespmem:$0x11080] =	vst v63  }
0x2ed: {  	s1 =	sand.u32 $0x7000, s21;
	s0 =	sand.u32 $0xC00, s20;
	_ =	swait.ge [sflag:s19], $0x8000  }
0x2ee: {  	s4 =	sand.u32 $0x380, s26;
	s0 =	sor.u32 s0, s1;
	[sflag:s19] =	ssyncset.done $0x0  }
0x2ef: {  	s21 =	sor.u32 s4, s0;
	[sflag:s19] =	ssyncadd.s32 $0xFFFF8000  }
0x2f0: {  	v3 =	vld [tilespmem:s21+$0x8000];
	_ =	sdelay $0x3  }
0x2f1: {  	s1 =	simm.s32 $0x80;
	s4 =	simm.s32 $0x400  }
0x2f2: {  	s5 =	simm.s32 $0x20;
	s0 =	sand.u32 $0x7000, s1;
	s1 =	sand.u32 $0xC00, s4;
	v3 =	vmul.f32 $2.550000000e+02, v3  }
0x2f3: {  	s4 =	sand.u32 $0x380, s5;
	s0 =	sor.u32 s1, s0  }
0x2f4: {  	s26 =	sor.u32 s4, s0;
	v3 =	vtrunc.f32 v3  }
0x2f5: {  	v4 =	vld [tilespmem:s26+$0x8000];
	v3 =	vcvt.f32.s32 v3;
	_ =	sdelay $0x1  }
0x2f6: {  	v3 =	vadd.s32 v1, v3;
	_ =	sdelay $0x2  }
0x2f7: {  	v4 =	vmul.f32 $2.550000000e+02, v4;
	_ =	sdelay $0x1  }
0x2f8: {  	v4 =	vtrunc.f32 v4;
	[tilespmem:v3+s18+$0x0] =	vst.idx.add.f32.msk $0xffff, v2  }
0x2f9: {  	v4 =	vcvt.f32.s32 v4;
	v3 =	vld [tilespmem:s21+$0x8010]  }
0x2fa: {  	s8 =	simm.s32 $0x100;
	s9 =	simm.s32 $0x800  }
0x2fb: {  	s20 =	simm.s32 $0x40;
	s1 =	sand.u32 $0xC00, s9;
	s0 =	sand.u32 $0x7000, s8;
	v4 =	vadd.s32 v1, v4  }
0x2fc: {  	s4 =	sand.u32 $0x380, s20;
	s0 =	sor.u32 s1, s0  }
0x2fd: {  	s28 =	sor.u32 s4, s0  }
0x2fe: {  	v5 =	vld [tilespmem:s28+$0x8000];
	v3 =	vmul.f32 $2.550000000e+02, v3;
	_ =	sdelay $0x1  }
0x2ff: {  	[tilespmem:v4+s18+$0x0] =	vst.idx.add.f32.msk $0xffff, v2;
	v3 =	vtrunc.f32 v3  }
0x300: {  	v4 =	vld [tilespmem:s26+$0x8010];
	v3 =	vcvt.f32.s32 v3;
	_ =	sdelay $0x1  }
0x301: {  	v5 =	vmul.f32 $2.550000000e+02, v5;
	v3 =	vadd.s32 v1, v3;
	_ =	sdelay $0x1  }
0x302: {  	v5 =	vtrunc.f32 v5  }
0x303: {  	v5 =	vcvt.f32.s32 v5;
	v4 =	vmul.f32 $2.550000000e+02, v4;
	_ =	sdelay $0x1  }
0x304: {  	v5 =	vadd.s32 v1, v5;
	v4 =	vtrunc.f32 v4;
	[tilespmem:v3+s18+$0x0] =	vst.idx.add.f32.msk $0xffff, v2  }
0x305: {  	v4 =	vcvt.f32.s32 v4;
	v3 =	vld [tilespmem:s21+$0x8020];
	_ =	sdelay $0x1  }
0x306: {  	v4 =	vadd.s32 v1, v4;
	_ =	sdelay $0x1  }
0x307: {  	[tilespmem:v5+s18+$0x0] =	vst.idx.add.f32.msk $0xffff, v2  }
0x308: {  	v5 =	vld [tilespmem:s28+$0x8010];
	v3 =	vmul.f32 $2.550000000e+02, v3;
	_ =	sdelay $0x1  }
0x309: {  	s1 =	simm.s32 $0x180;
	s4 =	simm.s32 $0xC00;
	[tilespmem:v4+s18+$0x0] =	vst.idx.add.f32.msk $0xffff, v2;
	v3 =	vtrunc.f32 v3  }
0x30a: {  	s5 =	simm.s32 $0x60;
	s0 =	sand.u32 $0x7000, s1;
	s1 =	sand.u32 $0xC00, s4;
	v4 =	vld [tilespmem:s26+$0x8020];
	v3 =	vcvt.f32.s32 v3  }
0x30b: {  	s4 =	sand.u32 $0x380, s5;
	s0 =	sor.u32 s1, s0  }
0x30c: {  	s29 =	sor.u32 s4, s0;
	v5 =	vmul.f32 $2.550000000e+02, v5;
	v3 =	vadd.s32 v1, v3  }
0x30d: {  	v6 =	vld [tilespmem:s29+$0x8000]  }
0x30e: {  	v5 =	vtrunc.f32 v5  }
0x30f: {  	v5 =	vcvt.f32.s32 v5;
	v4 =	vmul.f32 $2.550000000e+02, v4;
	_ =	sdelay $0x1  }
0x310: {  	s9 =	simm.s32 $0x1000;
	s8 =	simm.s32 $0x200;
	v5 =	vadd.s32 v1, v5;
	v4 =	vtrunc.f32 v4;
	[tilespmem:v3+s18+$0x0] =	vst.idx.add.f32.msk $0xffff, v2  }
0x311: {  	s20 =	simm.s32 $0x80;
	s1 =	sand.u32 $0xC00, s9;
	s0 =	sand.u32 $0x7000, s8;
	v4 =	vcvt.f32.s32 v4;
	v3 =	vmul.f32 $2.550000000e+02, v6;
	v6 =	vld [tilespmem:s21+$0x8030]  }
0x312: {  	s4 =	sand.u32 $0x380, s20;
	s0 =	sor.u32 s1, s0  }
0x313: {  	s30 =	sor.u32 s4, s0;
	v4 =	vadd.s32 v1, v4;
	v3 =	vtrunc.f32 v3  }
0x314: {  	v7 =	vld [tilespmem:s30+$0x8000];
	v3 =	vcvt.f32.s32 v3  }
0x315: {  	[tilespmem:v5+s18+$0x0] =	vst.idx.add.f32.msk $0xffff, v2  }
0x316: {  	v5 =	vld [tilespmem:s28+$0x8020];
	v3 =	vadd.s32 v1, v3;
	v6 =	vmul.f32 $2.550000000e+02, v6;
	_ =	sdelay $0x1  }
0x317: {  	[tilespmem:v4+s18+$0x0] =	vst.idx.add.f32.msk $0xffff, v2;
	v6 =	vtrunc.f32 v6  }
0x318: {  	v4 =	vmul.f32 $2.550000000e+02, v7;
	v7 =	vld [tilespmem:s26+$0x8030];
	v6 =	vcvt.f32.s32 v6;
	_ =	sdelay $0x1  }
0x319: {  	s1 =	simm.s32 $0x280;
	s4 =	simm.s32 $0x1400;
	v5 =	vmul.f32 $2.550000000e+02, v5;
	[tilespmem:v3+s18+$0x0] =	vst.idx.add.f32.msk $0xffff, v2;
	v6 =	vadd.s32 v1, v6  }
0x31a: {  	s5 =	simm.s32 $0xA0;
	s0 =	sand.u32 $0x7000, s1;
	s1 =	sand.u32 $0xC00, s4;
	v3 =	vld [tilespmem:s29+$0x8010]  }
0x31b: {  	s4 =	sand.u32 $0x380, s5;
	s0 =	sor.u32 s1, s0;
	v5 =	vtrunc.f32 v5  }
0x31c: {  	s31 =	sor.u32 s4, s0;
	v5 =	vcvt.f32.s32 v5;
	v7 =	vmul.f32 $2.550000000e+02, v7  }
0x31d: {  	v8 =	vld [tilespmem:s31+$0x8000];
	v4 =	vtrunc.f32 v4  }
0x31e: {  	v5 =	vadd.s32 v1, v5;
	v4 =	vcvt.f32.s32 v4;
	v7 =	vtrunc.f32 v7;
	[tilespmem:v6+s18+$0x0] =	vst.idx.add.f32.msk $0xffff, v2  }
0x31f: {  	v7 =	vcvt.f32.s32 v7;
	v3 =	vmul.f32 $2.550000000e+02, v3;
	v6 =	vld [tilespmem:s21+$0x8040]  }
0x320: {  	v4 =	vadd.s32 v1, v4  }
0x321: {  	v7 =	vadd.s32 v1, v7;
	v3 =	vtrunc.f32 v3  }
0x322: {  	v3 =	vcvt.f32.s32 v3  }
0x323: {  	[tilespmem:v5+s18+$0x0] =	vst.idx.add.f32.msk $0xffff, v2  }
0x324: {  	v5 =	vmul.f32 $2.550000000e+02, v8;
	v8 =	vld [tilespmem:s28+$0x8030];
	v3 =	vadd.s32 v1, v3;
	v6 =	vmul.f32 $2.550000000e+02, v6  }
0x325: {  	[tilespmem:v4+s18+$0x0] =	vst.idx.add.f32.msk $0xffff, v2  }
0x326: {  	[tilespmem:v7+s18+$0x0] =	vst.idx.add.f32.msk $0xffff, v2;
	v4 =	vtrunc.f32 v6  }
0x327: {  	v6 =	vld [tilespmem:s30+$0x8010];
	v4 =	vcvt.f32.s32 v4  }
0x328: {  	v5 =	vtrunc.f32 v5;
	v7 =	vld [tilespmem:s26+$0x8040]  }
0x329: {  	v5 =	vcvt.f32.s32 v5;
	[tilespmem:v3+s18+$0x0] =	vst.idx.add.f32.msk $0xffff, v2;
	v4 =	vadd.s32 v1, v4  }
0x32a: {  	v8 =	vmul.f32 $2.550000000e+02, v8;
	v3 =	vld [tilespmem:s29+$0x8020]  }
0x32b: {  	v5 =	vadd.s32 v1, v5  }
0x32c: {  	v8 =	vtrunc.f32 v8;
	v6 =	vmul.f32 $2.550000000e+02, v6  }
0x32d: {  	v8 =	vcvt.f32.s32 v8  }
0x32e: {  	v7 =	vmul.f32 $2.550000000e+02, v7;
	[tilespmem:v4+s18+$0x0] =	vst.idx.add.f32.msk $0xffff, v2;
	v4 =	vtrunc.f32 v6  }
0x32f: {  	v3 =	vmul.f32 $2.550000000e+02, v3;
	v6 =	vld [tilespmem:s21+$0x8050];
	v4 =	vcvt.f32.s32 v4  }
0x330: {  	s9 =	simm.s32 $0x1800;
	s8 =	simm.s32 $0x300;
	[tilespmem:v5+s18+$0x0] =	vst.idx.add.f32.msk $0xffff, v2;
	v8 =	vadd.s32 v1, v8;
	v5 =	vtrunc.f32 v7  }
0x331: {  	s20 =	simm.s32 $0xC0;
	s1 =	sand.u32 $0xC00, s9;
	s0 =	sand.u32 $0x7000, s8;
	v5 =	vcvt.f32.s32 v5;
	v3 =	vtrunc.f32 v3;
	v4 =	vadd.s32 v1, v4  }
0x332: {  	s4 =	sand.u32 $0x380, s20;
	s0 =	sor.u32 s1, s0;
	v3 =	vcvt.f32.s32 v3  }
0x333: {  	s0 =	sor.u32 s4, s0;
	v7 =	vld [tilespmem:s31+$0x8010];
	v5 =	vadd.s32 v1, v5  }
0x334: {  	v9 =	vld [tilespmem:s0+$0x8000];
	v3 =	vadd.s32 v1, v3;
	v6 =	vmul.f32 $2.550000000e+02, v6  }
0x335: {  	[tilespmem:v8+s18+$0x0] =	vst.idx.add.f32.msk $0xffff, v2  }
0x336: {  	[tilespmem:v4+s18+$0x0] =	vst.idx.add.f32.msk $0xffff, v2;
	v4 =	vtrunc.f32 v6  }
0x337: {  	v6 =	vld [tilespmem:s30+$0x8020];
	v4 =	vcvt.f32.s32 v4  }
0x338: {  	v7 =	vmul.f32 $2.550000000e+02, v7;
	[tilespmem:v5+s18+$0x0] =	vst.idx.add.f32.msk $0xffff, v2  }
0x339: {  	[tilespmem:v3+s18+$0x0] =	vst.idx.add.f32.msk $0xffff, v2;
	v3 =	vmul.f32 $2.550000000e+02, v9;
	v4 =	vadd.s32 v1, v4  }
0x33a: {  	v5 =	vtrunc.f32 v7;
	v9 =	vld [tilespmem:s29+$0x8030]  }
0x33b: {  	v8 =	vld [tilespmem:s28+$0x8040];
	v5 =	vcvt.f32.s32 v5;
	v3 =	vtrunc.f32 v3  }
0x33c: {  	v7 =	vld [tilespmem:s26+$0x8050];
	v3 =	vcvt.f32.s32 v3;
	v6 =	vmul.f32 $2.550000000e+02, v6  }
0x33d: {  	s5 =	simm.s32 $0x380;
	s8 =	simm.s32 $0x1C00;
	v5 =	vadd.s32 v1, v5  }
0x33e: {  	s9 =	simm.s32 $0xE0;
	s1 =	sand.u32 $0x7000, s5;
	s4 =	sand.u32 $0xC00, s8;
	v3 =	vadd.s32 v1, v3;
	[tilespmem:v4+s18+$0x0] =	vst.idx.add.f32.msk $0xffff, v2;
	v4 =	vtrunc.f32 v6  }
0x33f: {  	s5 =	sand.u32 $0x380, s9;
	s1 =	sor.u32 s4, s1;
	v6 =	vmul.f32 $2.550000000e+02, v9;
	v9 =	vld [tilespmem:s21+$0x8060];
	v4 =	vcvt.f32.s32 v4  }
0x340: {  	s1 =	sor.u32 s5, s1;
	v8 =	vmul.f32 $2.550000000e+02, v8  }
0x341: {  	v10 =	vld [tilespmem:s1+$0x8000];
	v7 =	vmul.f32 $2.550000000e+02, v7;
	v6 =	vtrunc.f32 v6;
	v4 =	vadd.s32 v1, v4  }
0x342: {  	[tilespmem:v5+s18+$0x0] =	vst.idx.add.f32.msk $0xffff, v2;
	v6 =	vcvt.f32.s32 v6  }
0x343: {  	v5 =	vtrunc.f32 v7;
	[tilespmem:v3+s18+$0x0] =	vst.idx.add.f32.msk $0xffff, v2;
	v3 =	vtrunc.f32 v8  }
0x344: {  	v8 =	vld [tilespmem:s0+$0x8010];
	v6 =	vadd.s32 v1, v6;
	v3 =	vcvt.f32.s32 v3;
	v7 =	vmul.f32 $2.550000000e+02, v9  }
0x345: {  	v5 =	vcvt.f32.s32 v5;
	v9 =	vld [tilespmem:s31+$0x8020]  }
0x346: {  	v3 =	vadd.s32 v1, v3;
	[tilespmem:v4+s18+$0x0] =	vst.idx.add.f32.msk $0xffff, v2;
	v4 =	vtrunc.f32 v7  }
0x347: {  	v5 =	vadd.s32 v1, v5;
	v4 =	vcvt.f32.s32 v4  }
0x348: {  	v10 =	vmul.f32 $2.550000000e+02, v10;
	v7 =	vld [tilespmem:s30+$0x8030]  }
0x349: {  	[tilespmem:v6+s18+$0x0] =	vst.idx.add.f32.msk $0xffff, v2;
	v8 =	vmul.f32 $2.550000000e+02, v8;
	v4 =	vadd.s32 v1, v4  }
0x34a: {  	v10 =	vtrunc.f32 v10;
	v6 =	vld [tilespmem:s29+$0x8040];
	v9 =	vmul.f32 $2.550000000e+02, v9  }
0x34b: {  	[tilespmem:v3+s18+$0x0] =	vst.idx.add.f32.msk $0xffff, v2;
	v3 =	vcvt.f32.s32 v10;
	v8 =	vtrunc.f32 v8  }
0x34c: {  	[tilespmem:v5+s18+$0x0] =	vst.idx.add.f32.msk $0xffff, v2;
	v5 =	vcvt.f32.s32 v8  }
0x34d: {  	s20 =	simm.s32 $0x400;
	s4 =	simm.s32 $0x2000;
	v10 =	vld [tilespmem:s28+$0x8050];
	v9 =	vtrunc.f32 v9;
	v3 =	vadd.s32 v1, v3  }
0x34e: {  	s9 =	simm.s32 $0x100;
	s5 =	sand.u32 $0x7000, s20;
	s8 =	sand.u32 $0xC00, s4;
	v7 =	vmul.f32 $2.550000000e+02, v7;
	[tilespmem:v4+s18+$0x0] =	vst.idx.add.f32.msk $0xffff, v2;
	v4 =	vadd.s32 v1, v5;
	v5 =	vcvt.f32.s32 v9  }
0x34f: {  	s9 =	sand.u32 $0x380, s9;
	s5 =	sor.u32 s8, s5;
	v8 =	vld [tilespmem:s26+$0x8060]  }
0x350: {  	s20 =	sor.u32 s9, s5;
	v7 =	vtrunc.f32 v7;
	v6 =	vmul.f32 $2.550000000e+02, v6;
	v11 =	vld [tilespmem:s21+$0x8070];
	v5 =	vadd.s32 v1, v5  }
0x351: {  	v12 =	vld [tilespmem:s20+$0x8000];
	v7 =	vcvt.f32.s32 v7  }
0x352: {  	[tilespmem:v3+s18+$0x0] =	vst.idx.add.f32.msk $0xffff, v2;
	v3 =	vtrunc.f32 v6;
	v6 =	vmul.f32 $2.550000000e+02, v10  }
0x353: {  	v7 =	vadd.s32 v1, v7;
	v10 =	vld [tilespmem:s1+$0x8010];
	v3 =	vcvt.f32.s32 v3  }
0x354: {  	[tilespmem:v4+s18+$0x0] =	vst.idx.add.f32.msk $0xffff, v2;
	v4 =	vmul.f32 $2.550000000e+02, v8;
	v6 =	vtrunc.f32 v6  }
0x355: {  	v3 =	vadd.s32 v1, v3;
	v11 =	vmul.f32 $2.550000000e+02, v11;
	[tilespmem:v5+s18+$0x0] =	vst.idx.add.f32.msk $0xffff, v2;
	v5 =	vcvt.f32.s32 v6  }
0x356: {  	v9 =	vld [tilespmem:s0+$0x8020];
	v4 =	vtrunc.f32 v4  }
0x357: {  	v8 =	vld [tilespmem:s31+$0x8030];
	v4 =	vcvt.f32.s32 v4;
	v6 =	vtrunc.f32 v11;
	v5 =	vadd.s32 v1, v5  }
0x358: {  	v11 =	vmul.f32 $2.550000000e+02, v12;
	[tilespmem:v7+s18+$0x0] =	vst.idx.add.f32.msk $0xffff, v2;
	v6 =	vcvt.f32.s32 v6  }
0x359: {  	v7 =	vld [tilespmem:s30+$0x8040];
	v4 =	vadd.s32 v1, v4  }
0x35a: {  	v10 =	vmul.f32 $2.550000000e+02, v10;
	v11 =	vtrunc.f32 v11;
	[tilespmem:v3+s18+$0x0] =	vst.idx.add.f32.msk $0xffff, v2;
	v3 =	vadd.s32 v1, v6  }
0x35b: {  	s21 =	simm.s32 $0x40;
	v11 =	vcvt.f32.s32 v11;
	v6 =	vld [tilespmem:s29+$0x8050]  }
.LBB2_16:
0x35c: {  	s21 =	sadd.s32 $0x8, s21;
	v10 =	vtrunc.f32 v10;
	v9 =	vmul.f32 $2.550000000e+02, v9;
	[tilespmem:v5+s18+$0x0] =	vst.idx.add.f32.msk $0xffff, v2  }
0x35d: {  	s4 =	sadd.s32 $0x400, s4;
	s5 =	sshll.u32 s21, $0x4;
	p1 =	slt.u32 s21, $0x7F8;
	v5 =	vadd.s32 v1, v11;
	v10 =	vcvt.f32.s32 v10;
	v11 =	vld [tilespmem:s28+$0x8060]  }
0x35e: {  	v8 =	vmul.f32 $2.550000000e+02, v8;
	s8 =	sand.u32 $0xC00, s4;
	s9 =	sshll.u32 s21, $0x2;
	s5 =	sand.u32 $0x7000, s5;
	v9 =	vtrunc.f32 v9;
	[tilespmem:v4+s18+$0x0] =	vst.idx.add.f32.msk $0xffff, v2  }
0x35f: {  	s9 =	sand.u32 $0x380, s9;
	s5 =	sor.u32 s8, s5;
	v4 =	vadd.s32 v1, v10;
	v9 =	vcvt.f32.s32 v9;
	[tilespmem:v3+s18+$0x0] =	vst.idx.add.f32.msk $0xffff, v2  }
0x360: {  	v7 =	vmul.f32 $2.550000000e+02, v7;
	v3 =	vtrunc.f32 v8;
	s5 =	sor.u32 s9, s5;
	v8 =	vld [tilespmem:s26+$0x8070];
	s26 =	smov.u32 s28;
	s28 =	smov.u32 s29  }
0x361: {  	v3 =	vcvt.f32.s32 v3;
	s29 =	smov.u32 s30;
	s30 =	smov.u32 s31;
	s31 =	smov.u32 s0;
	v10 =	vld [tilespmem:s5+$0x8000];
	v12 =	vadd.s32 v1, v9  }
0x362: {  	v6 =	vmul.f32 $2.550000000e+02, v6;
	s0 =	smov.u32 s1;
	s1 =	smov.u32 s20;
	s20 =	smov.u32 s5;
	[tilespmem:v5+s18+$0x0] =	vst.idx.add.f32.msk $0xffff, v2;
	v5 =	vtrunc.f32 v7  }
0x363: {  	v3 =	vadd.s32 v1, v3;
	v13 =	vld [tilespmem:s1+$0x8010];
	v5 =	vcvt.f32.s32 v5  }
0x364: {  	[tilespmem:v4+s18+$0x0] =	vst.idx.add.f32.msk $0xffff, v2;
	v4 =	vtrunc.f32 v6;
	v6 =	vmul.f32 $2.550000000e+02, v11  }
0x365: {  	v9 =	vld [tilespmem:s0+$0x8020];
	v11 =	vadd.s32 v1, v5;
	v4 =	vcvt.f32.s32 v4;
	v7 =	vmul.f32 $2.550000000e+02, v8  }
0x366: {  	[tilespmem:v12+s18+$0x0] =	vst.idx.add.f32.msk $0xffff, v2;
	v6 =	vtrunc.f32 v6  }
.Ltmp9:
0x367: {  	v8 =	vld [tilespmem:s31+$0x8030];
	v5 =	vadd.s32 v1, v4;
	v4 =	vcvt.f32.s32 v6;
	v6 =	vtrunc.f32 v7;
	(pc) =	sbr.rel @p1 .LBB2_16-.Ltmp9, $4  }
0x368: {  	v10 =	vmul.f32 $2.550000000e+02, v10;
	[tilespmem:v3+s18+$0x0] =	vst.idx.add.f32.msk $0xffff, v2;
	v3 =	vcvt.f32.s32 v6  }
0x369: {  	v7 =	vld [tilespmem:s30+$0x8040];
	v4 =	vadd.s32 v1, v4  }
0x36a: {  	v6 =	vtrunc.f32 v10;
	v10 =	vmul.f32 $2.550000000e+02, v13;
	[tilespmem:v11+s18+$0x0] =	vst.idx.add.f32.msk $0xffff, v2;
	v3 =	vadd.s32 v1, v3  }
0x36b: {  	v11 =	vcvt.f32.s32 v6;
	v6 =	vld [tilespmem:s29+$0x8050]  }
0x36c: {  	_ = 	snop  }
0x36d: {  	v11 =	vadd.s32 v1, v11;
	_ =	sdelay $0x4  }
0x36e: {  	[tilespmem:v11+s18+$0x0] =	vst.idx.add.f32.msk $0xffff, v2  }
0x36f: {  	v11 =	vld [tilespmem:s20+$0x8010];
	_ =	sdelay $0x3  }
0x370: {  	v10 =	vtrunc.f32 v10  }
0x371: {  	v10 =	vcvt.f32.s32 v10;
	v11 =	vmul.f32 $2.550000000e+02, v11;
	_ =	sdelay $0x1  }
0x372: {  	v10 =	vadd.s32 v1, v10;
	v11 =	vtrunc.f32 v11  }
0x373: {  	v11 =	vcvt.f32.s32 v11;
	_ =	sdelay $0x1  }
0x374: {  	v11 =	vadd.s32 v1, v11;
	_ =	sdelay $0x1  }
0x375: {  	[tilespmem:v10+s18+$0x0] =	vst.idx.add.f32.msk $0xffff, v2  }
0x376: {  	v10 =	vld [tilespmem:s1+$0x8020];
	_ =	sdelay $0x1  }
0x377: {  	[tilespmem:v11+s18+$0x0] =	vst.idx.add.f32.msk $0xffff, v2  }
0x378: {  	v9 =	vmul.f32 $2.550000000e+02, v9;
	v11 =	vld [tilespmem:s20+$0x8020];
	_ =	sdelay $0x1  }
0x379: {  	v9 =	vtrunc.f32 v9;
	v10 =	vmul.f32 $2.550000000e+02, v10  }
0x37a: {  	v9 =	vcvt.f32.s32 v9  }
0x37b: {  	v10 =	vtrunc.f32 v10  }
0x37c: {  	v9 =	vadd.s32 v1, v9;
	v10 =	vcvt.f32.s32 v10;
	v11 =	vmul.f32 $2.550000000e+02, v11;
	_ =	sdelay $0x1  }
0x37d: {  	v10 =	vadd.s32 v1, v10;
	v11 =	vtrunc.f32 v11  }
0x37e: {  	v11 =	vcvt.f32.s32 v11;
	_ =	sdelay $0x1  }
0x37f: {  	v8 =	vmul.f32 $2.550000000e+02, v8;
	[tilespmem:v9+s18+$0x0] =	vst.idx.add.f32.msk $0xffff, v2;
	v11 =	vadd.s32 v1, v11  }
0x380: {  	v9 =	vld [tilespmem:s0+$0x8030]  }
0x381: {  	v8 =	vtrunc.f32 v8;
	[tilespmem:v10+s18+$0x0] =	vst.idx.add.f32.msk $0xffff, v2  }
0x382: {  	v8 =	vcvt.f32.s32 v8;
	v10 =	vld [tilespmem:s1+$0x8030];
	_ =	sdelay $0x1  }
0x383: {  	v8 =	vadd.s32 v1, v8;
	[tilespmem:v11+s18+$0x0] =	vst.idx.add.f32.msk $0xffff, v2  }
0x384: {  	v9 =	vmul.f32 $2.550000000e+02, v9;
	v11 =	vld [tilespmem:s20+$0x8030];
	_ =	sdelay $0x1  }
0x385: {  	v9 =	vtrunc.f32 v9;
	v10 =	vmul.f32 $2.550000000e+02, v10  }
0x386: {  	v9 =	vcvt.f32.s32 v9  }
0x387: {  	[tilespmem:v8+s18+$0x0] =	vst.idx.add.f32.msk $0xffff, v2;
	v10 =	vtrunc.f32 v10  }
0x388: {  	v8 =	vld [tilespmem:s31+$0x8040];
	v9 =	vadd.s32 v1, v9;
	v10 =	vcvt.f32.s32 v10;
	v11 =	vmul.f32 $2.550000000e+02, v11;
	_ =	sdelay $0x1  }
0x389: {  	v10 =	vadd.s32 v1, v10;
	v11 =	vtrunc.f32 v11  }
0x38a: {  	v11 =	vcvt.f32.s32 v11;
	_ =	sdelay $0x1  }
0x38b: {  	v8 =	vmul.f32 $2.550000000e+02, v8;
	[tilespmem:v9+s18+$0x0] =	vst.idx.add.f32.msk $0xffff, v2;
	v11 =	vadd.s32 v1, v11  }
0x38c: {  	v9 =	vld [tilespmem:s0+$0x8040]  }
0x38d: {  	v8 =	vtrunc.f32 v8;
	[tilespmem:v10+s18+$0x0] =	vst.idx.add.f32.msk $0xffff, v2  }
0x38e: {  	v8 =	vcvt.f32.s32 v8;
	v10 =	vld [tilespmem:s1+$0x8040]  }
0x38f: {  	v7 =	vmul.f32 $2.550000000e+02, v7  }
0x390: {  	v8 =	vadd.s32 v1, v8;
	[tilespmem:v11+s18+$0x0] =	vst.idx.add.f32.msk $0xffff, v2  }
0x391: {  	v7 =	vtrunc.f32 v7;
	v9 =	vmul.f32 $2.550000000e+02, v9;
	v11 =	vld [tilespmem:s20+$0x8040]  }
0x392: {  	v7 =	vcvt.f32.s32 v7  }
0x393: {  	v9 =	vtrunc.f32 v9;
	v10 =	vmul.f32 $2.550000000e+02, v10  }
0x394: {  	v7 =	vadd.s32 v1, v7;
	v9 =	vcvt.f32.s32 v9  }
0x395: {  	[tilespmem:v8+s18+$0x0] =	vst.idx.add.f32.msk $0xffff, v2;
	v10 =	vtrunc.f32 v10  }
0x396: {  	v8 =	vld [tilespmem:s31+$0x8050];
	v9 =	vadd.s32 v1, v9;
	v10 =	vcvt.f32.s32 v10;
	v11 =	vmul.f32 $2.550000000e+02, v11;
	_ =	sdelay $0x1  }
0x397: {  	v10 =	vadd.s32 v1, v10;
	v28 =	vtrunc.f32 v11  }
0x398: {  	[tilespmem:v7+s18+$0x0] =	vst.idx.add.f32.msk $0xffff, v2;
	v7 =	vcvt.f32.s32 v28  }
0x399: {  	v6 =	vmul.f32 $2.550000000e+02, v6;
	v29 =	vld [tilespmem:s30+$0x8050]  }
0x39a: {  	v8 =	vmul.f32 $2.550000000e+02, v8;
	[tilespmem:v9+s18+$0x0] =	vst.idx.add.f32.msk $0xffff, v2;
	v7 =	vadd.s32 v1, v7  }
0x39b: {  	v6 =	vtrunc.f32 v6;
	v9 =	vld [tilespmem:s0+$0x8050]  }
0x39c: {  	v6 =	vcvt.f32.s32 v6;
	v8 =	vtrunc.f32 v8;
	[tilespmem:v10+s18+$0x0] =	vst.idx.add.f32.msk $0xffff, v2  }
0x39d: {  	v8 =	vcvt.f32.s32 v8;
	v10 =	vld [tilespmem:s1+$0x8050]  }
0x39e: {  	v6 =	vadd.s32 v1, v6;
	v11 =	vmul.f32 $2.550000000e+02, v29  }
0x39f: {  	v8 =	vadd.s32 v1, v8;
	[tilespmem:v7+s18+$0x0] =	vst.idx.add.f32.msk $0xffff, v2  }
0x3a0: {  	v9 =	vmul.f32 $2.550000000e+02, v9;
	v11 =	vtrunc.f32 v11;
	v31 =	vld [tilespmem:s20+$0x8050]  }
0x3a1: {  	[tilespmem:v5+s18+$0x0] =	vst.idx.add.f32.msk $0xffff, v2;
	v30 =	vcvt.f32.s32 v11  }
0x3a2: {  	v34 =	vld [tilespmem:s28+$0x8060];
	v32 =	vtrunc.f32 v9;
	v33 =	vmul.f32 $2.550000000e+02, v10  }
0x3a3: {  	[tilespmem:v6+s18+$0x0] =	vst.idx.add.f32.msk $0xffff, v2;
	v5 =	vcvt.f32.s32 v32;
	v7 =	vadd.s32 v1, v30  }
0x3a4: {  	[tilespmem:v8+s18+$0x0] =	vst.idx.add.f32.msk $0xffff, v2;
	v35 =	vtrunc.f32 v33  }
0x3a5: {  	v8 =	vld [tilespmem:s31+$0x8060];
	v5 =	vadd.s32 v1, v5;
	v6 =	vcvt.f32.s32 v35;
	v36 =	vmul.f32 $2.550000000e+02, v31  }
0x3a6: {  	v37 =	vld [tilespmem:s29+$0x8060]  }
0x3a7: {  	[tilespmem:v4+s18+$0x0] =	vst.idx.add.f32.msk $0xffff, v2;
	v6 =	vadd.s32 v1, v6;
	v38 =	vtrunc.f32 v36  }
0x3a8: {  	[tilespmem:v7+s18+$0x0] =	vst.idx.add.f32.msk $0xffff, v2;
	v7 =	vcvt.f32.s32 v38  }
0x3a9: {  	v10 =	vmul.f32 $2.550000000e+02, v34;
	v39 =	vld [tilespmem:s30+$0x8060]  }
0x3aa: {  	v8 =	vmul.f32 $2.550000000e+02, v8;
	[tilespmem:v5+s18+$0x0] =	vst.idx.add.f32.msk $0xffff, v2;
	v7 =	vadd.s32 v1, v7  }
0x3ab: {  	v41 =	vld [tilespmem:s0+$0x8060];
	v10 =	vtrunc.f32 v10;
	v11 =	vmul.f32 $2.550000000e+02, v37  }
0x3ac: {  	v46 =	vtrunc.f32 v8;
	v40 =	vcvt.f32.s32 v10;
	[tilespmem:v6+s18+$0x0] =	vst.idx.add.f32.msk $0xffff, v2  }
0x3ad: {  	v4 =	vcvt.f32.s32 v46;
	v11 =	vtrunc.f32 v11;
	v43 =	vld [tilespmem:s1+$0x8060]  }
0x3ae: {  	v5 =	vadd.s32 v1, v40;
	v42 =	vcvt.f32.s32 v11;
	v9 =	vmul.f32 $2.550000000e+02, v39  }
0x3af: {  	v4 =	vadd.s32 v1, v4;
	[tilespmem:v7+s18+$0x0] =	vst.idx.add.f32.msk $0xffff, v2  }
0x3b0: {  	v47 =	vmul.f32 $2.550000000e+02, v41;
	v6 =	vadd.s32 v1, v42;
	v9 =	vtrunc.f32 v9;
	v45 =	vld [tilespmem:s20+$0x8060]  }
0x3b1: {  	v44 =	vcvt.f32.s32 v9  }
0x3b2: {  	v48 =	vld [tilespmem:s26+$0x8070];
	v49 =	vtrunc.f32 v47;
	v50 =	vmul.f32 $2.550000000e+02, v43  }
0x3b3: {  	[tilespmem:v5+s18+$0x0] =	vst.idx.add.f32.msk $0xffff, v2;
	v5 =	vcvt.f32.s32 v49;
	v7 =	vadd.s32 v1, v44  }
0x3b4: {  	[tilespmem:v4+s18+$0x0] =	vst.idx.add.f32.msk $0xffff, v2;
	v52 =	vtrunc.f32 v50  }
0x3b5: {  	v5 =	vadd.s32 v1, v5;
	[tilespmem:v6+s18+$0x0] =	vst.idx.add.f32.msk $0xffff, v2;
	v6 =	vcvt.f32.s32 v52;
	v53 =	vmul.f32 $2.550000000e+02, v45  }
0x3b6: {  	v4 =	vld [tilespmem:s31+$0x8070]  }
0x3b7: {  	v51 =	vld [tilespmem:s28+$0x8070];
	v6 =	vadd.s32 v1, v6;
	v55 =	vtrunc.f32 v53  }
0x3b8: {  	[tilespmem:v7+s18+$0x0] =	vst.idx.add.f32.msk $0xffff, v2;
	v7 =	vcvt.f32.s32 v55  }
0x3b9: {  	v54 =	vld [tilespmem:s29+$0x8070]  }
0x3ba: {  	[tilespmem:v5+s18+$0x0] =	vst.idx.add.f32.msk $0xffff, v2;
	v7 =	vadd.s32 v1, v7  }
0x3bb: {  	v4 =	vmul.f32 $2.550000000e+02, v4;
	v10 =	vmul.f32 $2.550000000e+02, v48;
	v5 =	vld [tilespmem:s0+$0x8070]  }
0x3bc: {  	[tilespmem:v6+s18+$0x0] =	vst.idx.add.f32.msk $0xffff, v2  }
0x3bd: {  	v4 =	vtrunc.f32 v4;
	v10 =	vtrunc.f32 v10;
	v58 =	vld [tilespmem:s1+$0x8070]  }
0x3be: {  	v4 =	vcvt.f32.s32 v4;
	v11 =	vmul.f32 $2.550000000e+02, v51;
	v56 =	vld [tilespmem:s30+$0x8070]  }
0x3bf: {  	v57 =	vcvt.f32.s32 v10;
	v9 =	vmul.f32 $2.550000000e+02, v54;
	[tilespmem:v7+s18+$0x0] =	vst.idx.add.f32.msk $0xffff, v2  }
0x3c0: {  	v11 =	vtrunc.f32 v11;
	v5 =	vmul.f32 $2.550000000e+02, v5;
	v60 =	vld [tilespmem:s20+$0x8070]  }
0x3c1: {  	v59 =	vcvt.f32.s32 v11;
	v9 =	vtrunc.f32 v9  }
0x3c2: {  	v5 =	vtrunc.f32 v5;
	v10 =	vmul.f32 $2.550000000e+02, v58  }
0x3c3: {  	[tilespmem:v3+s18+$0x0] =	vst.idx.add.f32.msk $0xffff, v2;
	v3 =	vadd.s32 v1, v4;
	v9 =	vcvt.f32.s32 v9;
	v5 =	vcvt.f32.s32 v5  }
0x3c4: {  	v6 =	vadd.s32 v1, v57;
	v10 =	vtrunc.f32 v10;
	v8 =	vmul.f32 $2.550000000e+02, v56  }
0x3c5: {  	v9 =	vadd.s32 v1, v9;
	v61 =	vcvt.f32.s32 v10;
	v11 =	vmul.f32 $2.550000000e+02, v60  }
0x3c6: {  	v5 =	vadd.s32 v1, v5;
	v8 =	vtrunc.f32 v8  }
0x3c7: {  	v4 =	vadd.s32 v1, v61;
	v8 =	vcvt.f32.s32 v8;
	v62 =	vtrunc.f32 v11  }
0x3c8: {  	[tilespmem:v3+s18+$0x0] =	vst.idx.add.f32.msk $0xffff, v2;
	v7 =	vadd.s32 v1, v59;
	v63 =	vcvt.f32.s32 v62  }
0x3c9: {  	[tilespmem:v6+s18+$0x0] =	vst.idx.add.f32.msk $0xffff, v2;
	v8 =	vadd.s32 v1, v8  }
0x3ca: {  	[tilespmem:v9+s18+$0x0] =	vst.idx.add.f32.msk $0xffff, v2;
	v6 =	vadd.s32 v1, v63  }
.Ltmp10:
0x3cb: {  	[tilespmem:v5+s18+$0x0] =	vst.idx.add.f32.msk $0xffff, v2;
	(pc) =	sbr.rel @p0 .LBB2_19-.Ltmp10, $4  }
0x3cc: {  	[tilespmem:v4+s18+$0x0] =	vst.idx.add.f32.msk $0xffff, v2  }
0x3cd: {  	[tilespmem:v7+s18+$0x0] =	vst.idx.add.f32.msk $0xffff, v2  }
0x3ce: {  	[tilespmem:v8+s18+$0x0] =	vst.idx.add.f32.msk $0xffff, v2  }
0x3cf: {  	[tilespmem:v6+s18+$0x0] =	vst.idx.add.f32.msk $0xffff, v2  }
.Ltmp11:
0x3d0: {  	(pc) =	sbr.rel .LBB2_13-.Ltmp11, $4  }
0x3d1: {  	s0 =	sadd.s32 s25, s12  }
0x3d2: {  	s0 =	sshrl.u32 s0, $0x3  }
0x3d3: {  	s24 =	sadd.s32 $0x1, s24;
	s0 =	sadd.s32 s2, s0  }
0x3d4: {  	[tilespmem:s16], [sflag:$0x2] =	stream.strided.gather [hbm4b:s0+s15], $0x8000, s16, s15, $0x38;
	[tilespmem:$0x11080] =	vst v63  }
.LBB2_20:
0x3d5: {  	_ =	sfence.sel $0x180000  }
0x3d6: {  	[bflag:$0x0] =	sbarrier.arrive $0xFFFF  }
0x3d7: {  	_ =	strace $0x90000047  }
0x3d8: {  	s0 =	stileid.u32;
	[bflag:$0x2] =	sbarrier.arrive $0xFFFF  }
0x3d9: {  	p0 =	sne.s32 s0, $0x0;
	s0 =	rddreg [dreg:$0x2]  }
0x3da: {  	s0 =	sadd.s32 @!p0 $0x100000, s0  }
0x3db: {  	[sflag:s0] =	ssyncadd.tile.s32 @!p0 $0x1;
	_ =	shalt  }
.Lfunc_end2:
_tile_overlayer_lowered:
.L_overlay_start_2:
0x3dc: {  	(tag) =	ssettag $0x2  }
0x3dd: {  	s0 =	rddreg [dreg:$0x0];
	s2 =	stileid.u32  }
0x3de: {  	s1 =	rddreg [dreg:$0x1];
	p0 =	sne.s32 s2, $0x0  }
0x3df: {  	s3 =	rddreg [dreg:$0x2];
	[bflag:$0x3] =	sbarrier.arrive $0xFFFF;
	s2 =	simm.s32 @!p0 $0x1C03  }
0x3e0: {  	[timem:s3], [sflag:s2] =	dma.local @!p0 [hbm:s0], s1  }
0x3e1: {  	s0 =	simm.s32 @!p0 $0x3  }
0x3e2: {  	_ =	swait.ge @!p0 [sflag:s0], s1  }
0x3e3: {  	s1 =	ssub.s32 @!p0 $0x0, s1;
	[sflag:s0] =	ssyncset.done @!p0 $0x0  }
0x3e4: {  	[sflag:s0] =	ssyncadd.s32 @!p0 s1  }
0x3e5: {  	[bflag:$0x3] =	sbarrier.arrive $0xFFFF  }
0x3e6: {  	_ =	shalt  }

</sc_bundles>
